<compile_context>
chip_gen: v7x
topology: tpu7x:2x2x1
jax: 0.10.2.dev20260603
libtpu: 0.0.44.dev20260713+nightly
codegen_flags: <defaults>
</compile_context>

<pallas_src>
import functools

import jax
import jax.numpy as jnp
from jax import lax
from jax.experimental import pallas as pl
from jax.experimental.pallas import tpu as pltpu
from jax.experimental.pallas import tpu_sc as plsc

NC = 2
NS = 16
LANES = 128
G = 8


def _sc_agg_fn(n_nodes, d, chunks, rows_per_tile):
    r_total = NS * rows_per_tile
    n_groups = chunks // G
    mesh = plsc.VectorSubcoreMesh(
        core_axis_name="c", subcore_axis_name="s", num_cores=NC, num_subcores=NS)

    def _tile_body(h_hbm, src_hbm, dst_hbm, z_hbm, out_hbm, src_v, dst_v,
                   rows_a, rows_b, agg_sh, sem_a, sem_b, sem_i, c, wid, row0):
        pltpu.sync_copy(src_hbm.at[wid, pl.ds(0, G)], src_v.at[0])
        pltpu.sync_copy(dst_hbm.at[wid, pl.ds(0, G)], dst_v.at[0])
        pltpu.sync_copy(z_hbm, rows_a)

        def zbody(k, carry):
            pltpu.sync_copy(rows_a, agg_sh.at[pl.ds(row0 + k * LANES, LANES)])
            return carry
        lax.fori_loop(0, rows_per_tile // LANES, zbody, 0)

        pltpu.async_copy(h_hbm.at[src_v.at[0, 0]], rows_a, sem_a)
        plsc.subcore_barrier()

        def group_body(g, carry):
            gb = g % 2
            nb = (g + 1) % 2

            @pl.when(g + 1 < n_groups)
            def _():
                pltpu.async_copy(
                    src_hbm.at[wid, pl.ds((g + 1) * G, G)], src_v.at[nb], sem_i)
                pltpu.async_copy(
                    dst_hbm.at[wid, pl.ds((g + 1) * G, G)], dst_v.at[nb], sem_i)

            for jj in range(G):
                cur, csem = (rows_a, sem_a) if jj % 2 == 0 else (rows_b, sem_b)
                nxt, nsem = (rows_b, sem_b) if jj % 2 == 0 else (rows_a, sem_a)
                pltpu.make_async_copy(
                    h_hbm.at[src_v.at[gb, jj]], cur, csem).wait()
                if jj + 1 < G:
                    pltpu.async_copy(h_hbm.at[src_v.at[gb, jj + 1]], nxt, nsem)
                else:
                    @pl.when(g + 1 < n_groups)
                    def _():
                        pltpu.make_async_copy(
                            src_hbm.at[wid, pl.ds((g + 1) * G, G)],
                            src_v.at[nb], sem_i).wait()
                        pltpu.make_async_copy(
                            dst_hbm.at[wid, pl.ds((g + 1) * G, G)],
                            dst_v.at[nb], sem_i).wait()
                        pltpu.async_copy(h_hbm.at[src_v.at[nb, 0]], nxt, nsem)
                pltpu.sync_copy(cur, agg_sh.at[dst_v.at[gb, jj]], add=True)
            return carry
        lax.fori_loop(0, n_groups, group_body, 0)

        plsc.subcore_barrier()

        def wbody(k, carry):
            r = row0 + k * LANES
            pltpu.sync_copy(agg_sh.at[pl.ds(r, LANES)], rows_a)
            pltpu.sync_copy(rows_a, out_hbm.at[c, pl.ds(r, LANES)])
            return carry
        lax.fori_loop(0, rows_per_tile // LANES, wbody, 0)

    @functools.partial(
        pl.kernel,
        mesh=mesh,
        out_type=jax.ShapeDtypeStruct((NC, r_total, d), jnp.float32),
        scratch_types=[
            pltpu.VMEM((2, G, LANES), jnp.int32),
            pltpu.VMEM((2, G, LANES), jnp.int32),
            pltpu.VMEM((LANES, d), jnp.float32),
            pltpu.VMEM((LANES, d), jnp.float32),
            pltpu.VMEM_SHARED((r_total, d), jnp.float32),
            pltpu.SemaphoreType.DMA,
            pltpu.SemaphoreType.DMA,
            pltpu.SemaphoreType.DMA,
        ],
    )
    def sc_agg(h_hbm, src_hbm, dst_hbm, z_hbm, out_hbm,
               src_v, dst_v, rows_a, rows_b, agg_sh, sem_a, sem_b, sem_i):
        c = lax.axis_index("c")
        s = lax.axis_index("s")
        _tile_body(h_hbm, src_hbm, dst_hbm, z_hbm, out_hbm, src_v, dst_v,
                   rows_a, rows_b, agg_sh, sem_a, sem_b, sem_i,
                   c, s * NC + c, s * rows_per_tile)

    return sc_agg


def _mlp_body(h_ref, agg_ref, wa_ref, ba_ref, wb_ref, bb_ref, out_ref):
    z = h_ref[...] + agg_ref[0] + agg_ref[1]
    a = jnp.dot(z, wa_ref[...], preferred_element_type=jnp.float32)
    a = jnp.maximum(a + ba_ref[...], 0.0)
    o = jnp.dot(a, wb_ref[...], preferred_element_type=jnp.float32)
    out_ref[...] = jnp.maximum(o + bb_ref[...], 0.0)


def _mlp(h, agg, wat, ba, wbt, bb, block_rows):
    n, d = h.shape
    grid = n // block_rows
    return pl.pallas_call(
        _mlp_body,
        grid=(grid,),
        in_specs=[
            pl.BlockSpec((block_rows, d), lambda i: (i, 0)),
            pl.BlockSpec((NC, block_rows, d), lambda i: (0, i, 0)),
            pl.BlockSpec((d, d), lambda i: (0, 0)),
            pl.BlockSpec((1, d), lambda i: (0, 0)),
            pl.BlockSpec((d, d), lambda i: (0, 0)),
            pl.BlockSpec((1, d), lambda i: (0, 0)),
        ],
        out_specs=pl.BlockSpec((block_rows, d), lambda i: (i, 0)),
        out_shape=jax.ShapeDtypeStruct((n, d), jnp.float32),
    )(h, agg, wat, ba, wbt, bb)


def kernel(node_features, edge_index, edge_attr,
           W1a, b1a, W1b, b1b, W2a, b2a, W2b, b2b):
    n, d = node_features.shape
    e = edge_index.shape[1]

    per = NC * NS * LANES
    chunks = -(-(-(-e // per)) // G) * G
    e_pad = chunks * per
    rows_per_tile = -(-(n + 1) // (NS * LANES)) * LANES
    r_total = NS * rows_per_tile

    pad = e_pad - e
    src_f = jnp.concatenate([edge_index[0], jnp.zeros((pad,), jnp.int32)])
    dst_pad = n + jnp.arange(pad, dtype=jnp.int32) % max(r_total - n, 1)
    dst_f = jnp.concatenate([edge_index[1], dst_pad])
    order = jnp.argsort(src_f)
    src = src_f[order].reshape(NC * NS, chunks, LANES)
    dst = dst_f[order].reshape(NC * NS, chunks, LANES)
    zeros = jnp.zeros((LANES, d), jnp.float32)

    sc_agg = _sc_agg_fn(n, d, chunks, rows_per_tile)

    block_rows = 1000 if n % 1000 == 0 else 8
    ba, bb1 = b1a.reshape(1, d), b1b.reshape(1, d)
    agg1 = sc_agg(node_features, src, dst, zeros)
    h1 = _mlp(node_features, agg1, W1a.T, ba, W1b.T, bb1, block_rows)
    agg2 = sc_agg(h1, src, dst, zeros)
    h2 = _mlp(h1, agg2, W2a.T, b2a.reshape(1, d), W2b.T, b2b.reshape(1, d),
              block_rows)
    return h2

# --- scband reference (transcript-rebuilt; emitter-appended) ---
"""Pipeline reference for scband-gnn-76785425317992 (READ-ONLY COPY).

The authoritative reference and input builder live on the scoring server;
editing this copy changes nothing except your own understanding.
"""

import jax, jax.numpy as jnp
import numpy as np

N_NODES = 10000
N_EDGES = 320000
D = 128

def setup_inputs(seed: int = 0) -> dict:
    key = jax.random.key(seed)
    ks = jax.random.split(key, 12)
    x = jax.random.normal(ks[0], (N_NODES, D), dtype=jnp.float32)
    edge_index = jax.random.randint(ks[1], (2, N_EDGES), 0, N_NODES, dtype=jnp.int64 if jax.config.jax_enable_x64 else jnp.int32).astype(jnp.int32)
    edge_attr = jax.random.normal(ks[2], (N_EDGES, 16), dtype=jnp.float32)
    s = 0.05
    # GIN layer 1 MLP: Linear(128,128) -> ReLU -> Linear(128,128)
    W1a = jax.random.normal(ks[3], (D, D), dtype=jnp.float32) * s
    b1a = jnp.zeros((D,), dtype=jnp.float32)
    W1b = jax.random.normal(ks[4], (D, D), dtype=jnp.float32) * s
    b1b = jnp.zeros((D,), dtype=jnp.float32)
    # GIN layer 2 MLP: Linear(128,128) -> ReLU -> Linear(128,128)
    W2a = jax.random.normal(ks[5], (D, D), dtype=jnp.float32) * s
    b2a = jnp.zeros((D,), dtype=jnp.float32)
    W2b = jax.random.normal(ks[6], (D, D), dtype=jnp.float32) * s
    b2b = jnp.zeros((D,), dtype=jnp.float32)
    return {"node_features": x, "edge_index": edge_index, "edge_attr": edge_attr,
            "W1a": W1a, "b1a": b1a, "W1b": W1b, "b1b": b1b,
            "W2a": W2a, "b2a": b2a, "W2b": W2b, "b2b": b2b}

def reference(node_features, edge_index, edge_attr, W1a, b1a, W1b, b1b, W2a, b2a, W2b, b2b):
    src = edge_index[0]
    dst = edge_index[1]
    n = node_features.shape[0]

    def gin_layer(h, Wa, ba, Wb, bb):
        # message: x_j = h[src]; aggregate: scatter-add at dst (sum aggregation)
        msgs = jnp.take(h, src, axis=0)
        agg = jax.ops.segment_sum(msgs, dst, num_segments=n)
        # GINConv: nn((1 + eps) * x + agg), eps = 0
        z = h + agg
        # MLP with ReLU between layers (not after last)
        z = jax.nn.relu(z @ Wa.T + ba)
        z = z @ Wb.T + bb
        # GNN.forward applies ReLU after each conv
        return jax.nn.relu(z)

    h = gin_layer(node_features, W1a, b1a, W1b, b1b)
    h = gin_layer(h, W2a, b2a, W2b, b2b)
    return h

if __name__ == "__main__":
    import jax
    _d = setup_inputs()
    print(jax.jit(kernel)(*tuple(_d.values())))

</pallas_src>

<mosaic_0001>
#map = affine_map<(d0, d1) -> (0, 0)>
#map1 = affine_map<(d0, d1) -> (0, 0, 0)>
module attributes {stable_mosaic.version = 14 : i64} {
  func.func @sc_agg(%arg0: i32, %arg1: i32, %arg2: memref<10000x128xf32, #tpu.memory_space<hbm>>, %arg3: memref<32x80x128xi32, #tpu.memory_space<hbm>>, %arg4: memref<32x80x128xi32, #tpu.memory_space<hbm>>, %arg5: memref<128x128xf32, #tpu.memory_space<hbm>>, %arg6: memref<2x10240x128xf32, #tpu.memory_space<hbm>>, %arg7: memref<2x8x128xi32, #tpu.memory_space<vmem>>, %arg8: memref<2x8x128xi32, #tpu.memory_space<vmem>>, %arg9: memref<128x128xf32, #tpu.memory_space<vmem>>, %arg10: memref<128x128xf32, #tpu.memory_space<vmem>>, %arg11: memref<10240x128xf32, #tpu.memory_space<vmem_shared>>, %arg12: memref<!tpu.dma_semaphore, #tpu.memory_space<semaphore_mem>>, %arg13: memref<!tpu.dma_semaphore, #tpu.memory_space<semaphore_mem>>, %arg14: memref<!tpu.dma_semaphore, #tpu.memory_space<semaphore_mem>>) attributes {dimension_semantics = [#tpu.dimension_semantics<core_parallel>, #tpu.dimension_semantics<subcore_parallel>], iteration_bounds = array<i64: 2, 16>, scalar_prefetch = 0 : i64, scratch_operands = 8 : i64, tpu.core_type = #tpu.core_type<sc_vector_subcore>, window_params = [{transform_indices = #map}, {transform_indices = #map1}, {transform_indices = #map1}, {transform_indices = #map}, {transform_indices = #map1}]} {
    %mul3A = arith.constant 2 : i32
    %mul3A_0 = arith.muli %arg1, %mul3A : i32
    %add3A = arith.addi %mul3A_0, %arg0 : i32
    %mul3A_1 = arith.constant 640 : i32
    %mul3A_2 = arith.muli %arg1, %mul3A_1 : i32
    %run_scoped3A = arith.constant 0 : i32
    "tpu.region"() ({
      %run_scoped3A_29 = tpu.sem_alloc : memref<!tpu.dma_semaphore, #tpu.memory_space<semaphore_mem>>
      %dma_start3A_30 = arith.constant 0 : i32
      %dma_start3A_31 = arith.constant 0 : i32
      %dma_start3A_32 = tpu.memref_slice %arg7[%run_scoped3A, %dma_start3A_30, %dma_start3A_31] : memref<2x8x128xi32, #tpu.memory_space<vmem>> -> memref<1x8x128xi32, #tpu.memory_space<vmem>>
      %dma_start3A_33 = tpu.memref_squeeze %dma_start3A_32 : memref<1x8x128xi32, #tpu.memory_space<vmem>> -> memref<8x128xi32, #tpu.memory_space<vmem>>
      %dma_start3A_34 = arith.constant 0 : i32
      %dma_start3A_35 = arith.constant 0 : i32
      %dma_start3A_36 = tpu.memref_slice %arg3[%add3A, %dma_start3A_34, %dma_start3A_35] : memref<32x80x128xi32, #tpu.memory_space<hbm>> -> memref<1x8x128xi32, #tpu.memory_space<hbm>>
      %dma_start3A_37 = tpu.memref_squeeze %dma_start3A_36 : memref<1x8x128xi32, #tpu.memory_space<hbm>> -> memref<8x128xi32, #tpu.memory_space<hbm>>
      %dma_start3A_38 = arith.constant 0 : i32
      %dma_start3A_39 = arith.constant 0 : i32
      %dma_start3A_40 = tpu.memref_slice %arg7[%run_scoped3A, %dma_start3A_38, %dma_start3A_39] : memref<2x8x128xi32, #tpu.memory_space<vmem>> -> memref<1x8x128xi32, #tpu.memory_space<vmem>>
      %dma_start3A_41 = tpu.memref_squeeze %dma_start3A_40 : memref<1x8x128xi32, #tpu.memory_space<vmem>> -> memref<8x128xi32, #tpu.memory_space<vmem>>
      %dma_start3A_42 = arith.constant 0 : i32
      %dma_start3A_43 = arith.constant 0 : i32
      %dma_start3A_44 = tpu.memref_slice %arg3[%add3A, %dma_start3A_42, %dma_start3A_43] : memref<32x80x128xi32, #tpu.memory_space<hbm>> -> memref<1x8x128xi32, #tpu.memory_space<hbm>>
      %dma_start3A_45 = tpu.memref_squeeze %dma_start3A_44 : memref<1x8x128xi32, #tpu.memory_space<hbm>> -> memref<8x128xi32, #tpu.memory_space<hbm>>
      tpu.enqueue_dma source(%dma_start3A_45 : memref<8x128xi32, #tpu.memory_space<hbm>>) target(%dma_start3A_41 : memref<8x128xi32, #tpu.memory_space<vmem>>) target_semaphore(%run_scoped3A_29 : memref<!tpu.dma_semaphore, #tpu.memory_space<semaphore_mem>>)
      %dma_wait3A = arith.constant 0 : i32
      %dma_wait3A_46 = arith.constant 0 : i32
      %dma_wait3A_47 = tpu.memref_slice %arg7[%run_scoped3A, %dma_wait3A, %dma_wait3A_46] : memref<2x8x128xi32, #tpu.memory_space<vmem>> -> memref<1x8x128xi32, #tpu.memory_space<vmem>>
      %dma_wait3A_48 = tpu.memref_squeeze %dma_wait3A_47 : memref<1x8x128xi32, #tpu.memory_space<vmem>> -> memref<8x128xi32, #tpu.memory_space<vmem>>
      %dma_wait3A_49 = arith.constant 0 : i32
      %dma_wait3A_50 = arith.constant 0 : i32
      %dma_wait3A_51 = tpu.memref_slice %arg3[%add3A, %dma_wait3A_49, %dma_wait3A_50] : memref<32x80x128xi32, #tpu.memory_space<hbm>> -> memref<1x8x128xi32, #tpu.memory_space<hbm>>
      %dma_wait3A_52 = tpu.memref_squeeze %dma_wait3A_51 : memref<1x8x128xi32, #tpu.memory_space<hbm>> -> memref<8x128xi32, #tpu.memory_space<hbm>>
      %dma_wait3A_53 = arith.constant 0 : i32
      %dma_wait3A_54 = arith.constant 0 : i32
      %dma_wait3A_55 = tpu.memref_slice %arg7[%run_scoped3A, %dma_wait3A_53, %dma_wait3A_54] : memref<2x8x128xi32, #tpu.memory_space<vmem>> -> memref<1x8x128xi32, #tpu.memory_space<vmem>>
      %dma_wait3A_56 = tpu.memref_squeeze %dma_wait3A_55 : memref<1x8x128xi32, #tpu.memory_space<vmem>> -> memref<8x128xi32, #tpu.memory_space<vmem>>
      %dma_wait3A_57 = arith.constant 0 : i32
      %dma_wait3A_58 = arith.constant 0 : i32
      %dma_wait3A_59 = tpu.memref_slice %arg3[%add3A, %dma_wait3A_57, %dma_wait3A_58] : memref<32x80x128xi32, #tpu.memory_space<hbm>> -> memref<1x8x128xi32, #tpu.memory_space<hbm>>
      %dma_wait3A_60 = tpu.memref_squeeze %dma_wait3A_59 : memref<1x8x128xi32, #tpu.memory_space<hbm>> -> memref<8x128xi32, #tpu.memory_space<hbm>>
      tpu.wait_dma2 semaphore(%run_scoped3A_29 : memref<!tpu.dma_semaphore, #tpu.memory_space<semaphore_mem>>) src(%dma_wait3A_60 : memref<8x128xi32, #tpu.memory_space<hbm>>) dst(%dma_wait3A_56 : memref<8x128xi32, #tpu.memory_space<vmem>>)
      tpu.yield
    }) : () -> ()
    %run_scoped3A_3 = arith.constant 0 : i32
    "tpu.region"() ({
      %run_scoped3A_29 = tpu.sem_alloc : memref<!tpu.dma_semaphore, #tpu.memory_space<semaphore_mem>>
      %dma_start3A_30 = arith.constant 0 : i32
      %dma_start3A_31 = arith.constant 0 : i32
      %dma_start3A_32 = tpu.memref_slice %arg8[%run_scoped3A_3, %dma_start3A_30, %dma_start3A_31] : memref<2x8x128xi32, #tpu.memory_space<vmem>> -> memref<1x8x128xi32, #tpu.memory_space<vmem>>
      %dma_start3A_33 = tpu.memref_squeeze %dma_start3A_32 : memref<1x8x128xi32, #tpu.memory_space<vmem>> -> memref<8x128xi32, #tpu.memory_space<vmem>>
      %dma_start3A_34 = arith.constant 0 : i32
      %dma_start3A_35 = arith.constant 0 : i32
      %dma_start3A_36 = tpu.memref_slice %arg4[%add3A, %dma_start3A_34, %dma_start3A_35] : memref<32x80x128xi32, #tpu.memory_space<hbm>> -> memref<1x8x128xi32, #tpu.memory_space<hbm>>
      %dma_start3A_37 = tpu.memref_squeeze %dma_start3A_36 : memref<1x8x128xi32, #tpu.memory_space<hbm>> -> memref<8x128xi32, #tpu.memory_space<hbm>>
      %dma_start3A_38 = arith.constant 0 : i32
      %dma_start3A_39 = arith.constant 0 : i32
      %dma_start3A_40 = tpu.memref_slice %arg8[%run_scoped3A_3, %dma_start3A_38, %dma_start3A_39] : memref<2x8x128xi32, #tpu.memory_space<vmem>> -> memref<1x8x128xi32, #tpu.memory_space<vmem>>
      %dma_start3A_41 = tpu.memref_squeeze %dma_start3A_40 : memref<1x8x128xi32, #tpu.memory_space<vmem>> -> memref<8x128xi32, #tpu.memory_space<vmem>>
      %dma_start3A_42 = arith.constant 0 : i32
      %dma_start3A_43 = arith.constant 0 : i32
      %dma_start3A_44 = tpu.memref_slice %arg4[%add3A, %dma_start3A_42, %dma_start3A_43] : memref<32x80x128xi32, #tpu.memory_space<hbm>> -> memref<1x8x128xi32, #tpu.memory_space<hbm>>
      %dma_start3A_45 = tpu.memref_squeeze %dma_start3A_44 : memref<1x8x128xi32, #tpu.memory_space<hbm>> -> memref<8x128xi32, #tpu.memory_space<hbm>>
      tpu.enqueue_dma source(%dma_start3A_45 : memref<8x128xi32, #tpu.memory_space<hbm>>) target(%dma_start3A_41 : memref<8x128xi32, #tpu.memory_space<vmem>>) target_semaphore(%run_scoped3A_29 : memref<!tpu.dma_semaphore, #tpu.memory_space<semaphore_mem>>)
      %dma_wait3A = arith.constant 0 : i32
      %dma_wait3A_46 = arith.constant 0 : i32
      %dma_wait3A_47 = tpu.memref_slice %arg8[%run_scoped3A_3, %dma_wait3A, %dma_wait3A_46] : memref<2x8x128xi32, #tpu.memory_space<vmem>> -> memref<1x8x128xi32, #tpu.memory_space<vmem>>
      %dma_wait3A_48 = tpu.memref_squeeze %dma_wait3A_47 : memref<1x8x128xi32, #tpu.memory_space<vmem>> -> memref<8x128xi32, #tpu.memory_space<vmem>>
      %dma_wait3A_49 = arith.constant 0 : i32
      %dma_wait3A_50 = arith.constant 0 : i32
      %dma_wait3A_51 = tpu.memref_slice %arg4[%add3A, %dma_wait3A_49, %dma_wait3A_50] : memref<32x80x128xi32, #tpu.memory_space<hbm>> -> memref<1x8x128xi32, #tpu.memory_space<hbm>>
      %dma_wait3A_52 = tpu.memref_squeeze %dma_wait3A_51 : memref<1x8x128xi32, #tpu.memory_space<hbm>> -> memref<8x128xi32, #tpu.memory_space<hbm>>
      %dma_wait3A_53 = arith.constant 0 : i32
      %dma_wait3A_54 = arith.constant 0 : i32
      %dma_wait3A_55 = tpu.memref_slice %arg8[%run_scoped3A_3, %dma_wait3A_53, %dma_wait3A_54] : memref<2x8x128xi32, #tpu.memory_space<vmem>> -> memref<1x8x128xi32, #tpu.memory_space<vmem>>
      %dma_wait3A_56 = tpu.memref_squeeze %dma_wait3A_55 : memref<1x8x128xi32, #tpu.memory_space<vmem>> -> memref<8x128xi32, #tpu.memory_space<vmem>>
      %dma_wait3A_57 = arith.constant 0 : i32
      %dma_wait3A_58 = arith.constant 0 : i32
      %dma_wait3A_59 = tpu.memref_slice %arg4[%add3A, %dma_wait3A_57, %dma_wait3A_58] : memref<32x80x128xi32, #tpu.memory_space<hbm>> -> memref<1x8x128xi32, #tpu.memory_space<hbm>>
      %dma_wait3A_60 = tpu.memref_squeeze %dma_wait3A_59 : memref<1x8x128xi32, #tpu.memory_space<hbm>> -> memref<8x128xi32, #tpu.memory_space<hbm>>
      tpu.wait_dma2 semaphore(%run_scoped3A_29 : memref<!tpu.dma_semaphore, #tpu.memory_space<semaphore_mem>>) src(%dma_wait3A_60 : memref<8x128xi32, #tpu.memory_space<hbm>>) dst(%dma_wait3A_56 : memref<8x128xi32, #tpu.memory_space<vmem>>)
      tpu.yield
    }) : () -> ()
    "tpu.region"() ({
      %run_scoped3A_29 = tpu.sem_alloc : memref<!tpu.dma_semaphore, #tpu.memory_space<semaphore_mem>>
      tpu.enqueue_dma source(%arg5 : memref<128x128xf32, #tpu.memory_space<hbm>>) target(%arg9 : memref<128x128xf32, #tpu.memory_space<vmem>>) target_semaphore(%run_scoped3A_29 : memref<!tpu.dma_semaphore, #tpu.memory_space<semaphore_mem>>)
      tpu.wait_dma2 semaphore(%run_scoped3A_29 : memref<!tpu.dma_semaphore, #tpu.memory_space<semaphore_mem>>) src(%arg5 : memref<128x128xf32, #tpu.memory_space<hbm>>) dst(%arg9 : memref<128x128xf32, #tpu.memory_space<vmem>>)
      tpu.yield
    }) : () -> ()
    %scan3A = arith.constant 0 : i32
    %scan3A_4 = arith.constant 0 : i32
    %scan3A_5 = arith.constant 5 : i32
    %scan3A_6 = arith.addi %scan3A_4, %scan3A_5 : i32
    %scan3A_7 = arith.constant 1 : i32
    scf.for %scan3A_29 = %scan3A_4 to %scan3A_6 step %scan3A_7  : i32 {
      %mul3A_30 = arith.constant 128 : i32
      %mul3A_31 = arith.muli %scan3A_29, %mul3A_30 : i32
      %add3A_32 = arith.addi %mul3A_2, %mul3A_31 : i32
      "tpu.region"() ({
        %run_scoped3A_33 = tpu.sem_alloc : memref<!tpu.dma_semaphore, #tpu.memory_space<semaphore_mem>>
        %dma_start3A_34 = arith.constant 0 : i32
        %dma_start3A_35 = tpu.memref_slice %arg11[%add3A_32, %dma_start3A_34] : memref<10240x128xf32, #tpu.memory_space<vmem_shared>> -> memref<128x128xf32, #tpu.memory_space<vmem_shared>>
        %dma_start3A_36 = arith.constant 0 : i32
        %dma_start3A_37 = tpu.memref_slice %arg11[%add3A_32, %dma_start3A_36] : memref<10240x128xf32, #tpu.memory_space<vmem_shared>> -> memref<128x128xf32, #tpu.memory_space<vmem_shared>>
        tpu.enqueue_dma source(%arg9 : memref<128x128xf32, #tpu.memory_space<vmem>>) target(%dma_start3A_37 : memref<128x128xf32, #tpu.memory_space<vmem_shared>>) target_semaphore(%run_scoped3A_33 : memref<!tpu.dma_semaphore, #tpu.memory_space<semaphore_mem>>)
        %dma_wait3A = arith.constant 0 : i32
        %dma_wait3A_38 = tpu.memref_slice %arg11[%add3A_32, %dma_wait3A] : memref<10240x128xf32, #tpu.memory_space<vmem_shared>> -> memref<128x128xf32, #tpu.memory_space<vmem_shared>>
        %dma_wait3A_39 = arith.constant 0 : i32
        %dma_wait3A_40 = tpu.memref_slice %arg11[%add3A_32, %dma_wait3A_39] : memref<10240x128xf32, #tpu.memory_space<vmem_shared>> -> memref<128x128xf32, #tpu.memory_space<vmem_shared>>
        tpu.wait_dma2 semaphore(%run_scoped3A_33 : memref<!tpu.dma_semaphore, #tpu.memory_space<semaphore_mem>>) src(%arg9 : memref<128x128xf32, #tpu.memory_space<vmem>>) dst(%dma_wait3A_40 : memref<128x128xf32, #tpu.memory_space<vmem_shared>>)
        tpu.yield
      }) : () -> ()
    }
    %scan3A_8 = arith.constant 5 : i32
    %dma_start3A = arith.constant 0 : i32
    %dma_start3A_9 = arith.constant 0 : i32
    %dma_start3A_10 = arith.constant 0 : i32
    %dma_start3A_11 = tpu.memref_slice %arg7[%dma_start3A, %dma_start3A_9, %dma_start3A_10] : memref<2x8x128xi32, #tpu.memory_space<vmem>> -> memref<1x1x128xi32, #tpu.memory_space<vmem>>
    %dma_start3A_12 = tpu.memref_squeeze %dma_start3A_11 : memref<1x1x128xi32, #tpu.memory_space<vmem>> -> memref<128xi32, #tpu.memory_space<vmem>>
    %dma_start3A_13 = arith.constant 0 : i32
    %dma_start3A_14 = arith.constant 0 : i32
    %dma_start3A_15 = tpu.memref_slice %arg2[%dma_start3A_13, %dma_start3A_14] : memref<10000x128xf32, #tpu.memory_space<hbm>> -> memref<10000x128xf32, #tpu.memory_space<hbm>>
    tpu.enqueue_indirect_dma source(%dma_start3A_15 : memref<10000x128xf32, #tpu.memory_space<hbm>>) target(%arg9 : memref<128x128xf32, #tpu.memory_space<vmem>>) offsets(%dma_start3A_12 : memref<128xi32, #tpu.memory_space<vmem>>) semaphore(%arg12 : memref<!tpu.dma_semaphore, #tpu.memory_space<semaphore_mem>>)
    %barrier3A = arith.constant 0 : index
    tpu.barrier barrier_id(%barrier3A)
    %scan3A_16 = arith.constant 0 : i32
    %scan3A_17 = arith.constant 0 : i32
    %scan3A_18 = arith.constant 10 : i32
    %scan3A_19 = arith.addi %scan3A_17, %scan3A_18 : i32
    %scan3A_20 = arith.constant 1 : i32
    scf.for %scan3A_29 = %scan3A_17 to %scan3A_19 step %scan3A_20  : i32 {
      %jit3A = arith.constant 2 : i32
      %eq3A = arith.constant 0 : i32
      %eq3A_30 = arith.cmpi eq, %jit3A, %eq3A : i32
      %jit3A_31 = arith.constant 1 : i32
      %select_n3A = arith.select %eq3A_30, %jit3A_31, %jit3A : i32
      %rem3A = arith.remsi %scan3A_29, %select_n3A : i32
      %ne3A = arith.constant 0 : i32
      %ne3A_32 = arith.cmpi ne, %rem3A, %ne3A : i32
      %lt3A = arith.constant 0 : i32
      %lt3A_33 = arith.cmpi slt, %rem3A, %lt3A : i32
      %lt3A_34 = arith.constant 0 : i32
      %lt3A_35 = arith.cmpi slt, %select_n3A, %lt3A_34 : i32
      %ne3A_36 = arith.xori %lt3A_33, %lt3A_35 : i1
      %and3A = arith.andi %ne3A_36, %ne3A_32 : i1
      %add3A_37 = arith.addi %rem3A, %select_n3A : i32
      %select_n3A_38 = arith.select %and3A, %add3A_37, %rem3A : i32
      %add3A_39 = arith.constant 1 : i32
      %add3A_40 = arith.addi %scan3A_29, %add3A_39 : i32
      %jit3A_41 = arith.constant 2 : i32
      %eq3A_42 = arith.constant 0 : i32
      %eq3A_43 = arith.cmpi eq, %jit3A_41, %eq3A_42 : i32
      %jit3A_44 = arith.constant 1 : i32
      %select_n3A_45 = arith.select %eq3A_43, %jit3A_44, %jit3A_41 : i32
      %rem3A_46 = arith.remsi %add3A_40, %select_n3A_45 : i32
      %ne3A_47 = arith.constant 0 : i32
      %ne3A_48 = arith.cmpi ne, %rem3A_46, %ne3A_47 : i32
      %lt3A_49 = arith.constant 0 : i32
      %lt3A_50 = arith.cmpi slt, %rem3A_46, %lt3A_49 : i32
      %lt3A_51 = arith.constant 0 : i32
      %lt3A_52 = arith.cmpi slt, %select_n3A_45, %lt3A_51 : i32
      %ne3A_53 = arith.xori %lt3A_50, %lt3A_52 : i1
      %and3A_54 = arith.andi %ne3A_53, %ne3A_48 : i1
      %add3A_55 = arith.addi %rem3A_46, %select_n3A_45 : i32
      %select_n3A_56 = arith.select %and3A_54, %add3A_55, %rem3A_46 : i32
      %add3A_57 = arith.constant 1 : i32
      %add3A_58 = arith.addi %scan3A_29, %add3A_57 : i32
      %lt3A_59 = arith.constant 10 : i32
      %lt3A_60 = arith.cmpi slt, %add3A_58, %lt3A_59 : i32
      %convert_element_type3A = arith.extui %lt3A_60 : i1 to i32
      %cond3A = arith.constant 0 : i32
      %cond3A_61 = arith.cmpi ne, %convert_element_type3A, %cond3A : i32
      scf.if %cond3A_61 {
        %add3A_181 = arith.constant 1 : i32
        %add3A_182 = arith.addi %scan3A_29, %add3A_181 : i32
        %mul3A_183 = arith.constant 8 : i32
        %mul3A_184 = arith.muli %add3A_182, %mul3A_183 : i32
        %dma_start3A_185 = arith.constant 0 : i32
        %dma_start3A_186 = arith.constant 0 : i32
        %dma_start3A_187 = tpu.memref_slice %arg7[%select_n3A_56, %dma_start3A_185, %dma_start3A_186] : memref<2x8x128xi32, #tpu.memory_space<vmem>> -> memref<1x8x128xi32, #tpu.memory_space<vmem>>
        %dma_start3A_188 = tpu.memref_squeeze %dma_start3A_187 : memref<1x8x128xi32, #tpu.memory_space<vmem>> -> memref<8x128xi32, #tpu.memory_space<vmem>>
        %dma_start3A_189 = arith.constant 0 : i32
        %dma_start3A_190 = tpu.memref_slice %arg3[%add3A, %mul3A_184, %dma_start3A_189] : memref<32x80x128xi32, #tpu.memory_space<hbm>> -> memref<1x8x128xi32, #tpu.memory_space<hbm>>
        %dma_start3A_191 = tpu.memref_squeeze %dma_start3A_190 : memref<1x8x128xi32, #tpu.memory_space<hbm>> -> memref<8x128xi32, #tpu.memory_space<hbm>>
        %dma_start3A_192 = arith.constant 0 : i32
        %dma_start3A_193 = arith.constant 0 : i32
        %dma_start3A_194 = tpu.memref_slice %arg7[%select_n3A_56, %dma_start3A_192, %dma_start3A_193] : memref<2x8x128xi32, #tpu.memory_space<vmem>> -> memref<1x8x128xi32, #tpu.memory_space<vmem>>
        %dma_start3A_195 = tpu.memref_squeeze %dma_start3A_194 : memref<1x8x128xi32, #tpu.memory_space<vmem>> -> memref<8x128xi32, #tpu.memory_space<vmem>>
        %dma_start3A_196 = arith.constant 0 : i32
        %dma_start3A_197 = tpu.memref_slice %arg3[%add3A, %mul3A_184, %dma_start3A_196] : memref<32x80x128xi32, #tpu.memory_space<hbm>> -> memref<1x8x128xi32, #tpu.memory_space<hbm>>
        %dma_start3A_198 = tpu.memref_squeeze %dma_start3A_197 : memref<1x8x128xi32, #tpu.memory_space<hbm>> -> memref<8x128xi32, #tpu.memory_space<hbm>>
        tpu.enqueue_dma source(%dma_start3A_198 : memref<8x128xi32, #tpu.memory_space<hbm>>) target(%dma_start3A_195 : memref<8x128xi32, #tpu.memory_space<vmem>>) target_semaphore(%arg14 : memref<!tpu.dma_semaphore, #tpu.memory_space<semaphore_mem>>)
        %add3A_199 = arith.constant 1 : i32
        %add3A_200 = arith.addi %scan3A_29, %add3A_199 : i32
        %mul3A_201 = arith.constant 8 : i32
        %mul3A_202 = arith.muli %add3A_200, %mul3A_201 : i32
        %dma_start3A_203 = arith.constant 0 : i32
        %dma_start3A_204 = arith.constant 0 : i32
        %dma_start3A_205 = tpu.memref_slice %arg8[%select_n3A_56, %dma_start3A_203, %dma_start3A_204] : memref<2x8x128xi32, #tpu.memory_space<vmem>> -> memref<1x8x128xi32, #tpu.memory_space<vmem>>
        %dma_start3A_206 = tpu.memref_squeeze %dma_start3A_205 : memref<1x8x128xi32, #tpu.memory_space<vmem>> -> memref<8x128xi32, #tpu.memory_space<vmem>>
        %dma_start3A_207 = arith.constant 0 : i32
        %dma_start3A_208 = tpu.memref_slice %arg4[%add3A, %mul3A_202, %dma_start3A_207] : memref<32x80x128xi32, #tpu.memory_space<hbm>> -> memref<1x8x128xi32, #tpu.memory_space<hbm>>
        %dma_start3A_209 = tpu.memref_squeeze %dma_start3A_208 : memref<1x8x128xi32, #tpu.memory_space<hbm>> -> memref<8x128xi32, #tpu.memory_space<hbm>>
        %dma_start3A_210 = arith.constant 0 : i32
        %dma_start3A_211 = arith.constant 0 : i32
        %dma_start3A_212 = tpu.memref_slice %arg8[%select_n3A_56, %dma_start3A_210, %dma_start3A_211] : memref<2x8x128xi32, #tpu.memory_space<vmem>> -> memref<1x8x128xi32, #tpu.memory_space<vmem>>
        %dma_start3A_213 = tpu.memref_squeeze %dma_start3A_212 : memref<1x8x128xi32, #tpu.memory_space<vmem>> -> memref<8x128xi32, #tpu.memory_space<vmem>>
        %dma_start3A_214 = arith.constant 0 : i32
        %dma_start3A_215 = tpu.memref_slice %arg4[%add3A, %mul3A_202, %dma_start3A_214] : memref<32x80x128xi32, #tpu.memory_space<hbm>> -> memref<1x8x128xi32, #tpu.memory_space<hbm>>
        %dma_start3A_216 = tpu.memref_squeeze %dma_start3A_215 : memref<1x8x128xi32, #tpu.memory_space<hbm>> -> memref<8x128xi32, #tpu.memory_space<hbm>>
        tpu.enqueue_dma source(%dma_start3A_216 : memref<8x128xi32, #tpu.memory_space<hbm>>) target(%dma_start3A_213 : memref<8x128xi32, #tpu.memory_space<vmem>>) target_semaphore(%arg14 : memref<!tpu.dma_semaphore, #tpu.memory_space<semaphore_mem>>)
      } else {
      }
      %dma_wait3A = arith.constant 0 : i32
      %dma_wait3A_62 = arith.constant 0 : i32
      %dma_wait3A_63 = tpu.memref_slice %arg7[%select_n3A_38, %dma_wait3A, %dma_wait3A_62] : memref<2x8x128xi32, #tpu.memory_space<vmem>> -> memref<1x1x128xi32, #tpu.memory_space<vmem>>
      %dma_wait3A_64 = tpu.memref_squeeze %dma_wait3A_63 : memref<1x1x128xi32, #tpu.memory_space<vmem>> -> memref<128xi32, #tpu.memory_space<vmem>>
      %dma_wait3A_65 = arith.constant 0 : i32
      %dma_wait3A_66 = arith.constant 0 : i32
      %dma_wait3A_67 = tpu.memref_slice %arg2[%dma_wait3A_65, %dma_wait3A_66] : memref<10000x128xf32, #tpu.memory_space<hbm>> -> memref<10000x128xf32, #tpu.memory_space<hbm>>
      tpu.wait_indirect_dma semaphore(%arg12 : memref<!tpu.dma_semaphore, #tpu.memory_space<semaphore_mem>>) src(%dma_wait3A_67 : memref<10000x128xf32, #tpu.memory_space<hbm>>) dst(%arg9 : memref<128x128xf32, #tpu.memory_space<vmem>>)
      %dma_start3A_68 = arith.constant 1 : i32
      %dma_start3A_69 = arith.constant 0 : i32
      %dma_start3A_70 = tpu.memref_slice %arg7[%select_n3A_38, %dma_start3A_68, %dma_start3A_69] : memref<2x8x128xi32, #tpu.memory_space<vmem>> -> memref<1x1x128xi32, #tpu.memory_space<vmem>>
      %dma_start3A_71 = tpu.memref_squeeze %dma_start3A_70 : memref<1x1x128xi32, #tpu.memory_space<vmem>> -> memref<128xi32, #tpu.memory_space<vmem>>
      %dma_start3A_72 = arith.constant 0 : i32
      %dma_start3A_73 = arith.constant 0 : i32
      %dma_start3A_74 = tpu.memref_slice %arg2[%dma_start3A_72, %dma_start3A_73] : memref<10000x128xf32, #tpu.memory_space<hbm>> -> memref<10000x128xf32, #tpu.memory_space<hbm>>
      tpu.enqueue_indirect_dma source(%dma_start3A_74 : memref<10000x128xf32, #tpu.memory_space<hbm>>) target(%arg10 : memref<128x128xf32, #tpu.memory_space<vmem>>) offsets(%dma_start3A_71 : memref<128xi32, #tpu.memory_space<vmem>>) semaphore(%arg13 : memref<!tpu.dma_semaphore, #tpu.memory_space<semaphore_mem>>)
      %run_scoped3A_75 = arith.constant 0 : i32
      "tpu.region"() ({
        %run_scoped3A_181 = tpu.sem_alloc : memref<!tpu.dma_semaphore, #tpu.memory_space<semaphore_mem>>
        %dma_start3A_182 = arith.constant 0 : i32
        %dma_start3A_183 = tpu.memref_slice %arg8[%select_n3A_38, %run_scoped3A_75, %dma_start3A_182] : memref<2x8x128xi32, #tpu.memory_space<vmem>> -> memref<1x1x128xi32, #tpu.memory_space<vmem>>
        %dma_start3A_184 = tpu.memref_squeeze %dma_start3A_183 : memref<1x1x128xi32, #tpu.memory_space<vmem>> -> memref<128xi32, #tpu.memory_space<vmem>>
        %dma_start3A_185 = arith.constant 0 : i32
        %dma_start3A_186 = arith.constant 0 : i32
        %dma_start3A_187 = tpu.memref_slice %arg11[%dma_start3A_185, %dma_start3A_186] : memref<10240x128xf32, #tpu.memory_space<vmem_shared>> -> memref<10240x128xf32, #tpu.memory_space<vmem_shared>>
        tpu.enqueue_indirect_dma source(%arg9 : memref<128x128xf32, #tpu.memory_space<vmem>>) target(%dma_start3A_187 : memref<10240x128xf32, #tpu.memory_space<vmem_shared>>) offsets(%dma_start3A_184 : memref<128xi32, #tpu.memory_space<vmem>>) semaphore(%run_scoped3A_181 : memref<!tpu.dma_semaphore, #tpu.memory_space<semaphore_mem>>) {add = true}
        %dma_wait3A_188 = arith.constant 0 : i32
        %dma_wait3A_189 = tpu.memref_slice %arg8[%select_n3A_38, %run_scoped3A_75, %dma_wait3A_188] : memref<2x8x128xi32, #tpu.memory_space<vmem>> -> memref<1x1x128xi32, #tpu.memory_space<vmem>>
        %dma_wait3A_190 = tpu.memref_squeeze %dma_wait3A_189 : memref<1x1x128xi32, #tpu.memory_space<vmem>> -> memref<128xi32, #tpu.memory_space<vmem>>
        %dma_wait3A_191 = arith.constant 0 : i32
        %dma_wait3A_192 = arith.constant 0 : i32
        %dma_wait3A_193 = tpu.memref_slice %arg11[%dma_wait3A_191, %dma_wait3A_192] : memref<10240x128xf32, #tpu.memory_space<vmem_shared>> -> memref<10240x128xf32, #tpu.memory_space<vmem_shared>>
        tpu.wait_indirect_dma semaphore(%run_scoped3A_181 : memref<!tpu.dma_semaphore, #tpu.memory_space<semaphore_mem>>) src(%arg9 : memref<128x128xf32, #tpu.memory_space<vmem>>) dst(%dma_wait3A_193 : memref<10240x128xf32, #tpu.memory_space<vmem_shared>>)
        tpu.yield
      }) : () -> ()
      %dma_wait3A_76 = arith.constant 1 : i32
      %dma_wait3A_77 = arith.constant 0 : i32
      %dma_wait3A_78 = tpu.memref_slice %arg7[%select_n3A_38, %dma_wait3A_76, %dma_wait3A_77] : memref<2x8x128xi32, #tpu.memory_space<vmem>> -> memref<1x1x128xi32, #tpu.memory_space<vmem>>
      %dma_wait3A_79 = tpu.memref_squeeze %dma_wait3A_78 : memref<1x1x128xi32, #tpu.memory_space<vmem>> -> memref<128xi32, #tpu.memory_space<vmem>>
      %dma_wait3A_80 = arith.constant 0 : i32
      %dma_wait3A_81 = arith.constant 0 : i32
      %dma_wait3A_82 = tpu.memref_slice %arg2[%dma_wait3A_80, %dma_wait3A_81] : memref<10000x128xf32, #tpu.memory_space<hbm>> -> memref<10000x128xf32, #tpu.memory_space<hbm>>
      tpu.wait_indirect_dma semaphore(%arg13 : memref<!tpu.dma_semaphore, #tpu.memory_space<semaphore_mem>>) src(%dma_wait3A_82 : memref<10000x128xf32, #tpu.memory_space<hbm>>) dst(%arg10 : memref<128x128xf32, #tpu.memory_space<vmem>>)
      %dma_start3A_83 = arith.constant 2 : i32
      %dma_start3A_84 = arith.constant 0 : i32
      %dma_start3A_85 = tpu.memref_slice %arg7[%select_n3A_38, %dma_start3A_83, %dma_start3A_84] : memref<2x8x128xi32, #tpu.memory_space<vmem>> -> memref<1x1x128xi32, #tpu.memory_space<vmem>>
      %dma_start3A_86 = tpu.memref_squeeze %dma_start3A_85 : memref<1x1x128xi32, #tpu.memory_space<vmem>> -> memref<128xi32, #tpu.memory_space<vmem>>
      %dma_start3A_87 = arith.constant 0 : i32
      %dma_start3A_88 = arith.constant 0 : i32
      %dma_start3A_89 = tpu.memref_slice %arg2[%dma_start3A_87, %dma_start3A_88] : memref<10000x128xf32, #tpu.memory_space<hbm>> -> memref<10000x128xf32, #tpu.memory_space<hbm>>
      tpu.enqueue_indirect_dma source(%dma_start3A_89 : memref<10000x128xf32, #tpu.memory_space<hbm>>) target(%arg9 : memref<128x128xf32, #tpu.memory_space<vmem>>) offsets(%dma_start3A_86 : memref<128xi32, #tpu.memory_space<vmem>>) semaphore(%arg12 : memref<!tpu.dma_semaphore, #tpu.memory_space<semaphore_mem>>)
      %run_scoped3A_90 = arith.constant 1 : i32
      "tpu.region"() ({
        %run_scoped3A_181 = tpu.sem_alloc : memref<!tpu.dma_semaphore, #tpu.memory_space<semaphore_mem>>
        %dma_start3A_182 = arith.constant 0 : i32
        %dma_start3A_183 = tpu.memref_slice %arg8[%select_n3A_38, %run_scoped3A_90, %dma_start3A_182] : memref<2x8x128xi32, #tpu.memory_space<vmem>> -> memref<1x1x128xi32, #tpu.memory_space<vmem>>
        %dma_start3A_184 = tpu.memref_squeeze %dma_start3A_183 : memref<1x1x128xi32, #tpu.memory_space<vmem>> -> memref<128xi32, #tpu.memory_space<vmem>>
        %dma_start3A_185 = arith.constant 0 : i32
        %dma_start3A_186 = arith.constant 0 : i32
        %dma_start3A_187 = tpu.memref_slice %arg11[%dma_start3A_185, %dma_start3A_186] : memref<10240x128xf32, #tpu.memory_space<vmem_shared>> -> memref<10240x128xf32, #tpu.memory_space<vmem_shared>>
        tpu.enqueue_indirect_dma source(%arg10 : memref<128x128xf32, #tpu.memory_space<vmem>>) target(%dma_start3A_187 : memref<10240x128xf32, #tpu.memory_space<vmem_shared>>) offsets(%dma_start3A_184 : memref<128xi32, #tpu.memory_space<vmem>>) semaphore(%run_scoped3A_181 : memref<!tpu.dma_semaphore, #tpu.memory_space<semaphore_mem>>) {add = true}
        %dma_wait3A_188 = arith.constant 0 : i32
        %dma_wait3A_189 = tpu.memref_slice %arg8[%select_n3A_38, %run_scoped3A_90, %dma_wait3A_188] : memref<2x8x128xi32, #tpu.memory_space<vmem>> -> memref<1x1x128xi32, #tpu.memory_space<vmem>>
        %dma_wait3A_190 = tpu.memref_squeeze %dma_wait3A_189 : memref<1x1x128xi32, #tpu.memory_space<vmem>> -> memref<128xi32, #tpu.memory_space<vmem>>
        %dma_wait3A_191 = arith.constant 0 : i32
        %dma_wait3A_192 = arith.constant 0 : i32
        %dma_wait3A_193 = tpu.memref_slice %arg11[%dma_wait3A_191, %dma_wait3A_192] : memref<10240x128xf32, #tpu.memory_space<vmem_shared>> -> memref<10240x128xf32, #tpu.memory_space<vmem_shared>>
        tpu.wait_indirect_dma semaphore(%run_scoped3A_181 : memref<!tpu.dma_semaphore, #tpu.memory_space<semaphore_mem>>) src(%arg10 : memref<128x128xf32, #tpu.memory_space<vmem>>) dst(%dma_wait3A_193 : memref<10240x128xf32, #tpu.memory_space<vmem_shared>>)
        tpu.yield
      }) : () -> ()
      %dma_wait3A_91 = arith.constant 2 : i32
      %dma_wait3A_92 = arith.constant 0 : i32
      %dma_wait3A_93 = tpu.memref_slice %arg7[%select_n3A_38, %dma_wait3A_91, %dma_wait3A_92] : memref<2x8x128xi32, #tpu.memory_space<vmem>> -> memref<1x1x128xi32, #tpu.memory_space<vmem>>
      %dma_wait3A_94 = tpu.memref_squeeze %dma_wait3A_93 : memref<1x1x128xi32, #tpu.memory_space<vmem>> -> memref<128xi32, #tpu.memory_space<vmem>>
      %dma_wait3A_95 = arith.constant 0 : i32
      %dma_wait3A_96 = arith.constant 0 : i32
      %dma_wait3A_97 = tpu.memref_slice %arg2[%dma_wait3A_95, %dma_wait3A_96] : memref<10000x128xf32, #tpu.memory_space<hbm>> -> memref<10000x128xf32, #tpu.memory_space<hbm>>
      tpu.wait_indirect_dma semaphore(%arg12 : memref<!tpu.dma_semaphore, #tpu.memory_space<semaphore_mem>>) src(%dma_wait3A_97 : memref<10000x128xf32, #tpu.memory_space<hbm>>) dst(%arg9 : memref<128x128xf32, #tpu.memory_space<vmem>>)
      %dma_start3A_98 = arith.constant 3 : i32
      %dma_start3A_99 = arith.constant 0 : i32
      %dma_start3A_100 = tpu.memref_slice %arg7[%select_n3A_38, %dma_start3A_98, %dma_start3A_99] : memref<2x8x128xi32, #tpu.memory_space<vmem>> -> memref<1x1x128xi32, #tpu.memory_space<vmem>>
      %dma_start3A_101 = tpu.memref_squeeze %dma_start3A_100 : memref<1x1x128xi32, #tpu.memory_space<vmem>> -> memref<128xi32, #tpu.memory_space<vmem>>
      %dma_start3A_102 = arith.constant 0 : i32
      %dma_start3A_103 = arith.constant 0 : i32
      %dma_start3A_104 = tpu.memref_slice %arg2[%dma_start3A_102, %dma_start3A_103] : memref<10000x128xf32, #tpu.memory_space<hbm>> -> memref<10000x128xf32, #tpu.memory_space<hbm>>
      tpu.enqueue_indirect_dma source(%dma_start3A_104 : memref<10000x128xf32, #tpu.memory_space<hbm>>) target(%arg10 : memref<128x128xf32, #tpu.memory_space<vmem>>) offsets(%dma_start3A_101 : memref<128xi32, #tpu.memory_space<vmem>>) semaphore(%arg13 : memref<!tpu.dma_semaphore, #tpu.memory_space<semaphore_mem>>)
      %run_scoped3A_105 = arith.constant 2 : i32
      "tpu.region"() ({
        %run_scoped3A_181 = tpu.sem_alloc : memref<!tpu.dma_semaphore, #tpu.memory_space<semaphore_mem>>
        %dma_start3A_182 = arith.constant 0 : i32
        %dma_start3A_183 = tpu.memref_slice %arg8[%select_n3A_38, %run_scoped3A_105, %dma_start3A_182] : memref<2x8x128xi32, #tpu.memory_space<vmem>> -> memref<1x1x128xi32, #tpu.memory_space<vmem>>
        %dma_start3A_184 = tpu.memref_squeeze %dma_start3A_183 : memref<1x1x128xi32, #tpu.memory_space<vmem>> -> memref<128xi32, #tpu.memory_space<vmem>>
        %dma_start3A_185 = arith.constant 0 : i32
        %dma_start3A_186 = arith.constant 0 : i32
        %dma_start3A_187 = tpu.memref_slice %arg11[%dma_start3A_185, %dma_start3A_186] : memref<10240x128xf32, #tpu.memory_space<vmem_shared>> -> memref<10240x128xf32, #tpu.memory_space<vmem_shared>>
        tpu.enqueue_indirect_dma source(%arg9 : memref<128x128xf32, #tpu.memory_space<vmem>>) target(%dma_start3A_187 : memref<10240x128xf32, #tpu.memory_space<vmem_shared>>) offsets(%dma_start3A_184 : memref<128xi32, #tpu.memory_space<vmem>>) semaphore(%run_scoped3A_181 : memref<!tpu.dma_semaphore, #tpu.memory_space<semaphore_mem>>) {add = true}
        %dma_wait3A_188 = arith.constant 0 : i32
        %dma_wait3A_189 = tpu.memref_slice %arg8[%select_n3A_38, %run_scoped3A_105, %dma_wait3A_188] : memref<2x8x128xi32, #tpu.memory_space<vmem>> -> memref<1x1x128xi32, #tpu.memory_space<vmem>>
        %dma_wait3A_190 = tpu.memref_squeeze %dma_wait3A_189 : memref<1x1x128xi32, #tpu.memory_space<vmem>> -> memref<128xi32, #tpu.memory_space<vmem>>
        %dma_wait3A_191 = arith.constant 0 : i32
        %dma_wait3A_192 = arith.constant 0 : i32
        %dma_wait3A_193 = tpu.memref_slice %arg11[%dma_wait3A_191, %dma_wait3A_192] : memref<10240x128xf32, #tpu.memory_space<vmem_shared>> -> memref<10240x128xf32, #tpu.memory_space<vmem_shared>>
        tpu.wait_indirect_dma semaphore(%run_scoped3A_181 : memref<!tpu.dma_semaphore, #tpu.memory_space<semaphore_mem>>) src(%arg9 : memref<128x128xf32, #tpu.memory_space<vmem>>) dst(%dma_wait3A_193 : memref<10240x128xf32, #tpu.memory_space<vmem_shared>>)
        tpu.yield
      }) : () -> ()
      %dma_wait3A_106 = arith.constant 3 : i32
      %dma_wait3A_107 = arith.constant 0 : i32
      %dma_wait3A_108 = tpu.memref_slice %arg7[%select_n3A_38, %dma_wait3A_106, %dma_wait3A_107] : memref<2x8x128xi32, #tpu.memory_space<vmem>> -> memref<1x1x128xi32, #tpu.memory_space<vmem>>
      %dma_wait3A_109 = tpu.memref_squeeze %dma_wait3A_108 : memref<1x1x128xi32, #tpu.memory_space<vmem>> -> memref<128xi32, #tpu.memory_space<vmem>>
      %dma_wait3A_110 = arith.constant 0 : i32
      %dma_wait3A_111 = arith.constant 0 : i32
      %dma_wait3A_112 = tpu.memref_slice %arg2[%dma_wait3A_110, %dma_wait3A_111] : memref<10000x128xf32, #tpu.memory_space<hbm>> -> memref<10000x128xf32, #tpu.memory_space<hbm>>
      tpu.wait_indirect_dma semaphore(%arg13 : memref<!tpu.dma_semaphore, #tpu.memory_space<semaphore_mem>>) src(%dma_wait3A_112 : memref<10000x128xf32, #tpu.memory_space<hbm>>) dst(%arg10 : memref<128x128xf32, #tpu.memory_space<vmem>>)
      %dma_start3A_113 = arith.constant 4 : i32
      %dma_start3A_114 = arith.constant 0 : i32
      %dma_start3A_115 = tpu.memref_slice %arg7[%select_n3A_38, %dma_start3A_113, %dma_start3A_114] : memref<2x8x128xi32, #tpu.memory_space<vmem>> -> memref<1x1x128xi32, #tpu.memory_space<vmem>>
      %dma_start3A_116 = tpu.memref_squeeze %dma_start3A_115 : memref<1x1x128xi32, #tpu.memory_space<vmem>> -> memref<128xi32, #tpu.memory_space<vmem>>
      %dma_start3A_117 = arith.constant 0 : i32
      %dma_start3A_118 = arith.constant 0 : i32
      %dma_start3A_119 = tpu.memref_slice %arg2[%dma_start3A_117, %dma_start3A_118] : memref<10000x128xf32, #tpu.memory_space<hbm>> -> memref<10000x128xf32, #tpu.memory_space<hbm>>
      tpu.enqueue_indirect_dma source(%dma_start3A_119 : memref<10000x128xf32, #tpu.memory_space<hbm>>) target(%arg9 : memref<128x128xf32, #tpu.memory_space<vmem>>) offsets(%dma_start3A_116 : memref<128xi32, #tpu.memory_space<vmem>>) semaphore(%arg12 : memref<!tpu.dma_semaphore, #tpu.memory_space<semaphore_mem>>)
      %run_scoped3A_120 = arith.constant 3 : i32
      "tpu.region"() ({
        %run_scoped3A_181 = tpu.sem_alloc : memref<!tpu.dma_semaphore, #tpu.memory_space<semaphore_mem>>
        %dma_start3A_182 = arith.constant 0 : i32
        %dma_start3A_183 = tpu.memref_slice %arg8[%select_n3A_38, %run_scoped3A_120, %dma_start3A_182] : memref<2x8x128xi32, #tpu.memory_space<vmem>> -> memref<1x1x128xi32, #tpu.memory_space<vmem>>
        %dma_start3A_184 = tpu.memref_squeeze %dma_start3A_183 : memref<1x1x128xi32, #tpu.memory_space<vmem>> -> memref<128xi32, #tpu.memory_space<vmem>>
        %dma_start3A_185 = arith.constant 0 : i32
        %dma_start3A_186 = arith.constant 0 : i32
        %dma_start3A_187 = tpu.memref_slice %arg11[%dma_start3A_185, %dma_start3A_186] : memref<10240x128xf32, #tpu.memory_space<vmem_shared>> -> memref<10240x128xf32, #tpu.memory_space<vmem_shared>>
        tpu.enqueue_indirect_dma source(%arg10 : memref<128x128xf32, #tpu.memory_space<vmem>>) target(%dma_start3A_187 : memref<10240x128xf32, #tpu.memory_space<vmem_shared>>) offsets(%dma_start3A_184 : memref<128xi32, #tpu.memory_space<vmem>>) semaphore(%run_scoped3A_181 : memref<!tpu.dma_semaphore, #tpu.memory_space<semaphore_mem>>) {add = true}
        %dma_wait3A_188 = arith.constant 0 : i32
        %dma_wait3A_189 = tpu.memref_slice %arg8[%select_n3A_38, %run_scoped3A_120, %dma_wait3A_188] : memref<2x8x128xi32, #tpu.memory_space<vmem>> -> memref<1x1x128xi32, #tpu.memory_space<vmem>>
        %dma_wait3A_190 = tpu.memref_squeeze %dma_wait3A_189 : memref<1x1x128xi32, #tpu.memory_space<vmem>> -> memref<128xi32, #tpu.memory_space<vmem>>
        %dma_wait3A_191 = arith.constant 0 : i32
        %dma_wait3A_192 = arith.constant 0 : i32
        %dma_wait3A_193 = tpu.memref_slice %arg11[%dma_wait3A_191, %dma_wait3A_192] : memref<10240x128xf32, #tpu.memory_space<vmem_shared>> -> memref<10240x128xf32, #tpu.memory_space<vmem_shared>>
        tpu.wait_indirect_dma semaphore(%run_scoped3A_181 : memref<!tpu.dma_semaphore, #tpu.memory_space<semaphore_mem>>) src(%arg10 : memref<128x128xf32, #tpu.memory_space<vmem>>) dst(%dma_wait3A_193 : memref<10240x128xf32, #tpu.memory_space<vmem_shared>>)
        tpu.yield
      }) : () -> ()
      %dma_wait3A_121 = arith.constant 4 : i32
      %dma_wait3A_122 = arith.constant 0 : i32
      %dma_wait3A_123 = tpu.memref_slice %arg7[%select_n3A_38, %dma_wait3A_121, %dma_wait3A_122] : memref<2x8x128xi32, #tpu.memory_space<vmem>> -> memref<1x1x128xi32, #tpu.memory_space<vmem>>
      %dma_wait3A_124 = tpu.memref_squeeze %dma_wait3A_123 : memref<1x1x128xi32, #tpu.memory_space<vmem>> -> memref<128xi32, #tpu.memory_space<vmem>>
      %dma_wait3A_125 = arith.constant 0 : i32
      %dma_wait3A_126 = arith.constant 0 : i32
      %dma_wait3A_127 = tpu.memref_slice %arg2[%dma_wait3A_125, %dma_wait3A_126] : memref<10000x128xf32, #tpu.memory_space<hbm>> -> memref<10000x128xf32, #tpu.memory_space<hbm>>
      tpu.wait_indirect_dma semaphore(%arg12 : memref<!tpu.dma_semaphore, #tpu.memory_space<semaphore_mem>>) src(%dma_wait3A_127 : memref<10000x128xf32, #tpu.memory_space<hbm>>) dst(%arg9 : memref<128x128xf32, #tpu.memory_space<vmem>>)
      %dma_start3A_128 = arith.constant 5 : i32
      %dma_start3A_129 = arith.constant 0 : i32
      %dma_start3A_130 = tpu.memref_slice %arg7[%select_n3A_38, %dma_start3A_128, %dma_start3A_129] : memref<2x8x128xi32, #tpu.memory_space<vmem>> -> memref<1x1x128xi32, #tpu.memory_space<vmem>>
      %dma_start3A_131 = tpu.memref_squeeze %dma_start3A_130 : memref<1x1x128xi32, #tpu.memory_space<vmem>> -> memref<128xi32, #tpu.memory_space<vmem>>
      %dma_start3A_132 = arith.constant 0 : i32
      %dma_start3A_133 = arith.constant 0 : i32
      %dma_start3A_134 = tpu.memref_slice %arg2[%dma_start3A_132, %dma_start3A_133] : memref<10000x128xf32, #tpu.memory_space<hbm>> -> memref<10000x128xf32, #tpu.memory_space<hbm>>
      tpu.enqueue_indirect_dma source(%dma_start3A_134 : memref<10000x128xf32, #tpu.memory_space<hbm>>) target(%arg10 : memref<128x128xf32, #tpu.memory_space<vmem>>) offsets(%dma_start3A_131 : memref<128xi32, #tpu.memory_space<vmem>>) semaphore(%arg13 : memref<!tpu.dma_semaphore, #tpu.memory_space<semaphore_mem>>)
      %run_scoped3A_135 = arith.constant 4 : i32
      "tpu.region"() ({
        %run_scoped3A_181 = tpu.sem_alloc : memref<!tpu.dma_semaphore, #tpu.memory_space<semaphore_mem>>
        %dma_start3A_182 = arith.constant 0 : i32
        %dma_start3A_183 = tpu.memref_slice %arg8[%select_n3A_38, %run_scoped3A_135, %dma_start3A_182] : memref<2x8x128xi32, #tpu.memory_space<vmem>> -> memref<1x1x128xi32, #tpu.memory_space<vmem>>
        %dma_start3A_184 = tpu.memref_squeeze %dma_start3A_183 : memref<1x1x128xi32, #tpu.memory_space<vmem>> -> memref<128xi32, #tpu.memory_space<vmem>>
        %dma_start3A_185 = arith.constant 0 : i32
        %dma_start3A_186 = arith.constant 0 : i32
        %dma_start3A_187 = tpu.memref_slice %arg11[%dma_start3A_185, %dma_start3A_186] : memref<10240x128xf32, #tpu.memory_space<vmem_shared>> -> memref<10240x128xf32, #tpu.memory_space<vmem_shared>>
        tpu.enqueue_indirect_dma source(%arg9 : memref<128x128xf32, #tpu.memory_space<vmem>>) target(%dma_start3A_187 : memref<10240x128xf32, #tpu.memory_space<vmem_shared>>) offsets(%dma_start3A_184 : memref<128xi32, #tpu.memory_space<vmem>>) semaphore(%run_scoped3A_181 : memref<!tpu.dma_semaphore, #tpu.memory_space<semaphore_mem>>) {add = true}
        %dma_wait3A_188 = arith.constant 0 : i32
        %dma_wait3A_189 = tpu.memref_slice %arg8[%select_n3A_38, %run_scoped3A_135, %dma_wait3A_188] : memref<2x8x128xi32, #tpu.memory_space<vmem>> -> memref<1x1x128xi32, #tpu.memory_space<vmem>>
        %dma_wait3A_190 = tpu.memref_squeeze %dma_wait3A_189 : memref<1x1x128xi32, #tpu.memory_space<vmem>> -> memref<128xi32, #tpu.memory_space<vmem>>
        %dma_wait3A_191 = arith.constant 0 : i32
        %dma_wait3A_192 = arith.constant 0 : i32
        %dma_wait3A_193 = tpu.memref_slice %arg11[%dma_wait3A_191, %dma_wait3A_192] : memref<10240x128xf32, #tpu.memory_space<vmem_shared>> -> memref<10240x128xf32, #tpu.memory_space<vmem_shared>>
        tpu.wait_indirect_dma semaphore(%run_scoped3A_181 : memref<!tpu.dma_semaphore, #tpu.memory_space<semaphore_mem>>) src(%arg9 : memref<128x128xf32, #tpu.memory_space<vmem>>) dst(%dma_wait3A_193 : memref<10240x128xf32, #tpu.memory_space<vmem_shared>>)
        tpu.yield
      }) : () -> ()
      %dma_wait3A_136 = arith.constant 5 : i32
      %dma_wait3A_137 = arith.constant 0 : i32
      %dma_wait3A_138 = tpu.memref_slice %arg7[%select_n3A_38, %dma_wait3A_136, %dma_wait3A_137] : memref<2x8x128xi32, #tpu.memory_space<vmem>> -> memref<1x1x128xi32, #tpu.memory_space<vmem>>
      %dma_wait3A_139 = tpu.memref_squeeze %dma_wait3A_138 : memref<1x1x128xi32, #tpu.memory_space<vmem>> -> memref<128xi32, #tpu.memory_space<vmem>>
      %dma_wait3A_140 = arith.constant 0 : i32
      %dma_wait3A_141 = arith.constant 0 : i32
      %dma_wait3A_142 = tpu.memref_slice %arg2[%dma_wait3A_140, %dma_wait3A_141] : memref<10000x128xf32, #tpu.memory_space<hbm>> -> memref<10000x128xf32, #tpu.memory_space<hbm>>
      tpu.wait_indirect_dma semaphore(%arg13 : memref<!tpu.dma_semaphore, #tpu.memory_space<semaphore_mem>>) src(%dma_wait3A_142 : memref<10000x128xf32, #tpu.memory_space<hbm>>) dst(%arg10 : memref<128x128xf32, #tpu.memory_space<vmem>>)
      %dma_start3A_143 = arith.constant 6 : i32
      %dma_start3A_144 = arith.constant 0 : i32
      %dma_start3A_145 = tpu.memref_slice %arg7[%select_n3A_38, %dma_start3A_143, %dma_start3A_144] : memref<2x8x128xi32, #tpu.memory_space<vmem>> -> memref<1x1x128xi32, #tpu.memory_space<vmem>>
      %dma_start3A_146 = tpu.memref_squeeze %dma_start3A_145 : memref<1x1x128xi32, #tpu.memory_space<vmem>> -> memref<128xi32, #tpu.memory_space<vmem>>
      %dma_start3A_147 = arith.constant 0 : i32
      %dma_start3A_148 = arith.constant 0 : i32
      %dma_start3A_149 = tpu.memref_slice %arg2[%dma_start3A_147, %dma_start3A_148] : memref<10000x128xf32, #tpu.memory_space<hbm>> -> memref<10000x128xf32, #tpu.memory_space<hbm>>
      tpu.enqueue_indirect_dma source(%dma_start3A_149 : memref<10000x128xf32, #tpu.memory_space<hbm>>) target(%arg9 : memref<128x128xf32, #tpu.memory_space<vmem>>) offsets(%dma_start3A_146 : memref<128xi32, #tpu.memory_space<vmem>>) semaphore(%arg12 : memref<!tpu.dma_semaphore, #tpu.memory_space<semaphore_mem>>)
      %run_scoped3A_150 = arith.constant 5 : i32
      "tpu.region"() ({
        %run_scoped3A_181 = tpu.sem_alloc : memref<!tpu.dma_semaphore, #tpu.memory_space<semaphore_mem>>
        %dma_start3A_182 = arith.constant 0 : i32
        %dma_start3A_183 = tpu.memref_slice %arg8[%select_n3A_38, %run_scoped3A_150, %dma_start3A_182] : memref<2x8x128xi32, #tpu.memory_space<vmem>> -> memref<1x1x128xi32, #tpu.memory_space<vmem>>
        %dma_start3A_184 = tpu.memref_squeeze %dma_start3A_183 : memref<1x1x128xi32, #tpu.memory_space<vmem>> -> memref<128xi32, #tpu.memory_space<vmem>>
        %dma_start3A_185 = arith.constant 0 : i32
        %dma_start3A_186 = arith.constant 0 : i32
        %dma_start3A_187 = tpu.memref_slice %arg11[%dma_start3A_185, %dma_start3A_186] : memref<10240x128xf32, #tpu.memory_space<vmem_shared>> -> memref<10240x128xf32, #tpu.memory_space<vmem_shared>>
        tpu.enqueue_indirect_dma source(%arg10 : memref<128x128xf32, #tpu.memory_space<vmem>>) target(%dma_start3A_187 : memref<10240x128xf32, #tpu.memory_space<vmem_shared>>) offsets(%dma_start3A_184 : memref<128xi32, #tpu.memory_space<vmem>>) semaphore(%run_scoped3A_181 : memref<!tpu.dma_semaphore, #tpu.memory_space<semaphore_mem>>) {add = true}
        %dma_wait3A_188 = arith.constant 0 : i32
        %dma_wait3A_189 = tpu.memref_slice %arg8[%select_n3A_38, %run_scoped3A_150, %dma_wait3A_188] : memref<2x8x128xi32, #tpu.memory_space<vmem>> -> memref<1x1x128xi32, #tpu.memory_space<vmem>>
        %dma_wait3A_190 = tpu.memref_squeeze %dma_wait3A_189 : memref<1x1x128xi32, #tpu.memory_space<vmem>> -> memref<128xi32, #tpu.memory_space<vmem>>
        %dma_wait3A_191 = arith.constant 0 : i32
        %dma_wait3A_192 = arith.constant 0 : i32
        %dma_wait3A_193 = tpu.memref_slice %arg11[%dma_wait3A_191, %dma_wait3A_192] : memref<10240x128xf32, #tpu.memory_space<vmem_shared>> -> memref<10240x128xf32, #tpu.memory_space<vmem_shared>>
        tpu.wait_indirect_dma semaphore(%run_scoped3A_181 : memref<!tpu.dma_semaphore, #tpu.memory_space<semaphore_mem>>) src(%arg10 : memref<128x128xf32, #tpu.memory_space<vmem>>) dst(%dma_wait3A_193 : memref<10240x128xf32, #tpu.memory_space<vmem_shared>>)
        tpu.yield
      }) : () -> ()
      %dma_wait3A_151 = arith.constant 6 : i32
      %dma_wait3A_152 = arith.constant 0 : i32
      %dma_wait3A_153 = tpu.memref_slice %arg7[%select_n3A_38, %dma_wait3A_151, %dma_wait3A_152] : memref<2x8x128xi32, #tpu.memory_space<vmem>> -> memref<1x1x128xi32, #tpu.memory_space<vmem>>
      %dma_wait3A_154 = tpu.memref_squeeze %dma_wait3A_153 : memref<1x1x128xi32, #tpu.memory_space<vmem>> -> memref<128xi32, #tpu.memory_space<vmem>>
      %dma_wait3A_155 = arith.constant 0 : i32
      %dma_wait3A_156 = arith.constant 0 : i32
      %dma_wait3A_157 = tpu.memref_slice %arg2[%dma_wait3A_155, %dma_wait3A_156] : memref<10000x128xf32, #tpu.memory_space<hbm>> -> memref<10000x128xf32, #tpu.memory_space<hbm>>
      tpu.wait_indirect_dma semaphore(%arg12 : memref<!tpu.dma_semaphore, #tpu.memory_space<semaphore_mem>>) src(%dma_wait3A_157 : memref<10000x128xf32, #tpu.memory_space<hbm>>) dst(%arg9 : memref<128x128xf32, #tpu.memory_space<vmem>>)
      %dma_start3A_158 = arith.constant 7 : i32
      %dma_start3A_159 = arith.constant 0 : i32
      %dma_start3A_160 = tpu.memref_slice %arg7[%select_n3A_38, %dma_start3A_158, %dma_start3A_159] : memref<2x8x128xi32, #tpu.memory_space<vmem>> -> memref<1x1x128xi32, #tpu.memory_space<vmem>>
      %dma_start3A_161 = tpu.memref_squeeze %dma_start3A_160 : memref<1x1x128xi32, #tpu.memory_space<vmem>> -> memref<128xi32, #tpu.memory_space<vmem>>
      %dma_start3A_162 = arith.constant 0 : i32
      %dma_start3A_163 = arith.constant 0 : i32
      %dma_start3A_164 = tpu.memref_slice %arg2[%dma_start3A_162, %dma_start3A_163] : memref<10000x128xf32, #tpu.memory_space<hbm>> -> memref<10000x128xf32, #tpu.memory_space<hbm>>
      tpu.enqueue_indirect_dma source(%dma_start3A_164 : memref<10000x128xf32, #tpu.memory_space<hbm>>) target(%arg10 : memref<128x128xf32, #tpu.memory_space<vmem>>) offsets(%dma_start3A_161 : memref<128xi32, #tpu.memory_space<vmem>>) semaphore(%arg13 : memref<!tpu.dma_semaphore, #tpu.memory_space<semaphore_mem>>)
      %run_scoped3A_165 = arith.constant 6 : i32
      "tpu.region"() ({
        %run_scoped3A_181 = tpu.sem_alloc : memref<!tpu.dma_semaphore, #tpu.memory_space<semaphore_mem>>
        %dma_start3A_182 = arith.constant 0 : i32
        %dma_start3A_183 = tpu.memref_slice %arg8[%select_n3A_38, %run_scoped3A_165, %dma_start3A_182] : memref<2x8x128xi32, #tpu.memory_space<vmem>> -> memref<1x1x128xi32, #tpu.memory_space<vmem>>
        %dma_start3A_184 = tpu.memref_squeeze %dma_start3A_183 : memref<1x1x128xi32, #tpu.memory_space<vmem>> -> memref<128xi32, #tpu.memory_space<vmem>>
        %dma_start3A_185 = arith.constant 0 : i32
        %dma_start3A_186 = arith.constant 0 : i32
        %dma_start3A_187 = tpu.memref_slice %arg11[%dma_start3A_185, %dma_start3A_186] : memref<10240x128xf32, #tpu.memory_space<vmem_shared>> -> memref<10240x128xf32, #tpu.memory_space<vmem_shared>>
        tpu.enqueue_indirect_dma source(%arg9 : memref<128x128xf32, #tpu.memory_space<vmem>>) target(%dma_start3A_187 : memref<10240x128xf32, #tpu.memory_space<vmem_shared>>) offsets(%dma_start3A_184 : memref<128xi32, #tpu.memory_space<vmem>>) semaphore(%run_scoped3A_181 : memref<!tpu.dma_semaphore, #tpu.memory_space<semaphore_mem>>) {add = true}
        %dma_wait3A_188 = arith.constant 0 : i32
        %dma_wait3A_189 = tpu.memref_slice %arg8[%select_n3A_38, %run_scoped3A_165, %dma_wait3A_188] : memref<2x8x128xi32, #tpu.memory_space<vmem>> -> memref<1x1x128xi32, #tpu.memory_space<vmem>>
        %dma_wait3A_190 = tpu.memref_squeeze %dma_wait3A_189 : memref<1x1x128xi32, #tpu.memory_space<vmem>> -> memref<128xi32, #tpu.memory_space<vmem>>
        %dma_wait3A_191 = arith.constant 0 : i32
        %dma_wait3A_192 = arith.constant 0 : i32
        %dma_wait3A_193 = tpu.memref_slice %arg11[%dma_wait3A_191, %dma_wait3A_192] : memref<10240x128xf32, #tpu.memory_space<vmem_shared>> -> memref<10240x128xf32, #tpu.memory_space<vmem_shared>>
        tpu.wait_indirect_dma semaphore(%run_scoped3A_181 : memref<!tpu.dma_semaphore, #tpu.memory_space<semaphore_mem>>) src(%arg9 : memref<128x128xf32, #tpu.memory_space<vmem>>) dst(%dma_wait3A_193 : memref<10240x128xf32, #tpu.memory_space<vmem_shared>>)
        tpu.yield
      }) : () -> ()
      %dma_wait3A_166 = arith.constant 7 : i32
      %dma_wait3A_167 = arith.constant 0 : i32
      %dma_wait3A_168 = tpu.memref_slice %arg7[%select_n3A_38, %dma_wait3A_166, %dma_wait3A_167] : memref<2x8x128xi32, #tpu.memory_space<vmem>> -> memref<1x1x128xi32, #tpu.memory_space<vmem>>
      %dma_wait3A_169 = tpu.memref_squeeze %dma_wait3A_168 : memref<1x1x128xi32, #tpu.memory_space<vmem>> -> memref<128xi32, #tpu.memory_space<vmem>>
      %dma_wait3A_170 = arith.constant 0 : i32
      %dma_wait3A_171 = arith.constant 0 : i32
      %dma_wait3A_172 = tpu.memref_slice %arg2[%dma_wait3A_170, %dma_wait3A_171] : memref<10000x128xf32, #tpu.memory_space<hbm>> -> memref<10000x128xf32, #tpu.memory_space<hbm>>
      tpu.wait_indirect_dma semaphore(%arg13 : memref<!tpu.dma_semaphore, #tpu.memory_space<semaphore_mem>>) src(%dma_wait3A_172 : memref<10000x128xf32, #tpu.memory_space<hbm>>) dst(%arg10 : memref<128x128xf32, #tpu.memory_space<vmem>>)
      %add3A_173 = arith.constant 1 : i32
      %add3A_174 = arith.addi %scan3A_29, %add3A_173 : i32
      %lt3A_175 = arith.constant 10 : i32
      %lt3A_176 = arith.cmpi slt, %add3A_174, %lt3A_175 : i32
      %convert_element_type3A_177 = arith.extui %lt3A_176 : i1 to i32
      %cond3A_178 = arith.constant 0 : i32
      %cond3A_179 = arith.cmpi ne, %convert_element_type3A_177, %cond3A_178 : i32
      scf.if %cond3A_179 {
        %add3A_181 = arith.constant 1 : i32
        %add3A_182 = arith.addi %scan3A_29, %add3A_181 : i32
        %mul3A_183 = arith.constant 8 : i32
        %mul3A_184 = arith.muli %add3A_182, %mul3A_183 : i32
        %dma_wait3A_185 = arith.constant 0 : i32
        %dma_wait3A_186 = arith.constant 0 : i32
        %dma_wait3A_187 = tpu.memref_slice %arg7[%select_n3A_56, %dma_wait3A_185, %dma_wait3A_186] : memref<2x8x128xi32, #tpu.memory_space<vmem>> -> memref<1x8x128xi32, #tpu.memory_space<vmem>>
        %dma_wait3A_188 = tpu.memref_squeeze %dma_wait3A_187 : memref<1x8x128xi32, #tpu.memory_space<vmem>> -> memref<8x128xi32, #tpu.memory_space<vmem>>
        %dma_wait3A_189 = arith.constant 0 : i32
        %dma_wait3A_190 = tpu.memref_slice %arg3[%add3A, %mul3A_184, %dma_wait3A_189] : memref<32x80x128xi32, #tpu.memory_space<hbm>> -> memref<1x8x128xi32, #tpu.memory_space<hbm>>
        %dma_wait3A_191 = tpu.memref_squeeze %dma_wait3A_190 : memref<1x8x128xi32, #tpu.memory_space<hbm>> -> memref<8x128xi32, #tpu.memory_space<hbm>>
        %dma_wait3A_192 = arith.constant 0 : i32
        %dma_wait3A_193 = arith.constant 0 : i32
        %dma_wait3A_194 = tpu.memref_slice %arg7[%select_n3A_56, %dma_wait3A_192, %dma_wait3A_193] : memref<2x8x128xi32, #tpu.memory_space<vmem>> -> memref<1x8x128xi32, #tpu.memory_space<vmem>>
        %dma_wait3A_195 = tpu.memref_squeeze %dma_wait3A_194 : memref<1x8x128xi32, #tpu.memory_space<vmem>> -> memref<8x128xi32, #tpu.memory_space<vmem>>
        %dma_wait3A_196 = arith.constant 0 : i32
        %dma_wait3A_197 = tpu.memref_slice %arg3[%add3A, %mul3A_184, %dma_wait3A_196] : memref<32x80x128xi32, #tpu.memory_space<hbm>> -> memref<1x8x128xi32, #tpu.memory_space<hbm>>
        %dma_wait3A_198 = tpu.memref_squeeze %dma_wait3A_197 : memref<1x8x128xi32, #tpu.memory_space<hbm>> -> memref<8x128xi32, #tpu.memory_space<hbm>>
        tpu.wait_dma2 semaphore(%arg14 : memref<!tpu.dma_semaphore, #tpu.memory_space<semaphore_mem>>) src(%dma_wait3A_198 : memref<8x128xi32, #tpu.memory_space<hbm>>) dst(%dma_wait3A_195 : memref<8x128xi32, #tpu.memory_space<vmem>>)
        %add3A_199 = arith.constant 1 : i32
        %add3A_200 = arith.addi %scan3A_29, %add3A_199 : i32
        %mul3A_201 = arith.constant 8 : i32
        %mul3A_202 = arith.muli %add3A_200, %mul3A_201 : i32
        %dma_wait3A_203 = arith.constant 0 : i32
        %dma_wait3A_204 = arith.constant 0 : i32
        %dma_wait3A_205 = tpu.memref_slice %arg8[%select_n3A_56, %dma_wait3A_203, %dma_wait3A_204] : memref<2x8x128xi32, #tpu.memory_space<vmem>> -> memref<1x8x128xi32, #tpu.memory_space<vmem>>
        %dma_wait3A_206 = tpu.memref_squeeze %dma_wait3A_205 : memref<1x8x128xi32, #tpu.memory_space<vmem>> -> memref<8x128xi32, #tpu.memory_space<vmem>>
        %dma_wait3A_207 = arith.constant 0 : i32
        %dma_wait3A_208 = tpu.memref_slice %arg4[%add3A, %mul3A_202, %dma_wait3A_207] : memref<32x80x128xi32, #tpu.memory_space<hbm>> -> memref<1x8x128xi32, #tpu.memory_space<hbm>>
        %dma_wait3A_209 = tpu.memref_squeeze %dma_wait3A_208 : memref<1x8x128xi32, #tpu.memory_space<hbm>> -> memref<8x128xi32, #tpu.memory_space<hbm>>
        %dma_wait3A_210 = arith.constant 0 : i32
        %dma_wait3A_211 = arith.constant 0 : i32
        %dma_wait3A_212 = tpu.memref_slice %arg8[%select_n3A_56, %dma_wait3A_210, %dma_wait3A_211] : memref<2x8x128xi32, #tpu.memory_space<vmem>> -> memref<1x8x128xi32, #tpu.memory_space<vmem>>
        %dma_wait3A_213 = tpu.memref_squeeze %dma_wait3A_212 : memref<1x8x128xi32, #tpu.memory_space<vmem>> -> memref<8x128xi32, #tpu.memory_space<vmem>>
        %dma_wait3A_214 = arith.constant 0 : i32
        %dma_wait3A_215 = tpu.memref_slice %arg4[%add3A, %mul3A_202, %dma_wait3A_214] : memref<32x80x128xi32, #tpu.memory_space<hbm>> -> memref<1x8x128xi32, #tpu.memory_space<hbm>>
        %dma_wait3A_216 = tpu.memref_squeeze %dma_wait3A_215 : memref<1x8x128xi32, #tpu.memory_space<hbm>> -> memref<8x128xi32, #tpu.memory_space<hbm>>
        tpu.wait_dma2 semaphore(%arg14 : memref<!tpu.dma_semaphore, #tpu.memory_space<semaphore_mem>>) src(%dma_wait3A_216 : memref<8x128xi32, #tpu.memory_space<hbm>>) dst(%dma_wait3A_213 : memref<8x128xi32, #tpu.memory_space<vmem>>)
        %dma_start3A_217 = arith.constant 0 : i32
        %dma_start3A_218 = arith.constant 0 : i32
        %dma_start3A_219 = tpu.memref_slice %arg7[%select_n3A_56, %dma_start3A_217, %dma_start3A_218] : memref<2x8x128xi32, #tpu.memory_space<vmem>> -> memref<1x1x128xi32, #tpu.memory_space<vmem>>
        %dma_start3A_220 = tpu.memref_squeeze %dma_start3A_219 : memref<1x1x128xi32, #tpu.memory_space<vmem>> -> memref<128xi32, #tpu.memory_space<vmem>>
        %dma_start3A_221 = arith.constant 0 : i32
        %dma_start3A_222 = arith.constant 0 : i32
        %dma_start3A_223 = tpu.memref_slice %arg2[%dma_start3A_221, %dma_start3A_222] : memref<10000x128xf32, #tpu.memory_space<hbm>> -> memref<10000x128xf32, #tpu.memory_space<hbm>>
        tpu.enqueue_indirect_dma source(%dma_start3A_223 : memref<10000x128xf32, #tpu.memory_space<hbm>>) target(%arg9 : memref<128x128xf32, #tpu.memory_space<vmem>>) offsets(%dma_start3A_220 : memref<128xi32, #tpu.memory_space<vmem>>) semaphore(%arg12 : memref<!tpu.dma_semaphore, #tpu.memory_space<semaphore_mem>>)
      } else {
      }
      %run_scoped3A_180 = arith.constant 7 : i32
      "tpu.region"() ({
        %run_scoped3A_181 = tpu.sem_alloc : memref<!tpu.dma_semaphore, #tpu.memory_space<semaphore_mem>>
        %dma_start3A_182 = arith.constant 0 : i32
        %dma_start3A_183 = tpu.memref_slice %arg8[%select_n3A_38, %run_scoped3A_180, %dma_start3A_182] : memref<2x8x128xi32, #tpu.memory_space<vmem>> -> memref<1x1x128xi32, #tpu.memory_space<vmem>>
        %dma_start3A_184 = tpu.memref_squeeze %dma_start3A_183 : memref<1x1x128xi32, #tpu.memory_space<vmem>> -> memref<128xi32, #tpu.memory_space<vmem>>
        %dma_start3A_185 = arith.constant 0 : i32
        %dma_start3A_186 = arith.constant 0 : i32
        %dma_start3A_187 = tpu.memref_slice %arg11[%dma_start3A_185, %dma_start3A_186] : memref<10240x128xf32, #tpu.memory_space<vmem_shared>> -> memref<10240x128xf32, #tpu.memory_space<vmem_shared>>
        tpu.enqueue_indirect_dma source(%arg10 : memref<128x128xf32, #tpu.memory_space<vmem>>) target(%dma_start3A_187 : memref<10240x128xf32, #tpu.memory_space<vmem_shared>>) offsets(%dma_start3A_184 : memref<128xi32, #tpu.memory_space<vmem>>) semaphore(%run_scoped3A_181 : memref<!tpu.dma_semaphore, #tpu.memory_space<semaphore_mem>>) {add = true}
        %dma_wait3A_188 = arith.constant 0 : i32
        %dma_wait3A_189 = tpu.memref_slice %arg8[%select_n3A_38, %run_scoped3A_180, %dma_wait3A_188] : memref<2x8x128xi32, #tpu.memory_space<vmem>> -> memref<1x1x128xi32, #tpu.memory_space<vmem>>
        %dma_wait3A_190 = tpu.memref_squeeze %dma_wait3A_189 : memref<1x1x128xi32, #tpu.memory_space<vmem>> -> memref<128xi32, #tpu.memory_space<vmem>>
        %dma_wait3A_191 = arith.constant 0 : i32
        %dma_wait3A_192 = arith.constant 0 : i32
        %dma_wait3A_193 = tpu.memref_slice %arg11[%dma_wait3A_191, %dma_wait3A_192] : memref<10240x128xf32, #tpu.memory_space<vmem_shared>> -> memref<10240x128xf32, #tpu.memory_space<vmem_shared>>
        tpu.wait_indirect_dma semaphore(%run_scoped3A_181 : memref<!tpu.dma_semaphore, #tpu.memory_space<semaphore_mem>>) src(%arg10 : memref<128x128xf32, #tpu.memory_space<vmem>>) dst(%dma_wait3A_193 : memref<10240x128xf32, #tpu.memory_space<vmem_shared>>)
        tpu.yield
      }) : () -> ()
    }
    %scan3A_21 = arith.constant 10 : i32
    %barrier3A_22 = arith.constant 0 : index
    tpu.barrier barrier_id(%barrier3A_22)
    %scan3A_23 = arith.constant 0 : i32
    %scan3A_24 = arith.constant 0 : i32
    %scan3A_25 = arith.constant 5 : i32
    %scan3A_26 = arith.addi %scan3A_24, %scan3A_25 : i32
    %scan3A_27 = arith.constant 1 : i32
    scf.for %scan3A_29 = %scan3A_24 to %scan3A_26 step %scan3A_27  : i32 {
      %mul3A_30 = arith.constant 128 : i32
      %mul3A_31 = arith.muli %scan3A_29, %mul3A_30 : i32
      %add3A_32 = arith.addi %mul3A_2, %mul3A_31 : i32
      "tpu.region"() ({
        %run_scoped3A_33 = tpu.sem_alloc : memref<!tpu.dma_semaphore, #tpu.memory_space<semaphore_mem>>
        %dma_start3A_34 = arith.constant 0 : i32
        %dma_start3A_35 = tpu.memref_slice %arg11[%add3A_32, %dma_start3A_34] : memref<10240x128xf32, #tpu.memory_space<vmem_shared>> -> memref<128x128xf32, #tpu.memory_space<vmem_shared>>
        %dma_start3A_36 = arith.constant 0 : i32
        %dma_start3A_37 = tpu.memref_slice %arg11[%add3A_32, %dma_start3A_36] : memref<10240x128xf32, #tpu.memory_space<vmem_shared>> -> memref<128x128xf32, #tpu.memory_space<vmem_shared>>
        tpu.enqueue_dma source(%dma_start3A_37 : memref<128x128xf32, #tpu.memory_space<vmem_shared>>) target(%arg9 : memref<128x128xf32, #tpu.memory_space<vmem>>) target_semaphore(%run_scoped3A_33 : memref<!tpu.dma_semaphore, #tpu.memory_space<semaphore_mem>>)
        %dma_wait3A = arith.constant 0 : i32
        %dma_wait3A_38 = tpu.memref_slice %arg11[%add3A_32, %dma_wait3A] : memref<10240x128xf32, #tpu.memory_space<vmem_shared>> -> memref<128x128xf32, #tpu.memory_space<vmem_shared>>
        %dma_wait3A_39 = arith.constant 0 : i32
        %dma_wait3A_40 = tpu.memref_slice %arg11[%add3A_32, %dma_wait3A_39] : memref<10240x128xf32, #tpu.memory_space<vmem_shared>> -> memref<128x128xf32, #tpu.memory_space<vmem_shared>>
        tpu.wait_dma2 semaphore(%run_scoped3A_33 : memref<!tpu.dma_semaphore, #tpu.memory_space<semaphore_mem>>) src(%dma_wait3A_40 : memref<128x128xf32, #tpu.memory_space<vmem_shared>>) dst(%arg9 : memref<128x128xf32, #tpu.memory_space<vmem>>)
        tpu.yield
      }) : () -> ()
      "tpu.region"() ({
        %run_scoped3A_33 = tpu.sem_alloc : memref<!tpu.dma_semaphore, #tpu.memory_space<semaphore_mem>>
        %dma_start3A_34 = arith.constant 0 : i32
        %dma_start3A_35 = tpu.memref_slice %arg6[%arg0, %add3A_32, %dma_start3A_34] : memref<2x10240x128xf32, #tpu.memory_space<hbm>> -> memref<1x128x128xf32, #tpu.memory_space<hbm>>
        %dma_start3A_36 = tpu.memref_squeeze %dma_start3A_35 : memref<1x128x128xf32, #tpu.memory_space<hbm>> -> memref<128x128xf32, #tpu.memory_space<hbm>>
        %dma_start3A_37 = arith.constant 0 : i32
        %dma_start3A_38 = tpu.memref_slice %arg6[%arg0, %add3A_32, %dma_start3A_37] : memref<2x10240x128xf32, #tpu.memory_space<hbm>> -> memref<1x128x128xf32, #tpu.memory_space<hbm>>
        %dma_start3A_39 = tpu.memref_squeeze %dma_start3A_38 : memref<1x128x128xf32, #tpu.memory_space<hbm>> -> memref<128x128xf32, #tpu.memory_space<hbm>>
        tpu.enqueue_dma source(%arg9 : memref<128x128xf32, #tpu.memory_space<vmem>>) target(%dma_start3A_39 : memref<128x128xf32, #tpu.memory_space<hbm>>) target_semaphore(%run_scoped3A_33 : memref<!tpu.dma_semaphore, #tpu.memory_space<semaphore_mem>>)
        %dma_wait3A = arith.constant 0 : i32
        %dma_wait3A_40 = tpu.memref_slice %arg6[%arg0, %add3A_32, %dma_wait3A] : memref<2x10240x128xf32, #tpu.memory_space<hbm>> -> memref<1x128x128xf32, #tpu.memory_space<hbm>>
        %dma_wait3A_41 = tpu.memref_squeeze %dma_wait3A_40 : memref<1x128x128xf32, #tpu.memory_space<hbm>> -> memref<128x128xf32, #tpu.memory_space<hbm>>
        %dma_wait3A_42 = arith.constant 0 : i32
        %dma_wait3A_43 = tpu.memref_slice %arg6[%arg0, %add3A_32, %dma_wait3A_42] : memref<2x10240x128xf32, #tpu.memory_space<hbm>> -> memref<1x128x128xf32, #tpu.memory_space<hbm>>
        %dma_wait3A_44 = tpu.memref_squeeze %dma_wait3A_43 : memref<1x128x128xf32, #tpu.memory_space<hbm>> -> memref<128x128xf32, #tpu.memory_space<hbm>>
        tpu.wait_dma2 semaphore(%run_scoped3A_33 : memref<!tpu.dma_semaphore, #tpu.memory_space<semaphore_mem>>) src(%arg9 : memref<128x128xf32, #tpu.memory_space<vmem>>) dst(%dma_wait3A_44 : memref<128x128xf32, #tpu.memory_space<hbm>>)
        tpu.yield
      }) : () -> ()
    }
    %scan3A_28 = arith.constant 5 : i32
    return
  }
}

#map = affine_map<(d0, d1) -> (0, 0)>
#map1 = affine_map<(d0, d1) -> (0, 0, 0)>
module attributes {stable_mosaic.version = 14 : i64} {
  func.func @sc_agg(%arg0: i32, %arg1: i32, %arg2: memref<10000x128xf32, #tpu.memory_space<hbm>>, %arg3: memref<32x80x128xi32, #tpu.memory_space<hbm>>, %arg4: memref<32x80x128xi32, #tpu.memory_space<hbm>>, %arg5: memref<128x128xf32, #tpu.memory_space<hbm>>, %arg6: memref<2x10240x128xf32, #tpu.memory_space<hbm>>, %arg7: memref<2x8x128xi32, #tpu.memory_space<vmem>>, %arg8: memref<2x8x128xi32, #tpu.memory_space<vmem>>, %arg9: memref<128x128xf32, #tpu.memory_space<vmem>>, %arg10: memref<128x128xf32, #tpu.memory_space<vmem>>, %arg11: memref<10240x128xf32, #tpu.memory_space<vmem_shared>>, %arg12: memref<!tpu.dma_semaphore, #tpu.memory_space<semaphore_mem>>, %arg13: memref<!tpu.dma_semaphore, #tpu.memory_space<semaphore_mem>>, %arg14: memref<!tpu.dma_semaphore, #tpu.memory_space<semaphore_mem>>) attributes {dimension_semantics = [#tpu.dimension_semantics<core_parallel>, #tpu.dimension_semantics<subcore_parallel>], iteration_bounds = array<i64: 2, 16>, scalar_prefetch = 0 : i64, scratch_operands = 8 : i64, tpu.core_type = #tpu.core_type<sc_vector_subcore>, window_params = [{transform_indices = #map}, {transform_indices = #map1}, {transform_indices = #map1}, {transform_indices = #map}, {transform_indices = #map1}]} {
    %mul3A = arith.constant 2 : i32
    %mul3A_0 = arith.muli %arg1, %mul3A : i32
    %add3A = arith.addi %mul3A_0, %arg0 : i32
    %mul3A_1 = arith.constant 640 : i32
    %mul3A_2 = arith.muli %arg1, %mul3A_1 : i32
    %run_scoped3A = arith.constant 0 : i32
    "tpu.region"() ({
      %run_scoped3A_29 = tpu.sem_alloc : memref<!tpu.dma_semaphore, #tpu.memory_space<semaphore_mem>>
      %dma_start3A_30 = arith.constant 0 : i32
      %dma_start3A_31 = arith.constant 0 : i32
      %dma_start3A_32 = tpu.memref_slice %arg7[%run_scoped3A, %dma_start3A_30, %dma_start3A_31] : memref<2x8x128xi32, #tpu.memory_space<vmem>> -> memref<1x8x128xi32, #tpu.memory_space<vmem>>
      %dma_start3A_33 = tpu.memref_squeeze %dma_start3A_32 : memref<1x8x128xi32, #tpu.memory_space<vmem>> -> memref<8x128xi32, #tpu.memory_space<vmem>>
      %dma_start3A_34 = arith.constant 0 : i32
      %dma_start3A_35 = arith.constant 0 : i32
      %dma_start3A_36 = tpu.memref_slice %arg3[%add3A, %dma_start3A_34, %dma_start3A_35] : memref<32x80x128xi32, #tpu.memory_space<hbm>> -> memref<1x8x128xi32, #tpu.memory_space<hbm>>
      %dma_start3A_37 = tpu.memref_squeeze %dma_start3A_36 : memref<1x8x128xi32, #tpu.memory_space<hbm>> -> memref<8x128xi32, #tpu.memory_space<hbm>>
      %dma_start3A_38 = arith.constant 0 : i32
      %dma_start3A_39 = arith.constant 0 : i32
      %dma_start3A_40 = tpu.memref_slice %arg7[%run_scoped3A, %dma_start3A_38, %dma_start3A_39] : memref<2x8x128xi32, #tpu.memory_space<vmem>> -> memref<1x8x128xi32, #tpu.memory_space<vmem>>
      %dma_start3A_41 = tpu.memref_squeeze %dma_start3A_40 : memref<1x8x128xi32, #tpu.memory_space<vmem>> -> memref<8x128xi32, #tpu.memory_space<vmem>>
      %dma_start3A_42 = arith.constant 0 : i32
      %dma_start3A_43 = arith.constant 0 : i32
      %dma_start3A_44 = tpu.memref_slice %arg3[%add3A, %dma_start3A_42, %dma_start3A_43] : memref<32x80x128xi32, #tpu.memory_space<hbm>> -> memref<1x8x128xi32, #tpu.memory_space<hbm>>
      %dma_start3A_45 = tpu.memref_squeeze %dma_start3A_44 : memref<1x8x128xi32, #tpu.memory_space<hbm>> -> memref<8x128xi32, #tpu.memory_space<hbm>>
      tpu.enqueue_dma source(%dma_start3A_45 : memref<8x128xi32, #tpu.memory_space<hbm>>) target(%dma_start3A_41 : memref<8x128xi32, #tpu.memory_space<vmem>>) target_semaphore(%run_scoped3A_29 : memref<!tpu.dma_semaphore, #tpu.memory_space<semaphore_mem>>)
      %dma_wait3A = arith.constant 0 : i32
      %dma_wait3A_46 = arith.constant 0 : i32
      %dma_wait3A_47 = tpu.memref_slice %arg7[%run_scoped3A, %dma_wait3A, %dma_wait3A_46] : memref<2x8x128xi32, #tpu.memory_space<vmem>> -> memref<1x8x128xi32, #tpu.memory_space<vmem>>
      %dma_wait3A_48 = tpu.memref_squeeze %dma_wait3A_47 : memref<1x8x128xi32, #tpu.memory_space<vmem>> -> memref<8x128xi32, #tpu.memory_space<vmem>>
      %dma_wait3A_49 = arith.constant 0 : i32
      %dma_wait3A_50 = arith.constant 0 : i32
      %dma_wait3A_51 = tpu.memref_slice %arg3[%add3A, %dma_wait3A_49, %dma_wait3A_50] : memref<32x80x128xi32, #tpu.memory_space<hbm>> -> memref<1x8x128xi32, #tpu.memory_space<hbm>>
      %dma_wait3A_52 = tpu.memref_squeeze %dma_wait3A_51 : memref<1x8x128xi32, #tpu.memory_space<hbm>> -> memref<8x128xi32, #tpu.memory_space<hbm>>
      %dma_wait3A_53 = arith.constant 0 : i32
      %dma_wait3A_54 = arith.constant 0 : i32
      %dma_wait3A_55 = tpu.memref_slice %arg7[%run_scoped3A, %dma_wait3A_53, %dma_wait3A_54] : memref<2x8x128xi32, #tpu.memory_space<vmem>> -> memref<1x8x128xi32, #tpu.memory_space<vmem>>
      %dma_wait3A_56 = tpu.memref_squeeze %dma_wait3A_55 : memref<1x8x128xi32, #tpu.memory_space<vmem>> -> memref<8x128xi32, #tpu.memory_space<vmem>>
      %dma_wait3A_57 = arith.constant 0 : i32
      %dma_wait3A_58 = arith.constant 0 : i32
      %dma_wait3A_59 = tpu.memref_slice %arg3[%add3A, %dma_wait3A_57, %dma_wait3A_58] : memref<32x80x128xi32, #tpu.memory_space<hbm>> -> memref<1x8x128xi32, #tpu.memory_space<hbm>>
      %dma_wait3A_60 = tpu.memref_squeeze %dma_wait3A_59 : memref<1x8x128xi32, #tpu.memory_space<hbm>> -> memref<8x128xi32, #tpu.memory_space<hbm>>
      tpu.wait_dma2 semaphore(%run_scoped3A_29 : memref<!tpu.dma_semaphore, #tpu.memory_space<semaphore_mem>>) src(%dma_wait3A_60 : memref<8x128xi32, #tpu.memory_space<hbm>>) dst(%dma_wait3A_56 : memref<8x128xi32, #tpu.memory_space<vmem>>)
      tpu.yield
    }) : () -> ()
    %run_scoped3A_3 = arith.constant 0 : i32
    "tpu.region"() ({
      %run_scoped3A_29 = tpu.sem_alloc : memref<!tpu.dma_semaphore, #tpu.memory_space<semaphore_mem>>
      %dma_start3A_30 = arith.constant 0 : i32
      %dma_start3A_31 = arith.constant 0 : i32
      %dma_start3A_32 = tpu.memref_slice %arg8[%run_scoped3A_3, %dma_start3A_30, %dma_start3A_31] : memref<2x8x128xi32, #tpu.memory_space<vmem>> -> memref<1x8x128xi32, #tpu.memory_space<vmem>>
      %dma_start3A_33 = tpu.memref_squeeze %dma_start3A_32 : memref<1x8x128xi32, #tpu.memory_space<vmem>> -> memref<8x128xi32, #tpu.memory_space<vmem>>
      %dma_start3A_34 = arith.constant 0 : i32
      %dma_start3A_35 = arith.constant 0 : i32
      %dma_start3A_36 = tpu.memref_slice %arg4[%add3A, %dma_start3A_34, %dma_start3A_35] : memref<32x80x128xi32, #tpu.memory_space<hbm>> -> memref<1x8x128xi32, #tpu.memory_space<hbm>>
      %dma_start3A_37 = tpu.memref_squeeze %dma_start3A_36 : memref<1x8x128xi32, #tpu.memory_space<hbm>> -> memref<8x128xi32, #tpu.memory_space<hbm>>
      %dma_start3A_38 = arith.constant 0 : i32
      %dma_start3A_39 = arith.constant 0 : i32
      %dma_start3A_40 = tpu.memref_slice %arg8[%run_scoped3A_3, %dma_start3A_38, %dma_start3A_39] : memref<2x8x128xi32, #tpu.memory_space<vmem>> -> memref<1x8x128xi32, #tpu.memory_space<vmem>>
      %dma_start3A_41 = tpu.memref_squeeze %dma_start3A_40 : memref<1x8x128xi32, #tpu.memory_space<vmem>> -> memref<8x128xi32, #tpu.memory_space<vmem>>
      %dma_start3A_42 = arith.constant 0 : i32
      %dma_start3A_43 = arith.constant 0 : i32
      %dma_start3A_44 = tpu.memref_slice %arg4[%add3A, %dma_start3A_42, %dma_start3A_43] : memref<32x80x128xi32, #tpu.memory_space<hbm>> -> memref<1x8x128xi32, #tpu.memory_space<hbm>>
      %dma_start3A_45 = tpu.memref_squeeze %dma_start3A_44 : memref<1x8x128xi32, #tpu.memory_space<hbm>> -> memref<8x128xi32, #tpu.memory_space<hbm>>
      tpu.enqueue_dma source(%dma_start3A_45 : memref<8x128xi32, #tpu.memory_space<hbm>>) target(%dma_start3A_41 : memref<8x128xi32, #tpu.memory_space<vmem>>) target_semaphore(%run_scoped3A_29 : memref<!tpu.dma_semaphore, #tpu.memory_space<semaphore_mem>>)
      %dma_wait3A = arith.constant 0 : i32
      %dma_wait3A_46 = arith.constant 0 : i32
      %dma_wait3A_47 = tpu.memref_slice %arg8[%run_scoped3A_3, %dma_wait3A, %dma_wait3A_46] : memref<2x8x128xi32, #tpu.memory_space<vmem>> -> memref<1x8x128xi32, #tpu.memory_space<vmem>>
      %dma_wait3A_48 = tpu.memref_squeeze %dma_wait3A_47 : memref<1x8x128xi32, #tpu.memory_space<vmem>> -> memref<8x128xi32, #tpu.memory_space<vmem>>
      %dma_wait3A_49 = arith.constant 0 : i32
      %dma_wait3A_50 = arith.constant 0 : i32
      %dma_wait3A_51 = tpu.memref_slice %arg4[%add3A, %dma_wait3A_49, %dma_wait3A_50] : memref<32x80x128xi32, #tpu.memory_space<hbm>> -> memref<1x8x128xi32, #tpu.memory_space<hbm>>
      %dma_wait3A_52 = tpu.memref_squeeze %dma_wait3A_51 : memref<1x8x128xi32, #tpu.memory_space<hbm>> -> memref<8x128xi32, #tpu.memory_space<hbm>>
      %dma_wait3A_53 = arith.constant 0 : i32
      %dma_wait3A_54 = arith.constant 0 : i32
      %dma_wait3A_55 = tpu.memref_slice %arg8[%run_scoped3A_3, %dma_wait3A_53, %dma_wait3A_54] : memref<2x8x128xi32, #tpu.memory_space<vmem>> -> memref<1x8x128xi32, #tpu.memory_space<vmem>>
      %dma_wait3A_56 = tpu.memref_squeeze %dma_wait3A_55 : memref<1x8x128xi32, #tpu.memory_space<vmem>> -> memref<8x128xi32, #tpu.memory_space<vmem>>
      %dma_wait3A_57 = arith.constant 0 : i32
      %dma_wait3A_58 = arith.constant 0 : i32
      %dma_wait3A_59 = tpu.memref_slice %arg4[%add3A, %dma_wait3A_57, %dma_wait3A_58] : memref<32x80x128xi32, #tpu.memory_space<hbm>> -> memref<1x8x128xi32, #tpu.memory_space<hbm>>
      %dma_wait3A_60 = tpu.memref_squeeze %dma_wait3A_59 : memref<1x8x128xi32, #tpu.memory_space<hbm>> -> memref<8x128xi32, #tpu.memory_space<hbm>>
      tpu.wait_dma2 semaphore(%run_scoped3A_29 : memref<!tpu.dma_semaphore, #tpu.memory_space<semaphore_mem>>) src(%dma_wait3A_60 : memref<8x128xi32, #tpu.memory_space<hbm>>) dst(%dma_wait3A_56 : memref<8x128xi32, #tpu.memory_space<vmem>>)
      tpu.yield
    }) : () -> ()
    "tpu.region"() ({
      %run_scoped3A_29 = tpu.sem_alloc : memref<!tpu.dma_semaphore, #tpu.memory_space<semaphore_mem>>
      tpu.enqueue_dma source(%arg5 : memref<128x128xf32, #tpu.memory_space<hbm>>) target(%arg9 : memref<128x128xf32, #tpu.memory_space<vmem>>) target_semaphore(%run_scoped3A_29 : memref<!tpu.dma_semaphore, #tpu.memory_space<semaphore_mem>>)
      tpu.wait_dma2 semaphore(%run_scoped3A_29 : memref<!tpu.dma_semaphore, #tpu.memory_space<semaphore_mem>>) src(%arg5 : memref<128x128xf32, #tpu.memory_space<hbm>>) dst(%arg9 : memref<128x128xf32, #tpu.memory_space<vmem>>)
      tpu.yield
    }) : () -> ()
    %scan3A = arith.constant 0 : i32
    %scan3A_4 = arith.constant 0 : i32
    %scan3A_5 = arith.constant 5 : i32
    %scan3A_6 = arith.addi %scan3A_4, %scan3A_5 : i32
    %scan3A_7 = arith.constant 1 : i32
    scf.for %scan3A_29 = %scan3A_4 to %scan3A_6 step %scan3A_7  : i32 {
      %mul3A_30 = arith.constant 128 : i32
      %mul3A_31 = arith.muli %scan3A_29, %mul3A_30 : i32
      %add3A_32 = arith.addi %mul3A_2, %mul3A_31 : i32
      "tpu.region"() ({
        %run_scoped3A_33 = tpu.sem_alloc : memref<!tpu.dma_semaphore, #tpu.memory_space<semaphore_mem>>
        %dma_start3A_34 = arith.constant 0 : i32
        %dma_start3A_35 = tpu.memref_slice %arg11[%add3A_32, %dma_start3A_34] : memref<10240x128xf32, #tpu.memory_space<vmem_shared>> -> memref<128x128xf32, #tpu.memory_space<vmem_shared>>
        %dma_start3A_36 = arith.constant 0 : i32
        %dma_start3A_37 = tpu.memref_slice %arg11[%add3A_32, %dma_start3A_36] : memref<10240x128xf32, #tpu.memory_space<vmem_shared>> -> memref<128x128xf32, #tpu.memory_space<vmem_shared>>
        tpu.enqueue_dma source(%arg9 : memref<128x128xf32, #tpu.memory_space<vmem>>) target(%dma_start3A_37 : memref<128x128xf32, #tpu.memory_space<vmem_shared>>) target_semaphore(%run_scoped3A_33 : memref<!tpu.dma_semaphore, #tpu.memory_space<semaphore_mem>>)
        %dma_wait3A = arith.constant 0 : i32
        %dma_wait3A_38 = tpu.memref_slice %arg11[%add3A_32, %dma_wait3A] : memref<10240x128xf32, #tpu.memory_space<vmem_shared>> -> memref<128x128xf32, #tpu.memory_space<vmem_shared>>
        %dma_wait3A_39 = arith.constant 0 : i32
        %dma_wait3A_40 = tpu.memref_slice %arg11[%add3A_32, %dma_wait3A_39] : memref<10240x128xf32, #tpu.memory_space<vmem_shared>> -> memref<128x128xf32, #tpu.memory_space<vmem_shared>>
        tpu.wait_dma2 semaphore(%run_scoped3A_33 : memref<!tpu.dma_semaphore, #tpu.memory_space<semaphore_mem>>) src(%arg9 : memref<128x128xf32, #tpu.memory_space<vmem>>) dst(%dma_wait3A_40 : memref<128x128xf32, #tpu.memory_space<vmem_shared>>)
        tpu.yield
      }) : () -> ()
    }
    %scan3A_8 = arith.constant 5 : i32
    %dma_start3A = arith.constant 0 : i32
    %dma_start3A_9 = arith.constant 0 : i32
    %dma_start3A_10 = arith.constant 0 : i32
    %dma_start3A_11 = tpu.memref_slice %arg7[%dma_start3A, %dma_start3A_9, %dma_start3A_10] : memref<2x8x128xi32, #tpu.memory_space<vmem>> -> memref<1x1x128xi32, #tpu.memory_space<vmem>>
    %dma_start3A_12 = tpu.memref_squeeze %dma_start3A_11 : memref<1x1x128xi32, #tpu.memory_space<vmem>> -> memref<128xi32, #tpu.memory_space<vmem>>
    %dma_start3A_13 = arith.constant 0 : i32
    %dma_start3A_14 = arith.constant 0 : i32
    %dma_start3A_15 = tpu.memref_slice %arg2[%dma_start3A_13, %dma_start3A_14] : memref<10000x128xf32, #tpu.memory_space<hbm>> -> memref<10000x128xf32, #tpu.memory_space<hbm>>
    tpu.enqueue_indirect_dma source(%dma_start3A_15 : memref<10000x128xf32, #tpu.memory_space<hbm>>) target(%arg9 : memref<128x128xf32, #tpu.memory_space<vmem>>) offsets(%dma_start3A_12 : memref<128xi32, #tpu.memory_space<vmem>>) semaphore(%arg12 : memref<!tpu.dma_semaphore, #tpu.memory_space<semaphore_mem>>)
    %barrier3A = arith.constant 0 : index
    tpu.barrier barrier_id(%barrier3A)
    %scan3A_16 = arith.constant 0 : i32
    %scan3A_17 = arith.constant 0 : i32
    %scan3A_18 = arith.constant 10 : i32
    %scan3A_19 = arith.addi %scan3A_17, %scan3A_18 : i32
    %scan3A_20 = arith.constant 1 : i32
    scf.for %scan3A_29 = %scan3A_17 to %scan3A_19 step %scan3A_20  : i32 {
      %jit3A = arith.constant 2 : i32
      %eq3A = arith.constant 0 : i32
      %eq3A_30 = arith.cmpi eq, %jit3A, %eq3A : i32
      %jit3A_31 = arith.constant 1 : i32
      %select_n3A = arith.select %eq3A_30, %jit3A_31, %jit3A : i32
      %rem3A = arith.remsi %scan3A_29, %select_n3A : i32
      %ne3A = arith.constant 0 : i32
      %ne3A_32 = arith.cmpi ne, %rem3A, %ne3A : i32
      %lt3A = arith.constant 0 : i32
      %lt3A_33 = arith.cmpi slt, %rem3A, %lt3A : i32
      %lt3A_34 = arith.constant 0 : i32
      %lt3A_35 = arith.cmpi slt, %select_n3A, %lt3A_34 : i32
      %ne3A_36 = arith.xori %lt3A_33, %lt3A_35 : i1
      %and3A = arith.andi %ne3A_36, %ne3A_32 : i1
      %add3A_37 = arith.addi %rem3A, %select_n3A : i32
      %select_n3A_38 = arith.select %and3A, %add3A_37, %rem3A : i32
      %add3A_39 = arith.constant 1 : i32
      %add3A_40 = arith.addi %scan3A_29, %add3A_39 : i32
      %jit3A_41 = arith.constant 2 : i32
      %eq3A_42 = arith.constant 0 : i32
      %eq3A_43 = arith.cmpi eq, %jit3A_41, %eq3A_42 : i32
      %jit3A_44 = arith.constant 1 : i32
      %select_n3A_45 = arith.select %eq3A_43, %jit3A_44, %jit3A_41 : i32
      %rem3A_46 = arith.remsi %add3A_40, %select_n3A_45 : i32
      %ne3A_47 = arith.constant 0 : i32
      %ne3A_48 = arith.cmpi ne, %rem3A_46, %ne3A_47 : i32
      %lt3A_49 = arith.constant 0 : i32
      %lt3A_50 = arith.cmpi slt, %rem3A_46, %lt3A_49 : i32
      %lt3A_51 = arith.constant 0 : i32
      %lt3A_52 = arith.cmpi slt, %select_n3A_45, %lt3A_51 : i32
      %ne3A_53 = arith.xori %lt3A_50, %lt3A_52 : i1
      %and3A_54 = arith.andi %ne3A_53, %ne3A_48 : i1
      %add3A_55 = arith.addi %rem3A_46, %select_n3A_45 : i32
      %select_n3A_56 = arith.select %and3A_54, %add3A_55, %rem3A_46 : i32
      %add3A_57 = arith.constant 1 : i32
      %add3A_58 = arith.addi %scan3A_29, %add3A_57 : i32
      %lt3A_59 = arith.constant 10 : i32
      %lt3A_60 = arith.cmpi slt, %add3A_58, %lt3A_59 : i32
      %convert_element_type3A = arith.extui %lt3A_60 : i1 to i32
      %cond3A = arith.constant 0 : i32
      %cond3A_61 = arith.cmpi ne, %convert_element_type3A, %cond3A : i32
      scf.if %cond3A_61 {
        %add3A_181 = arith.constant 1 : i32
        %add3A_182 = arith.addi %scan3A_29, %add3A_181 : i32
        %mul3A_183 = arith.constant 8 : i32
        %mul3A_184 = arith.muli %add3A_182, %mul3A_183 : i32
        %dma_start3A_185 = arith.constant 0 : i32
        %dma_start3A_186 = arith.constant 0 : i32
        %dma_start3A_187 = tpu.memref_slice %arg7[%select_n3A_56, %dma_start3A_185, %dma_start3A_186] : memref<2x8x128xi32, #tpu.memory_space<vmem>> -> memref<1x8x128xi32, #tpu.memory_space<vmem>>
        %dma_start3A_188 = tpu.memref_squeeze %dma_start3A_187 : memref<1x8x128xi32, #tpu.memory_space<vmem>> -> memref<8x128xi32, #tpu.memory_space<vmem>>
        %dma_start3A_189 = arith.constant 0 : i32
        %dma_start3A_190 = tpu.memref_slice %arg3[%add3A, %mul3A_184, %dma_start3A_189] : memref<32x80x128xi32, #tpu.memory_space<hbm>> -> memref<1x8x128xi32, #tpu.memory_space<hbm>>
        %dma_start3A_191 = tpu.memref_squeeze %dma_start3A_190 : memref<1x8x128xi32, #tpu.memory_space<hbm>> -> memref<8x128xi32, #tpu.memory_space<hbm>>
        %dma_start3A_192 = arith.constant 0 : i32
        %dma_start3A_193 = arith.constant 0 : i32
        %dma_start3A_194 = tpu.memref_slice %arg7[%select_n3A_56, %dma_start3A_192, %dma_start3A_193] : memref<2x8x128xi32, #tpu.memory_space<vmem>> -> memref<1x8x128xi32, #tpu.memory_space<vmem>>
        %dma_start3A_195 = tpu.memref_squeeze %dma_start3A_194 : memref<1x8x128xi32, #tpu.memory_space<vmem>> -> memref<8x128xi32, #tpu.memory_space<vmem>>
        %dma_start3A_196 = arith.constant 0 : i32
        %dma_start3A_197 = tpu.memref_slice %arg3[%add3A, %mul3A_184, %dma_start3A_196] : memref<32x80x128xi32, #tpu.memory_space<hbm>> -> memref<1x8x128xi32, #tpu.memory_space<hbm>>
        %dma_start3A_198 = tpu.memref_squeeze %dma_start3A_197 : memref<1x8x128xi32, #tpu.memory_space<hbm>> -> memref<8x128xi32, #tpu.memory_space<hbm>>
        tpu.enqueue_dma source(%dma_start3A_198 : memref<8x128xi32, #tpu.memory_space<hbm>>) target(%dma_start3A_195 : memref<8x128xi32, #tpu.memory_space<vmem>>) target_semaphore(%arg14 : memref<!tpu.dma_semaphore, #tpu.memory_space<semaphore_mem>>)
        %add3A_199 = arith.constant 1 : i32
        %add3A_200 = arith.addi %scan3A_29, %add3A_199 : i32
        %mul3A_201 = arith.constant 8 : i32
        %mul3A_202 = arith.muli %add3A_200, %mul3A_201 : i32
        %dma_start3A_203 = arith.constant 0 : i32
        %dma_start3A_204 = arith.constant 0 : i32
        %dma_start3A_205 = tpu.memref_slice %arg8[%select_n3A_56, %dma_start3A_203, %dma_start3A_204] : memref<2x8x128xi32, #tpu.memory_space<vmem>> -> memref<1x8x128xi32, #tpu.memory_space<vmem>>
        %dma_start3A_206 = tpu.memref_squeeze %dma_start3A_205 : memref<1x8x128xi32, #tpu.memory_space<vmem>> -> memref<8x128xi32, #tpu.memory_space<vmem>>
        %dma_start3A_207 = arith.constant 0 : i32
        %dma_start3A_208 = tpu.memref_slice %arg4[%add3A, %mul3A_202, %dma_start3A_207] : memref<32x80x128xi32, #tpu.memory_space<hbm>> -> memref<1x8x128xi32, #tpu.memory_space<hbm>>
        %dma_start3A_209 = tpu.memref_squeeze %dma_start3A_208 : memref<1x8x128xi32, #tpu.memory_space<hbm>> -> memref<8x128xi32, #tpu.memory_space<hbm>>
        %dma_start3A_210 = arith.constant 0 : i32
        %dma_start3A_211 = arith.constant 0 : i32
        %dma_start3A_212 = tpu.memref_slice %arg8[%select_n3A_56, %dma_start3A_210, %dma_start3A_211] : memref<2x8x128xi32, #tpu.memory_space<vmem>> -> memref<1x8x128xi32, #tpu.memory_space<vmem>>
        %dma_start3A_213 = tpu.memref_squeeze %dma_start3A_212 : memref<1x8x128xi32, #tpu.memory_space<vmem>> -> memref<8x128xi32, #tpu.memory_space<vmem>>
        %dma_start3A_214 = arith.constant 0 : i32
        %dma_start3A_215 = tpu.memref_slice %arg4[%add3A, %mul3A_202, %dma_start3A_214] : memref<32x80x128xi32, #tpu.memory_space<hbm>> -> memref<1x8x128xi32, #tpu.memory_space<hbm>>
        %dma_start3A_216 = tpu.memref_squeeze %dma_start3A_215 : memref<1x8x128xi32, #tpu.memory_space<hbm>> -> memref<8x128xi32, #tpu.memory_space<hbm>>
        tpu.enqueue_dma source(%dma_start3A_216 : memref<8x128xi32, #tpu.memory_space<hbm>>) target(%dma_start3A_213 : memref<8x128xi32, #tpu.memory_space<vmem>>) target_semaphore(%arg14 : memref<!tpu.dma_semaphore, #tpu.memory_space<semaphore_mem>>)
      } else {
      }
      %dma_wait3A = arith.constant 0 : i32
      %dma_wait3A_62 = arith.constant 0 : i32
      %dma_wait3A_63 = tpu.memref_slice %arg7[%select_n3A_38, %dma_wait3A, %dma_wait3A_62] : memref<2x8x128xi32, #tpu.memory_space<vmem>> -> memref<1x1x128xi32, #tpu.memory_space<vmem>>
      %dma_wait3A_64 = tpu.memref_squeeze %dma_wait3A_63 : memref<1x1x128xi32, #tpu.memory_space<vmem>> -> memref<128xi32, #tpu.memory_space<vmem>>
      %dma_wait3A_65 = arith.constant 0 : i32
      %dma_wait3A_66 = arith.constant 0 : i32
      %dma_wait3A_67 = tpu.memref_slice %arg2[%dma_wait3A_65, %dma_wait3A_66] : memref<10000x128xf32, #tpu.memory_space<hbm>> -> memref<10000x128xf32, #tpu.memory_space<hbm>>
      tpu.wait_indirect_dma semaphore(%arg12 : memref<!tpu.dma_semaphore, #tpu.memory_space<semaphore_mem>>) src(%dma_wait3A_67 : memref<10000x128xf32, #tpu.memory_space<hbm>>) dst(%arg9 : memref<128x128xf32, #tpu.memory_space<vmem>>)
      %dma_start3A_68 = arith.constant 1 : i32
      %dma_start3A_69 = arith.constant 0 : i32
      %dma_start3A_70 = tpu.memref_slice %arg7[%select_n3A_38, %dma_start3A_68, %dma_start3A_69] : memref<2x8x128xi32, #tpu.memory_space<vmem>> -> memref<1x1x128xi32, #tpu.memory_space<vmem>>
      %dma_start3A_71 = tpu.memref_squeeze %dma_start3A_70 : memref<1x1x128xi32, #tpu.memory_space<vmem>> -> memref<128xi32, #tpu.memory_space<vmem>>
      %dma_start3A_72 = arith.constant 0 : i32
      %dma_start3A_73 = arith.constant 0 : i32
      %dma_start3A_74 = tpu.memref_slice %arg2[%dma_start3A_72, %dma_start3A_73] : memref<10000x128xf32, #tpu.memory_space<hbm>> -> memref<10000x128xf32, #tpu.memory_space<hbm>>
      tpu.enqueue_indirect_dma source(%dma_start3A_74 : memref<10000x128xf32, #tpu.memory_space<hbm>>) target(%arg10 : memref<128x128xf32, #tpu.memory_space<vmem>>) offsets(%dma_start3A_71 : memref<128xi32, #tpu.memory_space<vmem>>) semaphore(%arg13 : memref<!tpu.dma_semaphore, #tpu.memory_space<semaphore_mem>>)
      %run_scoped3A_75 = arith.constant 0 : i32
      "tpu.region"() ({
        %run_scoped3A_181 = tpu.sem_alloc : memref<!tpu.dma_semaphore, #tpu.memory_space<semaphore_mem>>
        %dma_start3A_182 = arith.constant 0 : i32
        %dma_start3A_183 = tpu.memref_slice %arg8[%select_n3A_38, %run_scoped3A_75, %dma_start3A_182] : memref<2x8x128xi32, #tpu.memory_space<vmem>> -> memref<1x1x128xi32, #tpu.memory_space<vmem>>
        %dma_start3A_184 = tpu.memref_squeeze %dma_start3A_183 : memref<1x1x128xi32, #tpu.memory_space<vmem>> -> memref<128xi32, #tpu.memory_space<vmem>>
        %dma_start3A_185 = arith.constant 0 : i32
        %dma_start3A_186 = arith.constant 0 : i32
        %dma_start3A_187 = tpu.memref_slice %arg11[%dma_start3A_185, %dma_start3A_186] : memref<10240x128xf32, #tpu.memory_space<vmem_shared>> -> memref<10240x128xf32, #tpu.memory_space<vmem_shared>>
        tpu.enqueue_indirect_dma source(%arg9 : memref<128x128xf32, #tpu.memory_space<vmem>>) target(%dma_start3A_187 : memref<10240x128xf32, #tpu.memory_space<vmem_shared>>) offsets(%dma_start3A_184 : memref<128xi32, #tpu.memory_space<vmem>>) semaphore(%run_scoped3A_181 : memref<!tpu.dma_semaphore, #tpu.memory_space<semaphore_mem>>) {add = true}
        %dma_wait3A_188 = arith.constant 0 : i32
        %dma_wait3A_189 = tpu.memref_slice %arg8[%select_n3A_38, %run_scoped3A_75, %dma_wait3A_188] : memref<2x8x128xi32, #tpu.memory_space<vmem>> -> memref<1x1x128xi32, #tpu.memory_space<vmem>>
        %dma_wait3A_190 = tpu.memref_squeeze %dma_wait3A_189 : memref<1x1x128xi32, #tpu.memory_space<vmem>> -> memref<128xi32, #tpu.memory_space<vmem>>
        %dma_wait3A_191 = arith.constant 0 : i32
        %dma_wait3A_192 = arith.constant 0 : i32
        %dma_wait3A_193 = tpu.memref_slice %arg11[%dma_wait3A_191, %dma_wait3A_192] : memref<10240x128xf32, #tpu.memory_space<vmem_shared>> -> memref<10240x128xf32, #tpu.memory_space<vmem_shared>>
        tpu.wait_indirect_dma semaphore(%run_scoped3A_181 : memref<!tpu.dma_semaphore, #tpu.memory_space<semaphore_mem>>) src(%arg9 : memref<128x128xf32, #tpu.memory_space<vmem>>) dst(%dma_wait3A_193 : memref<10240x128xf32, #tpu.memory_space<vmem_shared>>)
        tpu.yield
      }) : () -> ()
      %dma_wait3A_76 = arith.constant 1 : i32
      %dma_wait3A_77 = arith.constant 0 : i32
      %dma_wait3A_78 = tpu.memref_slice %arg7[%select_n3A_38, %dma_wait3A_76, %dma_wait3A_77] : memref<2x8x128xi32, #tpu.memory_space<vmem>> -> memref<1x1x128xi32, #tpu.memory_space<vmem>>
      %dma_wait3A_79 = tpu.memref_squeeze %dma_wait3A_78 : memref<1x1x128xi32, #tpu.memory_space<vmem>> -> memref<128xi32, #tpu.memory_space<vmem>>
      %dma_wait3A_80 = arith.constant 0 : i32
      %dma_wait3A_81 = arith.constant 0 : i32
      %dma_wait3A_82 = tpu.memref_slice %arg2[%dma_wait3A_80, %dma_wait3A_81] : memref<10000x128xf32, #tpu.memory_space<hbm>> -> memref<10000x128xf32, #tpu.memory_space<hbm>>
      tpu.wait_indirect_dma semaphore(%arg13 : memref<!tpu.dma_semaphore, #tpu.memory_space<semaphore_mem>>) src(%dma_wait3A_82 : memref<10000x128xf32, #tpu.memory_space<hbm>>) dst(%arg10 : memref<128x128xf32, #tpu.memory_space<vmem>>)
      %dma_start3A_83 = arith.constant 2 : i32
      %dma_start3A_84 = arith.constant 0 : i32
      %dma_start3A_85 = tpu.memref_slice %arg7[%select_n3A_38, %dma_start3A_83, %dma_start3A_84] : memref<2x8x128xi32, #tpu.memory_space<vmem>> -> memref<1x1x128xi32, #tpu.memory_space<vmem>>
      %dma_start3A_86 = tpu.memref_squeeze %dma_start3A_85 : memref<1x1x128xi32, #tpu.memory_space<vmem>> -> memref<128xi32, #tpu.memory_space<vmem>>
      %dma_start3A_87 = arith.constant 0 : i32
      %dma_start3A_88 = arith.constant 0 : i32
      %dma_start3A_89 = tpu.memref_slice %arg2[%dma_start3A_87, %dma_start3A_88] : memref<10000x128xf32, #tpu.memory_space<hbm>> -> memref<10000x128xf32, #tpu.memory_space<hbm>>
      tpu.enqueue_indirect_dma source(%dma_start3A_89 : memref<10000x128xf32, #tpu.memory_space<hbm>>) target(%arg9 : memref<128x128xf32, #tpu.memory_space<vmem>>) offsets(%dma_start3A_86 : memref<128xi32, #tpu.memory_space<vmem>>) semaphore(%arg12 : memref<!tpu.dma_semaphore, #tpu.memory_space<semaphore_mem>>)
      %run_scoped3A_90 = arith.constant 1 : i32
      "tpu.region"() ({
        %run_scoped3A_181 = tpu.sem_alloc : memref<!tpu.dma_semaphore, #tpu.memory_space<semaphore_mem>>
        %dma_start3A_182 = arith.constant 0 : i32
        %dma_start3A_183 = tpu.memref_slice %arg8[%select_n3A_38, %run_scoped3A_90, %dma_start3A_182] : memref<2x8x128xi32, #tpu.memory_space<vmem>> -> memref<1x1x128xi32, #tpu.memory_space<vmem>>
        %dma_start3A_184 = tpu.memref_squeeze %dma_start3A_183 : memref<1x1x128xi32, #tpu.memory_space<vmem>> -> memref<128xi32, #tpu.memory_space<vmem>>
        %dma_start3A_185 = arith.constant 0 : i32
        %dma_start3A_186 = arith.constant 0 : i32
        %dma_start3A_187 = tpu.memref_slice %arg11[%dma_start3A_185, %dma_start3A_186] : memref<10240x128xf32, #tpu.memory_space<vmem_shared>> -> memref<10240x128xf32, #tpu.memory_space<vmem_shared>>
        tpu.enqueue_indirect_dma source(%arg10 : memref<128x128xf32, #tpu.memory_space<vmem>>) target(%dma_start3A_187 : memref<10240x128xf32, #tpu.memory_space<vmem_shared>>) offsets(%dma_start3A_184 : memref<128xi32, #tpu.memory_space<vmem>>) semaphore(%run_scoped3A_181 : memref<!tpu.dma_semaphore, #tpu.memory_space<semaphore_mem>>) {add = true}
        %dma_wait3A_188 = arith.constant 0 : i32
        %dma_wait3A_189 = tpu.memref_slice %arg8[%select_n3A_38, %run_scoped3A_90, %dma_wait3A_188] : memref<2x8x128xi32, #tpu.memory_space<vmem>> -> memref<1x1x128xi32, #tpu.memory_space<vmem>>
        %dma_wait3A_190 = tpu.memref_squeeze %dma_wait3A_189 : memref<1x1x128xi32, #tpu.memory_space<vmem>> -> memref<128xi32, #tpu.memory_space<vmem>>
        %dma_wait3A_191 = arith.constant 0 : i32
        %dma_wait3A_192 = arith.constant 0 : i32
        %dma_wait3A_193 = tpu.memref_slice %arg11[%dma_wait3A_191, %dma_wait3A_192] : memref<10240x128xf32, #tpu.memory_space<vmem_shared>> -> memref<10240x128xf32, #tpu.memory_space<vmem_shared>>
        tpu.wait_indirect_dma semaphore(%run_scoped3A_181 : memref<!tpu.dma_semaphore, #tpu.memory_space<semaphore_mem>>) src(%arg10 : memref<128x128xf32, #tpu.memory_space<vmem>>) dst(%dma_wait3A_193 : memref<10240x128xf32, #tpu.memory_space<vmem_shared>>)
        tpu.yield
      }) : () -> ()
      %dma_wait3A_91 = arith.constant 2 : i32
      %dma_wait3A_92 = arith.constant 0 : i32
      %dma_wait3A_93 = tpu.memref_slice %arg7[%select_n3A_38, %dma_wait3A_91, %dma_wait3A_92] : memref<2x8x128xi32, #tpu.memory_space<vmem>> -> memref<1x1x128xi32, #tpu.memory_space<vmem>>
      %dma_wait3A_94 = tpu.memref_squeeze %dma_wait3A_93 : memref<1x1x128xi32, #tpu.memory_space<vmem>> -> memref<128xi32, #tpu.memory_space<vmem>>
      %dma_wait3A_95 = arith.constant 0 : i32
      %dma_wait3A_96 = arith.constant 0 : i32
      %dma_wait3A_97 = tpu.memref_slice %arg2[%dma_wait3A_95, %dma_wait3A_96] : memref<10000x128xf32, #tpu.memory_space<hbm>> -> memref<10000x128xf32, #tpu.memory_space<hbm>>
      tpu.wait_indirect_dma semaphore(%arg12 : memref<!tpu.dma_semaphore, #tpu.memory_space<semaphore_mem>>) src(%dma_wait3A_97 : memref<10000x128xf32, #tpu.memory_space<hbm>>) dst(%arg9 : memref<128x128xf32, #tpu.memory_space<vmem>>)
      %dma_start3A_98 = arith.constant 3 : i32
      %dma_start3A_99 = arith.constant 0 : i32
      %dma_start3A_100 = tpu.memref_slice %arg7[%select_n3A_38, %dma_start3A_98, %dma_start3A_99] : memref<2x8x128xi32, #tpu.memory_space<vmem>> -> memref<1x1x128xi32, #tpu.memory_space<vmem>>
      %dma_start3A_101 = tpu.memref_squeeze %dma_start3A_100 : memref<1x1x128xi32, #tpu.memory_space<vmem>> -> memref<128xi32, #tpu.memory_space<vmem>>
      %dma_start3A_102 = arith.constant 0 : i32
      %dma_start3A_103 = arith.constant 0 : i32
      %dma_start3A_104 = tpu.memref_slice %arg2[%dma_start3A_102, %dma_start3A_103] : memref<10000x128xf32, #tpu.memory_space<hbm>> -> memref<10000x128xf32, #tpu.memory_space<hbm>>
      tpu.enqueue_indirect_dma source(%dma_start3A_104 : memref<10000x128xf32, #tpu.memory_space<hbm>>) target(%arg10 : memref<128x128xf32, #tpu.memory_space<vmem>>) offsets(%dma_start3A_101 : memref<128xi32, #tpu.memory_space<vmem>>) semaphore(%arg13 : memref<!tpu.dma_semaphore, #tpu.memory_space<semaphore_mem>>)
      %run_scoped3A_105 = arith.constant 2 : i32
      "tpu.region"() ({
        %run_scoped3A_181 = tpu.sem_alloc : memref<!tpu.dma_semaphore, #tpu.memory_space<semaphore_mem>>
        %dma_start3A_182 = arith.constant 0 : i32
        %dma_start3A_183 = tpu.memref_slice %arg8[%select_n3A_38, %run_scoped3A_105, %dma_start3A_182] : memref<2x8x128xi32, #tpu.memory_space<vmem>> -> memref<1x1x128xi32, #tpu.memory_space<vmem>>
        %dma_start3A_184 = tpu.memref_squeeze %dma_start3A_183 : memref<1x1x128xi32, #tpu.memory_space<vmem>> -> memref<128xi32, #tpu.memory_space<vmem>>
        %dma_start3A_185 = arith.constant 0 : i32
        %dma_start3A_186 = arith.constant 0 : i32
        %dma_start3A_187 = tpu.memref_slice %arg11[%dma_start3A_185, %dma_start3A_186] : memref<10240x128xf32, #tpu.memory_space<vmem_shared>> -> memref<10240x128xf32, #tpu.memory_space<vmem_shared>>
        tpu.enqueue_indirect_dma source(%arg9 : memref<128x128xf32, #tpu.memory_space<vmem>>) target(%dma_start3A_187 : memref<10240x128xf32, #tpu.memory_space<vmem_shared>>) offsets(%dma_start3A_184 : memref<128xi32, #tpu.memory_space<vmem>>) semaphore(%run_scoped3A_181 : memref<!tpu.dma_semaphore, #tpu.memory_space<semaphore_mem>>) {add = true}
        %dma_wait3A_188 = arith.constant 0 : i32
        %dma_wait3A_189 = tpu.memref_slice %arg8[%select_n3A_38, %run_scoped3A_105, %dma_wait3A_188] : memref<2x8x128xi32, #tpu.memory_space<vmem>> -> memref<1x1x128xi32, #tpu.memory_space<vmem>>
        %dma_wait3A_190 = tpu.memref_squeeze %dma_wait3A_189 : memref<1x1x128xi32, #tpu.memory_space<vmem>> -> memref<128xi32, #tpu.memory_space<vmem>>
        %dma_wait3A_191 = arith.constant 0 : i32
        %dma_wait3A_192 = arith.constant 0 : i32
        %dma_wait3A_193 = tpu.memref_slice %arg11[%dma_wait3A_191, %dma_wait3A_192] : memref<10240x128xf32, #tpu.memory_space<vmem_shared>> -> memref<10240x128xf32, #tpu.memory_space<vmem_shared>>
        tpu.wait_indirect_dma semaphore(%run_scoped3A_181 : memref<!tpu.dma_semaphore, #tpu.memory_space<semaphore_mem>>) src(%arg9 : memref<128x128xf32, #tpu.memory_space<vmem>>) dst(%dma_wait3A_193 : memref<10240x128xf32, #tpu.memory_space<vmem_shared>>)
        tpu.yield
      }) : () -> ()
      %dma_wait3A_106 = arith.constant 3 : i32
      %dma_wait3A_107 = arith.constant 0 : i32
      %dma_wait3A_108 = tpu.memref_slice %arg7[%select_n3A_38, %dma_wait3A_106, %dma_wait3A_107] : memref<2x8x128xi32, #tpu.memory_space<vmem>> -> memref<1x1x128xi32, #tpu.memory_space<vmem>>
      %dma_wait3A_109 = tpu.memref_squeeze %dma_wait3A_108 : memref<1x1x128xi32, #tpu.memory_space<vmem>> -> memref<128xi32, #tpu.memory_space<vmem>>
      %dma_wait3A_110 = arith.constant 0 : i32
      %dma_wait3A_111 = arith.constant 0 : i32
      %dma_wait3A_112 = tpu.memref_slice %arg2[%dma_wait3A_110, %dma_wait3A_111] : memref<10000x128xf32, #tpu.memory_space<hbm>> -> memref<10000x128xf32, #tpu.memory_space<hbm>>
      tpu.wait_indirect_dma semaphore(%arg13 : memref<!tpu.dma_semaphore, #tpu.memory_space<semaphore_mem>>) src(%dma_wait3A_112 : memref<10000x128xf32, #tpu.memory_space<hbm>>) dst(%arg10 : memref<128x128xf32, #tpu.memory_space<vmem>>)
      %dma_start3A_113 = arith.constant 4 : i32
      %dma_start3A_114 = arith.constant 0 : i32
      %dma_start3A_115 = tpu.memref_slice %arg7[%select_n3A_38, %dma_start3A_113, %dma_start3A_114] : memref<2x8x128xi32, #tpu.memory_space<vmem>> -> memref<1x1x128xi32, #tpu.memory_space<vmem>>
      %dma_start3A_116 = tpu.memref_squeeze %dma_start3A_115 : memref<1x1x128xi32, #tpu.memory_space<vmem>> -> memref<128xi32, #tpu.memory_space<vmem>>
      %dma_start3A_117 = arith.constant 0 : i32
      %dma_start3A_118 = arith.constant 0 : i32
      %dma_start3A_119 = tpu.memref_slice %arg2[%dma_start3A_117, %dma_start3A_118] : memref<10000x128xf32, #tpu.memory_space<hbm>> -> memref<10000x128xf32, #tpu.memory_space<hbm>>
      tpu.enqueue_indirect_dma source(%dma_start3A_119 : memref<10000x128xf32, #tpu.memory_space<hbm>>) target(%arg9 : memref<128x128xf32, #tpu.memory_space<vmem>>) offsets(%dma_start3A_116 : memref<128xi32, #tpu.memory_space<vmem>>) semaphore(%arg12 : memref<!tpu.dma_semaphore, #tpu.memory_space<semaphore_mem>>)
      %run_scoped3A_120 = arith.constant 3 : i32
      "tpu.region"() ({
        %run_scoped3A_181 = tpu.sem_alloc : memref<!tpu.dma_semaphore, #tpu.memory_space<semaphore_mem>>
        %dma_start3A_182 = arith.constant 0 : i32
        %dma_start3A_183 = tpu.memref_slice %arg8[%select_n3A_38, %run_scoped3A_120, %dma_start3A_182] : memref<2x8x128xi32, #tpu.memory_space<vmem>> -> memref<1x1x128xi32, #tpu.memory_space<vmem>>
        %dma_start3A_184 = tpu.memref_squeeze %dma_start3A_183 : memref<1x1x128xi32, #tpu.memory_space<vmem>> -> memref<128xi32, #tpu.memory_space<vmem>>
        %dma_start3A_185 = arith.constant 0 : i32
        %dma_start3A_186 = arith.constant 0 : i32
        %dma_start3A_187 = tpu.memref_slice %arg11[%dma_start3A_185, %dma_start3A_186] : memref<10240x128xf32, #tpu.memory_space<vmem_shared>> -> memref<10240x128xf32, #tpu.memory_space<vmem_shared>>
        tpu.enqueue_indirect_dma source(%arg10 : memref<128x128xf32, #tpu.memory_space<vmem>>) target(%dma_start3A_187 : memref<10240x128xf32, #tpu.memory_space<vmem_shared>>) offsets(%dma_start3A_184 : memref<128xi32, #tpu.memory_space<vmem>>) semaphore(%run_scoped3A_181 : memref<!tpu.dma_semaphore, #tpu.memory_space<semaphore_mem>>) {add = true}
        %dma_wait3A_188 = arith.constant 0 : i32
        %dma_wait3A_189 = tpu.memref_slice %arg8[%select_n3A_38, %run_scoped3A_120, %dma_wait3A_188] : memref<2x8x128xi32, #tpu.memory_space<vmem>> -> memref<1x1x128xi32, #tpu.memory_space<vmem>>
        %dma_wait3A_190 = tpu.memref_squeeze %dma_wait3A_189 : memref<1x1x128xi32, #tpu.memory_space<vmem>> -> memref<128xi32, #tpu.memory_space<vmem>>
        %dma_wait3A_191 = arith.constant 0 : i32
        %dma_wait3A_192 = arith.constant 0 : i32
        %dma_wait3A_193 = tpu.memref_slice %arg11[%dma_wait3A_191, %dma_wait3A_192] : memref<10240x128xf32, #tpu.memory_space<vmem_shared>> -> memref<10240x128xf32, #tpu.memory_space<vmem_shared>>
        tpu.wait_indirect_dma semaphore(%run_scoped3A_181 : memref<!tpu.dma_semaphore, #tpu.memory_space<semaphore_mem>>) src(%arg10 : memref<128x128xf32, #tpu.memory_space<vmem>>) dst(%dma_wait3A_193 : memref<10240x128xf32, #tpu.memory_space<vmem_shared>>)
        tpu.yield
      }) : () -> ()
      %dma_wait3A_121 = arith.constant 4 : i32
      %dma_wait3A_122 = arith.constant 0 : i32
      %dma_wait3A_123 = tpu.memref_slice %arg7[%select_n3A_38, %dma_wait3A_121, %dma_wait3A_122] : memref<2x8x128xi32, #tpu.memory_space<vmem>> -> memref<1x1x128xi32, #tpu.memory_space<vmem>>
      %dma_wait3A_124 = tpu.memref_squeeze %dma_wait3A_123 : memref<1x1x128xi32, #tpu.memory_space<vmem>> -> memref<128xi32, #tpu.memory_space<vmem>>
      %dma_wait3A_125 = arith.constant 0 : i32
      %dma_wait3A_126 = arith.constant 0 : i32
      %dma_wait3A_127 = tpu.memref_slice %arg2[%dma_wait3A_125, %dma_wait3A_126] : memref<10000x128xf32, #tpu.memory_space<hbm>> -> memref<10000x128xf32, #tpu.memory_space<hbm>>
      tpu.wait_indirect_dma semaphore(%arg12 : memref<!tpu.dma_semaphore, #tpu.memory_space<semaphore_mem>>) src(%dma_wait3A_127 : memref<10000x128xf32, #tpu.memory_space<hbm>>) dst(%arg9 : memref<128x128xf32, #tpu.memory_space<vmem>>)
      %dma_start3A_128 = arith.constant 5 : i32
      %dma_start3A_129 = arith.constant 0 : i32
      %dma_start3A_130 = tpu.memref_slice %arg7[%select_n3A_38, %dma_start3A_128, %dma_start3A_129] : memref<2x8x128xi32, #tpu.memory_space<vmem>> -> memref<1x1x128xi32, #tpu.memory_space<vmem>>
      %dma_start3A_131 = tpu.memref_squeeze %dma_start3A_130 : memref<1x1x128xi32, #tpu.memory_space<vmem>> -> memref<128xi32, #tpu.memory_space<vmem>>
      %dma_start3A_132 = arith.constant 0 : i32
      %dma_start3A_133 = arith.constant 0 : i32
      %dma_start3A_134 = tpu.memref_slice %arg2[%dma_start3A_132, %dma_start3A_133] : memref<10000x128xf32, #tpu.memory_space<hbm>> -> memref<10000x128xf32, #tpu.memory_space<hbm>>
      tpu.enqueue_indirect_dma source(%dma_start3A_134 : memref<10000x128xf32, #tpu.memory_space<hbm>>) target(%arg10 : memref<128x128xf32, #tpu.memory_space<vmem>>) offsets(%dma_start3A_131 : memref<128xi32, #tpu.memory_space<vmem>>) semaphore(%arg13 : memref<!tpu.dma_semaphore, #tpu.memory_space<semaphore_mem>>)
      %run_scoped3A_135 = arith.constant 4 : i32
      "tpu.region"() ({
        %run_scoped3A_181 = tpu.sem_alloc : memref<!tpu.dma_semaphore, #tpu.memory_space<semaphore_mem>>
        %dma_start3A_182 = arith.constant 0 : i32
        %dma_start3A_183 = tpu.memref_slice %arg8[%select_n3A_38, %run_scoped3A_135, %dma_start3A_182] : memref<2x8x128xi32, #tpu.memory_space<vmem>> -> memref<1x1x128xi32, #tpu.memory_space<vmem>>
        %dma_start3A_184 = tpu.memref_squeeze %dma_start3A_183 : memref<1x1x128xi32, #tpu.memory_space<vmem>> -> memref<128xi32, #tpu.memory_space<vmem>>
        %dma_start3A_185 = arith.constant 0 : i32
        %dma_start3A_186 = arith.constant 0 : i32
        %dma_start3A_187 = tpu.memref_slice %arg11[%dma_start3A_185, %dma_start3A_186] : memref<10240x128xf32, #tpu.memory_space<vmem_shared>> -> memref<10240x128xf32, #tpu.memory_space<vmem_shared>>
        tpu.enqueue_indirect_dma source(%arg9 : memref<128x128xf32, #tpu.memory_space<vmem>>) target(%dma_start3A_187 : memref<10240x128xf32, #tpu.memory_space<vmem_shared>>) offsets(%dma_start3A_184 : memref<128xi32, #tpu.memory_space<vmem>>) semaphore(%run_scoped3A_181 : memref<!tpu.dma_semaphore, #tpu.memory_space<semaphore_mem>>) {add = true}
        %dma_wait3A_188 = arith.constant 0 : i32
        %dma_wait3A_189 = tpu.memref_slice %arg8[%select_n3A_38, %run_scoped3A_135, %dma_wait3A_188] : memref<2x8x128xi32, #tpu.memory_space<vmem>> -> memref<1x1x128xi32, #tpu.memory_space<vmem>>
        %dma_wait3A_190 = tpu.memref_squeeze %dma_wait3A_189 : memref<1x1x128xi32, #tpu.memory_space<vmem>> -> memref<128xi32, #tpu.memory_space<vmem>>
        %dma_wait3A_191 = arith.constant 0 : i32
        %dma_wait3A_192 = arith.constant 0 : i32
        %dma_wait3A_193 = tpu.memref_slice %arg11[%dma_wait3A_191, %dma_wait3A_192] : memref<10240x128xf32, #tpu.memory_space<vmem_shared>> -> memref<10240x128xf32, #tpu.memory_space<vmem_shared>>
        tpu.wait_indirect_dma semaphore(%run_scoped3A_181 : memref<!tpu.dma_semaphore, #tpu.memory_space<semaphore_mem>>) src(%arg9 : memref<128x128xf32, #tpu.memory_space<vmem>>) dst(%dma_wait3A_193 : memref<10240x128xf32, #tpu.memory_space<vmem_shared>>)
        tpu.yield
      }) : () -> ()
      %dma_wait3A_136 = arith.constant 5 : i32
      %dma_wait3A_137 = arith.constant 0 : i32
      %dma_wait3A_138 = tpu.memref_slice %arg7[%select_n3A_38, %dma_wait3A_136, %dma_wait3A_137] : memref<2x8x128xi32, #tpu.memory_space<vmem>> -> memref<1x1x128xi32, #tpu.memory_space<vmem>>
      %dma_wait3A_139 = tpu.memref_squeeze %dma_wait3A_138 : memref<1x1x128xi32, #tpu.memory_space<vmem>> -> memref<128xi32, #tpu.memory_space<vmem>>
      %dma_wait3A_140 = arith.constant 0 : i32
      %dma_wait3A_141 = arith.constant 0 : i32
      %dma_wait3A_142 = tpu.memref_slice %arg2[%dma_wait3A_140, %dma_wait3A_141] : memref<10000x128xf32, #tpu.memory_space<hbm>> -> memref<10000x128xf32, #tpu.memory_space<hbm>>
      tpu.wait_indirect_dma semaphore(%arg13 : memref<!tpu.dma_semaphore, #tpu.memory_space<semaphore_mem>>) src(%dma_wait3A_142 : memref<10000x128xf32, #tpu.memory_space<hbm>>) dst(%arg10 : memref<128x128xf32, #tpu.memory_space<vmem>>)
      %dma_start3A_143 = arith.constant 6 : i32
      %dma_start3A_144 = arith.constant 0 : i32
      %dma_start3A_145 = tpu.memref_slice %arg7[%select_n3A_38, %dma_start3A_143, %dma_start3A_144] : memref<2x8x128xi32, #tpu.memory_space<vmem>> -> memref<1x1x128xi32, #tpu.memory_space<vmem>>
      %dma_start3A_146 = tpu.memref_squeeze %dma_start3A_145 : memref<1x1x128xi32, #tpu.memory_space<vmem>> -> memref<128xi32, #tpu.memory_space<vmem>>
      %dma_start3A_147 = arith.constant 0 : i32
      %dma_start3A_148 = arith.constant 0 : i32
      %dma_start3A_149 = tpu.memref_slice %arg2[%dma_start3A_147, %dma_start3A_148] : memref<10000x128xf32, #tpu.memory_space<hbm>> -> memref<10000x128xf32, #tpu.memory_space<hbm>>
      tpu.enqueue_indirect_dma source(%dma_start3A_149 : memref<10000x128xf32, #tpu.memory_space<hbm>>) target(%arg9 : memref<128x128xf32, #tpu.memory_space<vmem>>) offsets(%dma_start3A_146 : memref<128xi32, #tpu.memory_space<vmem>>) semaphore(%arg12 : memref<!tpu.dma_semaphore, #tpu.memory_space<semaphore_mem>>)
      %run_scoped3A_150 = arith.constant 5 : i32
      "tpu.region"() ({
        %run_scoped3A_181 = tpu.sem_alloc : memref<!tpu.dma_semaphore, #tpu.memory_space<semaphore_mem>>
        %dma_start3A_182 = arith.constant 0 : i32
        %dma_start3A_183 = tpu.memref_slice %arg8[%select_n3A_38, %run_scoped3A_150, %dma_start3A_182] : memref<2x8x128xi32, #tpu.memory_space<vmem>> -> memref<1x1x128xi32, #tpu.memory_space<vmem>>
        %dma_start3A_184 = tpu.memref_squeeze %dma_start3A_183 : memref<1x1x128xi32, #tpu.memory_space<vmem>> -> memref<128xi32, #tpu.memory_space<vmem>>
        %dma_start3A_185 = arith.constant 0 : i32
        %dma_start3A_186 = arith.constant 0 : i32
        %dma_start3A_187 = tpu.memref_slice %arg11[%dma_start3A_185, %dma_start3A_186] : memref<10240x128xf32, #tpu.memory_space<vmem_shared>> -> memref<10240x128xf32, #tpu.memory_space<vmem_shared>>
        tpu.enqueue_indirect_dma source(%arg10 : memref<128x128xf32, #tpu.memory_space<vmem>>) target(%dma_start3A_187 : memref<10240x128xf32, #tpu.memory_space<vmem_shared>>) offsets(%dma_start3A_184 : memref<128xi32, #tpu.memory_space<vmem>>) semaphore(%run_scoped3A_181 : memref<!tpu.dma_semaphore, #tpu.memory_space<semaphore_mem>>) {add = true}
        %dma_wait3A_188 = arith.constant 0 : i32
        %dma_wait3A_189 = tpu.memref_slice %arg8[%select_n3A_38, %run_scoped3A_150, %dma_wait3A_188] : memref<2x8x128xi32, #tpu.memory_space<vmem>> -> memref<1x1x128xi32, #tpu.memory_space<vmem>>
        %dma_wait3A_190 = tpu.memref_squeeze %dma_wait3A_189 : memref<1x1x128xi32, #tpu.memory_space<vmem>> -> memref<128xi32, #tpu.memory_space<vmem>>
        %dma_wait3A_191 = arith.constant 0 : i32
        %dma_wait3A_192 = arith.constant 0 : i32
        %dma_wait3A_193 = tpu.memref_slice %arg11[%dma_wait3A_191, %dma_wait3A_192] : memref<10240x128xf32, #tpu.memory_space<vmem_shared>> -> memref<10240x128xf32, #tpu.memory_space<vmem_shared>>
        tpu.wait_indirect_dma semaphore(%run_scoped3A_181 : memref<!tpu.dma_semaphore, #tpu.memory_space<semaphore_mem>>) src(%arg10 : memref<128x128xf32, #tpu.memory_space<vmem>>) dst(%dma_wait3A_193 : memref<10240x128xf32, #tpu.memory_space<vmem_shared>>)
        tpu.yield
      }) : () -> ()
      %dma_wait3A_151 = arith.constant 6 : i32
      %dma_wait3A_152 = arith.constant 0 : i32
      %dma_wait3A_153 = tpu.memref_slice %arg7[%select_n3A_38, %dma_wait3A_151, %dma_wait3A_152] : memref<2x8x128xi32, #tpu.memory_space<vmem>> -> memref<1x1x128xi32, #tpu.memory_space<vmem>>
      %dma_wait3A_154 = tpu.memref_squeeze %dma_wait3A_153 : memref<1x1x128xi32, #tpu.memory_space<vmem>> -> memref<128xi32, #tpu.memory_space<vmem>>
      %dma_wait3A_155 = arith.constant 0 : i32
      %dma_wait3A_156 = arith.constant 0 : i32
      %dma_wait3A_157 = tpu.memref_slice %arg2[%dma_wait3A_155, %dma_wait3A_156] : memref<10000x128xf32, #tpu.memory_space<hbm>> -> memref<10000x128xf32, #tpu.memory_space<hbm>>
      tpu.wait_indirect_dma semaphore(%arg12 : memref<!tpu.dma_semaphore, #tpu.memory_space<semaphore_mem>>) src(%dma_wait3A_157 : memref<10000x128xf32, #tpu.memory_space<hbm>>) dst(%arg9 : memref<128x128xf32, #tpu.memory_space<vmem>>)
      %dma_start3A_158 = arith.constant 7 : i32
      %dma_start3A_159 = arith.constant 0 : i32
      %dma_start3A_160 = tpu.memref_slice %arg7[%select_n3A_38, %dma_start3A_158, %dma_start3A_159] : memref<2x8x128xi32, #tpu.memory_space<vmem>> -> memref<1x1x128xi32, #tpu.memory_space<vmem>>
      %dma_start3A_161 = tpu.memref_squeeze %dma_start3A_160 : memref<1x1x128xi32, #tpu.memory_space<vmem>> -> memref<128xi32, #tpu.memory_space<vmem>>
      %dma_start3A_162 = arith.constant 0 : i32
      %dma_start3A_163 = arith.constant 0 : i32
      %dma_start3A_164 = tpu.memref_slice %arg2[%dma_start3A_162, %dma_start3A_163] : memref<10000x128xf32, #tpu.memory_space<hbm>> -> memref<10000x128xf32, #tpu.memory_space<hbm>>
      tpu.enqueue_indirect_dma source(%dma_start3A_164 : memref<10000x128xf32, #tpu.memory_space<hbm>>) target(%arg10 : memref<128x128xf32, #tpu.memory_space<vmem>>) offsets(%dma_start3A_161 : memref<128xi32, #tpu.memory_space<vmem>>) semaphore(%arg13 : memref<!tpu.dma_semaphore, #tpu.memory_space<semaphore_mem>>)
      %run_scoped3A_165 = arith.constant 6 : i32
      "tpu.region"() ({
        %run_scoped3A_181 = tpu.sem_alloc : memref<!tpu.dma_semaphore, #tpu.memory_space<semaphore_mem>>
        %dma_start3A_182 = arith.constant 0 : i32
        %dma_start3A_183 = tpu.memref_slice %arg8[%select_n3A_38, %run_scoped3A_165, %dma_start3A_182] : memref<2x8x128xi32, #tpu.memory_space<vmem>> -> memref<1x1x128xi32, #tpu.memory_space<vmem>>
        %dma_start3A_184 = tpu.memref_squeeze %dma_start3A_183 : memref<1x1x128xi32, #tpu.memory_space<vmem>> -> memref<128xi32, #tpu.memory_space<vmem>>
        %dma_start3A_185 = arith.constant 0 : i32
        %dma_start3A_186 = arith.constant 0 : i32
        %dma_start3A_187 = tpu.memref_slice %arg11[%dma_start3A_185, %dma_start3A_186] : memref<10240x128xf32, #tpu.memory_space<vmem_shared>> -> memref<10240x128xf32, #tpu.memory_space<vmem_shared>>
        tpu.enqueue_indirect_dma source(%arg9 : memref<128x128xf32, #tpu.memory_space<vmem>>) target(%dma_start3A_187 : memref<10240x128xf32, #tpu.memory_space<vmem_shared>>) offsets(%dma_start3A_184 : memref<128xi32, #tpu.memory_space<vmem>>) semaphore(%run_scoped3A_181 : memref<!tpu.dma_semaphore, #tpu.memory_space<semaphore_mem>>) {add = true}
        %dma_wait3A_188 = arith.constant 0 : i32
        %dma_wait3A_189 = tpu.memref_slice %arg8[%select_n3A_38, %run_scoped3A_165, %dma_wait3A_188] : memref<2x8x128xi32, #tpu.memory_space<vmem>> -> memref<1x1x128xi32, #tpu.memory_space<vmem>>
        %dma_wait3A_190 = tpu.memref_squeeze %dma_wait3A_189 : memref<1x1x128xi32, #tpu.memory_space<vmem>> -> memref<128xi32, #tpu.memory_space<vmem>>
        %dma_wait3A_191 = arith.constant 0 : i32
        %dma_wait3A_192 = arith.constant 0 : i32
        %dma_wait3A_193 = tpu.memref_slice %arg11[%dma_wait3A_191, %dma_wait3A_192] : memref<10240x128xf32, #tpu.memory_space<vmem_shared>> -> memref<10240x128xf32, #tpu.memory_space<vmem_shared>>
        tpu.wait_indirect_dma semaphore(%run_scoped3A_181 : memref<!tpu.dma_semaphore, #tpu.memory_space<semaphore_mem>>) src(%arg9 : memref<128x128xf32, #tpu.memory_space<vmem>>) dst(%dma_wait3A_193 : memref<10240x128xf32, #tpu.memory_space<vmem_shared>>)
        tpu.yield
      }) : () -> ()
      %dma_wait3A_166 = arith.constant 7 : i32
      %dma_wait3A_167 = arith.constant 0 : i32
      %dma_wait3A_168 = tpu.memref_slice %arg7[%select_n3A_38, %dma_wait3A_166, %dma_wait3A_167] : memref<2x8x128xi32, #tpu.memory_space<vmem>> -> memref<1x1x128xi32, #tpu.memory_space<vmem>>
      %dma_wait3A_169 = tpu.memref_squeeze %dma_wait3A_168 : memref<1x1x128xi32, #tpu.memory_space<vmem>> -> memref<128xi32, #tpu.memory_space<vmem>>
      %dma_wait3A_170 = arith.constant 0 : i32
      %dma_wait3A_171 = arith.constant 0 : i32
      %dma_wait3A_172 = tpu.memref_slice %arg2[%dma_wait3A_170, %dma_wait3A_171] : memref<10000x128xf32, #tpu.memory_space<hbm>> -> memref<10000x128xf32, #tpu.memory_space<hbm>>
      tpu.wait_indirect_dma semaphore(%arg13 : memref<!tpu.dma_semaphore, #tpu.memory_space<semaphore_mem>>) src(%dma_wait3A_172 : memref<10000x128xf32, #tpu.memory_space<hbm>>) dst(%arg10 : memref<128x128xf32, #tpu.memory_space<vmem>>)
      %add3A_173 = arith.constant 1 : i32
      %add3A_174 = arith.addi %scan3A_29, %add3A_173 : i32
      %lt3A_175 = arith.constant 10 : i32
      %lt3A_176 = arith.cmpi slt, %add3A_174, %lt3A_175 : i32
      %convert_element_type3A_177 = arith.extui %lt3A_176 : i1 to i32
      %cond3A_178 = arith.constant 0 : i32
      %cond3A_179 = arith.cmpi ne, %convert_element_type3A_177, %cond3A_178 : i32
      scf.if %cond3A_179 {
        %add3A_181 = arith.constant 1 : i32
        %add3A_182 = arith.addi %scan3A_29, %add3A_181 : i32
        %mul3A_183 = arith.constant 8 : i32
        %mul3A_184 = arith.muli %add3A_182, %mul3A_183 : i32
        %dma_wait3A_185 = arith.constant 0 : i32
        %dma_wait3A_186 = arith.constant 0 : i32
        %dma_wait3A_187 = tpu.memref_slice %arg7[%select_n3A_56, %dma_wait3A_185, %dma_wait3A_186] : memref<2x8x128xi32, #tpu.memory_space<vmem>> -> memref<1x8x128xi32, #tpu.memory_space<vmem>>
        %dma_wait3A_188 = tpu.memref_squeeze %dma_wait3A_187 : memref<1x8x128xi32, #tpu.memory_space<vmem>> -> memref<8x128xi32, #tpu.memory_space<vmem>>
        %dma_wait3A_189 = arith.constant 0 : i32
        %dma_wait3A_190 = tpu.memref_slice %arg3[%add3A, %mul3A_184, %dma_wait3A_189] : memref<32x80x128xi32, #tpu.memory_space<hbm>> -> memref<1x8x128xi32, #tpu.memory_space<hbm>>
        %dma_wait3A_191 = tpu.memref_squeeze %dma_wait3A_190 : memref<1x8x128xi32, #tpu.memory_space<hbm>> -> memref<8x128xi32, #tpu.memory_space<hbm>>
        %dma_wait3A_192 = arith.constant 0 : i32
        %dma_wait3A_193 = arith.constant 0 : i32
        %dma_wait3A_194 = tpu.memref_slice %arg7[%select_n3A_56, %dma_wait3A_192, %dma_wait3A_193] : memref<2x8x128xi32, #tpu.memory_space<vmem>> -> memref<1x8x128xi32, #tpu.memory_space<vmem>>
        %dma_wait3A_195 = tpu.memref_squeeze %dma_wait3A_194 : memref<1x8x128xi32, #tpu.memory_space<vmem>> -> memref<8x128xi32, #tpu.memory_space<vmem>>
        %dma_wait3A_196 = arith.constant 0 : i32
        %dma_wait3A_197 = tpu.memref_slice %arg3[%add3A, %mul3A_184, %dma_wait3A_196] : memref<32x80x128xi32, #tpu.memory_space<hbm>> -> memref<1x8x128xi32, #tpu.memory_space<hbm>>
        %dma_wait3A_198 = tpu.memref_squeeze %dma_wait3A_197 : memref<1x8x128xi32, #tpu.memory_space<hbm>> -> memref<8x128xi32, #tpu.memory_space<hbm>>
        tpu.wait_dma2 semaphore(%arg14 : memref<!tpu.dma_semaphore, #tpu.memory_space<semaphore_mem>>) src(%dma_wait3A_198 : memref<8x128xi32, #tpu.memory_space<hbm>>) dst(%dma_wait3A_195 : memref<8x128xi32, #tpu.memory_space<vmem>>)
        %add3A_199 = arith.constant 1 : i32
        %add3A_200 = arith.addi %scan3A_29, %add3A_199 : i32
        %mul3A_201 = arith.constant 8 : i32
        %mul3A_202 = arith.muli %add3A_200, %mul3A_201 : i32
        %dma_wait3A_203 = arith.constant 0 : i32
        %dma_wait3A_204 = arith.constant 0 : i32
        %dma_wait3A_205 = tpu.memref_slice %arg8[%select_n3A_56, %dma_wait3A_203, %dma_wait3A_204] : memref<2x8x128xi32, #tpu.memory_space<vmem>> -> memref<1x8x128xi32, #tpu.memory_space<vmem>>
        %dma_wait3A_206 = tpu.memref_squeeze %dma_wait3A_205 : memref<1x8x128xi32, #tpu.memory_space<vmem>> -> memref<8x128xi32, #tpu.memory_space<vmem>>
        %dma_wait3A_207 = arith.constant 0 : i32
        %dma_wait3A_208 = tpu.memref_slice %arg4[%add3A, %mul3A_202, %dma_wait3A_207] : memref<32x80x128xi32, #tpu.memory_space<hbm>> -> memref<1x8x128xi32, #tpu.memory_space<hbm>>
        %dma_wait3A_209 = tpu.memref_squeeze %dma_wait3A_208 : memref<1x8x128xi32, #tpu.memory_space<hbm>> -> memref<8x128xi32, #tpu.memory_space<hbm>>
        %dma_wait3A_210 = arith.constant 0 : i32
        %dma_wait3A_211 = arith.constant 0 : i32
        %dma_wait3A_212 = tpu.memref_slice %arg8[%select_n3A_56, %dma_wait3A_210, %dma_wait3A_211] : memref<2x8x128xi32, #tpu.memory_space<vmem>> -> memref<1x8x128xi32, #tpu.memory_space<vmem>>
        %dma_wait3A_213 = tpu.memref_squeeze %dma_wait3A_212 : memref<1x8x128xi32, #tpu.memory_space<vmem>> -> memref<8x128xi32, #tpu.memory_space<vmem>>
        %dma_wait3A_214 = arith.constant 0 : i32
        %dma_wait3A_215 = tpu.memref_slice %arg4[%add3A, %mul3A_202, %dma_wait3A_214] : memref<32x80x128xi32, #tpu.memory_space<hbm>> -> memref<1x8x128xi32, #tpu.memory_space<hbm>>
        %dma_wait3A_216 = tpu.memref_squeeze %dma_wait3A_215 : memref<1x8x128xi32, #tpu.memory_space<hbm>> -> memref<8x128xi32, #tpu.memory_space<hbm>>
        tpu.wait_dma2 semaphore(%arg14 : memref<!tpu.dma_semaphore, #tpu.memory_space<semaphore_mem>>) src(%dma_wait3A_216 : memref<8x128xi32, #tpu.memory_space<hbm>>) dst(%dma_wait3A_213 : memref<8x128xi32, #tpu.memory_space<vmem>>)
        %dma_start3A_217 = arith.constant 0 : i32
        %dma_start3A_218 = arith.constant 0 : i32
        %dma_start3A_219 = tpu.memref_slice %arg7[%select_n3A_56, %dma_start3A_217, %dma_start3A_218] : memref<2x8x128xi32, #tpu.memory_space<vmem>> -> memref<1x1x128xi32, #tpu.memory_space<vmem>>
        %dma_start3A_220 = tpu.memref_squeeze %dma_start3A_219 : memref<1x1x128xi32, #tpu.memory_space<vmem>> -> memref<128xi32, #tpu.memory_space<vmem>>
        %dma_start3A_221 = arith.constant 0 : i32
        %dma_start3A_222 = arith.constant 0 : i32
        %dma_start3A_223 = tpu.memref_slice %arg2[%dma_start3A_221, %dma_start3A_222] : memref<10000x128xf32, #tpu.memory_space<hbm>> -> memref<10000x128xf32, #tpu.memory_space<hbm>>
        tpu.enqueue_indirect_dma source(%dma_start3A_223 : memref<10000x128xf32, #tpu.memory_space<hbm>>) target(%arg9 : memref<128x128xf32, #tpu.memory_space<vmem>>) offsets(%dma_start3A_220 : memref<128xi32, #tpu.memory_space<vmem>>) semaphore(%arg12 : memref<!tpu.dma_semaphore, #tpu.memory_space<semaphore_mem>>)
      } else {
      }
      %run_scoped3A_180 = arith.constant 7 : i32
      "tpu.region"() ({
        %run_scoped3A_181 = tpu.sem_alloc : memref<!tpu.dma_semaphore, #tpu.memory_space<semaphore_mem>>
        %dma_start3A_182 = arith.constant 0 : i32
        %dma_start3A_183 = tpu.memref_slice %arg8[%select_n3A_38, %run_scoped3A_180, %dma_start3A_182] : memref<2x8x128xi32, #tpu.memory_space<vmem>> -> memref<1x1x128xi32, #tpu.memory_space<vmem>>
        %dma_start3A_184 = tpu.memref_squeeze %dma_start3A_183 : memref<1x1x128xi32, #tpu.memory_space<vmem>> -> memref<128xi32, #tpu.memory_space<vmem>>
        %dma_start3A_185 = arith.constant 0 : i32
        %dma_start3A_186 = arith.constant 0 : i32
        %dma_start3A_187 = tpu.memref_slice %arg11[%dma_start3A_185, %dma_start3A_186] : memref<10240x128xf32, #tpu.memory_space<vmem_shared>> -> memref<10240x128xf32, #tpu.memory_space<vmem_shared>>
        tpu.enqueue_indirect_dma source(%arg10 : memref<128x128xf32, #tpu.memory_space<vmem>>) target(%dma_start3A_187 : memref<10240x128xf32, #tpu.memory_space<vmem_shared>>) offsets(%dma_start3A_184 : memref<128xi32, #tpu.memory_space<vmem>>) semaphore(%run_scoped3A_181 : memref<!tpu.dma_semaphore, #tpu.memory_space<semaphore_mem>>) {add = true}
        %dma_wait3A_188 = arith.constant 0 : i32
        %dma_wait3A_189 = tpu.memref_slice %arg8[%select_n3A_38, %run_scoped3A_180, %dma_wait3A_188] : memref<2x8x128xi32, #tpu.memory_space<vmem>> -> memref<1x1x128xi32, #tpu.memory_space<vmem>>
        %dma_wait3A_190 = tpu.memref_squeeze %dma_wait3A_189 : memref<1x1x128xi32, #tpu.memory_space<vmem>> -> memref<128xi32, #tpu.memory_space<vmem>>
        %dma_wait3A_191 = arith.constant 0 : i32
        %dma_wait3A_192 = arith.constant 0 : i32
        %dma_wait3A_193 = tpu.memref_slice %arg11[%dma_wait3A_191, %dma_wait3A_192] : memref<10240x128xf32, #tpu.memory_space<vmem_shared>> -> memref<10240x128xf32, #tpu.memory_space<vmem_shared>>
        tpu.wait_indirect_dma semaphore(%run_scoped3A_181 : memref<!tpu.dma_semaphore, #tpu.memory_space<semaphore_mem>>) src(%arg10 : memref<128x128xf32, #tpu.memory_space<vmem>>) dst(%dma_wait3A_193 : memref<10240x128xf32, #tpu.memory_space<vmem_shared>>)
        tpu.yield
      }) : () -> ()
    }
    %scan3A_21 = arith.constant 10 : i32
    %barrier3A_22 = arith.constant 0 : index
    tpu.barrier barrier_id(%barrier3A_22)
    %scan3A_23 = arith.constant 0 : i32
    %scan3A_24 = arith.constant 0 : i32
    %scan3A_25 = arith.constant 5 : i32
    %scan3A_26 = arith.addi %scan3A_24, %scan3A_25 : i32
    %scan3A_27 = arith.constant 1 : i32
    scf.for %scan3A_29 = %scan3A_24 to %scan3A_26 step %scan3A_27  : i32 {
      %mul3A_30 = arith.constant 128 : i32
      %mul3A_31 = arith.muli %scan3A_29, %mul3A_30 : i32
      %add3A_32 = arith.addi %mul3A_2, %mul3A_31 : i32
      "tpu.region"() ({
        %run_scoped3A_33 = tpu.sem_alloc : memref<!tpu.dma_semaphore, #tpu.memory_space<semaphore_mem>>
        %dma_start3A_34 = arith.constant 0 : i32
        %dma_start3A_35 = tpu.memref_slice %arg11[%add3A_32, %dma_start3A_34] : memref<10240x128xf32, #tpu.memory_space<vmem_shared>> -> memref<128x128xf32, #tpu.memory_space<vmem_shared>>
        %dma_start3A_36 = arith.constant 0 : i32
        %dma_start3A_37 = tpu.memref_slice %arg11[%add3A_32, %dma_start3A_36] : memref<10240x128xf32, #tpu.memory_space<vmem_shared>> -> memref<128x128xf32, #tpu.memory_space<vmem_shared>>
        tpu.enqueue_dma source(%dma_start3A_37 : memref<128x128xf32, #tpu.memory_space<vmem_shared>>) target(%arg9 : memref<128x128xf32, #tpu.memory_space<vmem>>) target_semaphore(%run_scoped3A_33 : memref<!tpu.dma_semaphore, #tpu.memory_space<semaphore_mem>>)
        %dma_wait3A = arith.constant 0 : i32
        %dma_wait3A_38 = tpu.memref_slice %arg11[%add3A_32, %dma_wait3A] : memref<10240x128xf32, #tpu.memory_space<vmem_shared>> -> memref<128x128xf32, #tpu.memory_space<vmem_shared>>
        %dma_wait3A_39 = arith.constant 0 : i32
        %dma_wait3A_40 = tpu.memref_slice %arg11[%add3A_32, %dma_wait3A_39] : memref<10240x128xf32, #tpu.memory_space<vmem_shared>> -> memref<128x128xf32, #tpu.memory_space<vmem_shared>>
        tpu.wait_dma2 semaphore(%run_scoped3A_33 : memref<!tpu.dma_semaphore, #tpu.memory_space<semaphore_mem>>) src(%dma_wait3A_40 : memref<128x128xf32, #tpu.memory_space<vmem_shared>>) dst(%arg9 : memref<128x128xf32, #tpu.memory_space<vmem>>)
        tpu.yield
      }) : () -> ()
      "tpu.region"() ({
        %run_scoped3A_33 = tpu.sem_alloc : memref<!tpu.dma_semaphore, #tpu.memory_space<semaphore_mem>>
        %dma_start3A_34 = arith.constant 0 : i32
        %dma_start3A_35 = tpu.memref_slice %arg6[%arg0, %add3A_32, %dma_start3A_34] : memref<2x10240x128xf32, #tpu.memory_space<hbm>> -> memref<1x128x128xf32, #tpu.memory_space<hbm>>
        %dma_start3A_36 = tpu.memref_squeeze %dma_start3A_35 : memref<1x128x128xf32, #tpu.memory_space<hbm>> -> memref<128x128xf32, #tpu.memory_space<hbm>>
        %dma_start3A_37 = arith.constant 0 : i32
        %dma_start3A_38 = tpu.memref_slice %arg6[%arg0, %add3A_32, %dma_start3A_37] : memref<2x10240x128xf32, #tpu.memory_space<hbm>> -> memref<1x128x128xf32, #tpu.memory_space<hbm>>
        %dma_start3A_39 = tpu.memref_squeeze %dma_start3A_38 : memref<1x128x128xf32, #tpu.memory_space<hbm>> -> memref<128x128xf32, #tpu.memory_space<hbm>>
        tpu.enqueue_dma source(%arg9 : memref<128x128xf32, #tpu.memory_space<vmem>>) target(%dma_start3A_39 : memref<128x128xf32, #tpu.memory_space<hbm>>) target_semaphore(%run_scoped3A_33 : memref<!tpu.dma_semaphore, #tpu.memory_space<semaphore_mem>>)
        %dma_wait3A = arith.constant 0 : i32
        %dma_wait3A_40 = tpu.memref_slice %arg6[%arg0, %add3A_32, %dma_wait3A] : memref<2x10240x128xf32, #tpu.memory_space<hbm>> -> memref<1x128x128xf32, #tpu.memory_space<hbm>>
        %dma_wait3A_41 = tpu.memref_squeeze %dma_wait3A_40 : memref<1x128x128xf32, #tpu.memory_space<hbm>> -> memref<128x128xf32, #tpu.memory_space<hbm>>
        %dma_wait3A_42 = arith.constant 0 : i32
        %dma_wait3A_43 = tpu.memref_slice %arg6[%arg0, %add3A_32, %dma_wait3A_42] : memref<2x10240x128xf32, #tpu.memory_space<hbm>> -> memref<1x128x128xf32, #tpu.memory_space<hbm>>
        %dma_wait3A_44 = tpu.memref_squeeze %dma_wait3A_43 : memref<1x128x128xf32, #tpu.memory_space<hbm>> -> memref<128x128xf32, #tpu.memory_space<hbm>>
        tpu.wait_dma2 semaphore(%run_scoped3A_33 : memref<!tpu.dma_semaphore, #tpu.memory_space<semaphore_mem>>) src(%arg9 : memref<128x128xf32, #tpu.memory_space<vmem>>) dst(%dma_wait3A_44 : memref<128x128xf32, #tpu.memory_space<hbm>>)
        tpu.yield
      }) : () -> ()
    }
    %scan3A_28 = arith.constant 5 : i32
    return
  }
}

module attributes {stable_mosaic.version = 14 : i64} {
  func.func @_mlp_body(%arg0: i32, %arg1: memref<1000x128xf32, #tpu.memory_space<vmem>>, %arg2: memref<2x1000x128xf32, #tpu.memory_space<vmem>>, %arg3: memref<128x128xf32, #tpu.memory_space<vmem>>, %arg4: memref<1x128xf32, #tpu.memory_space<vmem>>, %arg5: memref<128x128xf32, #tpu.memory_space<vmem>>, %arg6: memref<1x128xf32, #tpu.memory_space<vmem>>, %arg7: memref<1000x128xf32, #tpu.memory_space<vmem>>) attributes {dimension_semantics = [#tpu.dimension_semantics<arbitrary>], iteration_bounds = array<i64: 10>, scalar_prefetch = 0 : i64, scratch_operands = 0 : i64, tpu.core_type = #tpu.core_type<tc>, window_params = [{transform_indices = @transform_0, window_bounds = array<i64: 1000, 128>}, {transform_indices = @transform_1, window_bounds = array<i64: 2, 1000, 128>}, {pipeline_mode = #tpu.pipeline_mode<synchronous>, transform_indices = @transform_2, window_bounds = array<i64: 128, 128>}, {pipeline_mode = #tpu.pipeline_mode<synchronous>, transform_indices = @transform_3, window_bounds = array<i64: 1, 128>}, {pipeline_mode = #tpu.pipeline_mode<synchronous>, transform_indices = @transform_4, window_bounds = array<i64: 128, 128>}, {pipeline_mode = #tpu.pipeline_mode<synchronous>, transform_indices = @transform_5, window_bounds = array<i64: 1, 128>}, {transform_indices = @transform_6, window_bounds = array<i64: 1000, 128>}]} {
    %get3A = arith.constant 0 : index
    %get3A_0 = arith.constant 0 : index
    %get3A_1 = vector.load %arg1[%get3A, %get3A_0] : memref<1000x128xf32, #tpu.memory_space<vmem>>, vector<1000x128xf32>
    %get3A_2 = arith.constant 0 : index
    %get3A_3 = arith.constant 0 : index
    %get3A_4 = arith.constant 0 : index
    %get3A_5 = vector.load %arg2[%get3A_2, %get3A_3, %get3A_4] : memref<2x1000x128xf32, #tpu.memory_space<vmem>>, vector<1x1000x128xf32>
    %get3A_6 = vector.shape_cast %get3A_5 : vector<1x1000x128xf32> to vector<1000x128xf32>
    %add3A = arith.addf %get3A_1, %get3A_6 : vector<1000x128xf32>
    %get3A_7 = arith.constant 1 : index
    %get3A_8 = arith.constant 0 : index
    %get3A_9 = arith.constant 0 : index
    %get3A_10 = vector.load %arg2[%get3A_7, %get3A_8, %get3A_9] : memref<2x1000x128xf32, #tpu.memory_space<vmem>>, vector<1x1000x128xf32>
    %get3A_11 = vector.shape_cast %get3A_10 : vector<1x1000x128xf32> to vector<1000x128xf32>
    %add3A_12 = arith.addf %add3A, %get3A_11 : vector<1000x128xf32>
    %get3A_13 = arith.constant 0 : index
    %get3A_14 = arith.constant 0 : index
    %get3A_15 = vector.load %arg3[%get3A_13, %get3A_14] : memref<128x128xf32, #tpu.memory_space<vmem>>, vector<128x128xf32>
    %dot_general3A = arith.constant dense<0.000000e+00> : vector<1000x128xf32>
    %dot_general3A_16 = tpu.matmul %add3A_12, %get3A_15, %dot_general3A {dimension_numbers = #tpu.dot_dimension_numbers<[1], [0], [0], [1], [0, 0, 1, 1], [], []>, transpose_lhs_hint = false} : vector<1000x128xf32>, vector<128x128xf32>, vector<1000x128xf32> -> vector<1000x128xf32>
    %get3A_17 = arith.constant 0 : index
    %get3A_18 = arith.constant 0 : index
    %get3A_19 = vector.load %arg4[%get3A_17, %get3A_18] : memref<1x128xf32, #tpu.memory_space<vmem>>, vector<1x128xf32>
    %add3A_20 = vector.broadcast %get3A_19 : vector<1x128xf32> to vector<1000x128xf32>
    %add3A_21 = arith.addf %dot_general3A_16, %add3A_20 : vector<1000x128xf32>
    %max3A = arith.constant 0.000000e+00 : f32
    %max3A_22 = vector.broadcast %max3A : f32 to vector<1000x128xf32>
    %max3A_23 = arith.maximumf %add3A_21, %max3A_22 : vector<1000x128xf32>
    %get3A_24 = arith.constant 0 : index
    %get3A_25 = arith.constant 0 : index
    %get3A_26 = vector.load %arg5[%get3A_24, %get3A_25] : memref<128x128xf32, #tpu.memory_space<vmem>>, vector<128x128xf32>
    %dot_general3A_27 = arith.constant dense<0.000000e+00> : vector<1000x128xf32>
    %dot_general3A_28 = tpu.matmul %max3A_23, %get3A_26, %dot_general3A_27 {dimension_numbers = #tpu.dot_dimension_numbers<[1], [0], [0], [1], [0, 0, 1, 1], [], []>, transpose_lhs_hint = false} : vector<1000x128xf32>, vector<128x128xf32>, vector<1000x128xf32> -> vector<1000x128xf32>
    %get3A_29 = arith.constant 0 : index
    %get3A_30 = arith.constant 0 : index
    %get3A_31 = vector.load %arg6[%get3A_29, %get3A_30] : memref<1x128xf32, #tpu.memory_space<vmem>>, vector<1x128xf32>
    %add3A_32 = vector.broadcast %get3A_31 : vector<1x128xf32> to vector<1000x128xf32>
    %add3A_33 = arith.addf %dot_general3A_28, %add3A_32 : vector<1000x128xf32>
    %max3A_34 = arith.constant 0.000000e+00 : f32
    %max3A_35 = vector.broadcast %max3A_34 : f32 to vector<1000x128xf32>
    %max3A_36 = arith.maximumf %add3A_33, %max3A_35 : vector<1000x128xf32>
    %swap3A = arith.constant 0 : index
    %swap3A_37 = arith.constant 0 : index
    %swap3A_38 = vector.load %arg7[%swap3A, %swap3A_37] : memref<1000x128xf32, #tpu.memory_space<vmem>>, vector<1000x128xf32>
    tpu.vector_store %arg7[%swap3A, %swap3A_37], %max3A_36 {strides = array<i32>} : memref<1000x128xf32, #tpu.memory_space<vmem>>, vector<1000x128xf32>,
    return
  }
  func.func @transform_0(%arg0: i32) -> (i32, i32) {
    %c0_i32 = arith.constant 0 : i32
    %c0_i32_0 = arith.constant 0 : i32
    return %arg0, %c0_i32 : i32, i32
  }
  func.func @transform_1(%arg0: i32) -> (i32, i32, i32) {
    %c0_i32 = arith.constant 0 : i32
    %c0_i32_0 = arith.constant 0 : i32
    %c0_i32_1 = arith.constant 0 : i32
    return %c0_i32, %arg0, %c0_i32_0 : i32, i32, i32
  }
  func.func @transform_2(%arg0: i32) -> (i32, i32) {
    %c0_i32 = arith.constant 0 : i32
    %c0_i32_0 = arith.constant 0 : i32
    %c0_i32_1 = arith.constant 0 : i32
    return %c0_i32, %c0_i32_0 : i32, i32
  }
  func.func @transform_3(%arg0: i32) -> (i32, i32) {
    %c0_i32 = arith.constant 0 : i32
    %c0_i32_0 = arith.constant 0 : i32
    %c0_i32_1 = arith.constant 0 : i32
    return %c0_i32, %c0_i32_0 : i32, i32
  }
  func.func @transform_4(%arg0: i32) -> (i32, i32) {
    %c0_i32 = arith.constant 0 : i32
    %c0_i32_0 = arith.constant 0 : i32
    %c0_i32_1 = arith.constant 0 : i32
    return %c0_i32, %c0_i32_0 : i32, i32
  }
  func.func @transform_5(%arg0: i32) -> (i32, i32) {
    %c0_i32 = arith.constant 0 : i32
    %c0_i32_0 = arith.constant 0 : i32
    %c0_i32_1 = arith.constant 0 : i32
    return %c0_i32, %c0_i32_0 : i32, i32
  }
  func.func @transform_6(%arg0: i32) -> (i32, i32) {
    %c0_i32 = arith.constant 0 : i32
    %c0_i32_0 = arith.constant 0 : i32
    return %arg0, %c0_i32 : i32, i32
  }
}

module attributes {stable_mosaic.version = 14 : i64} {
  func.func @_mlp_body(%arg0: i32, %arg1: memref<1000x128xf32, #tpu.memory_space<vmem>>, %arg2: memref<2x1000x128xf32, #tpu.memory_space<vmem>>, %arg3: memref<128x128xf32, #tpu.memory_space<vmem>>, %arg4: memref<1x128xf32, #tpu.memory_space<vmem>>, %arg5: memref<128x128xf32, #tpu.memory_space<vmem>>, %arg6: memref<1x128xf32, #tpu.memory_space<vmem>>, %arg7: memref<1000x128xf32, #tpu.memory_space<vmem>>) attributes {dimension_semantics = [#tpu.dimension_semantics<arbitrary>], iteration_bounds = array<i64: 10>, scalar_prefetch = 0 : i64, scratch_operands = 0 : i64, tpu.core_type = #tpu.core_type<tc>, window_params = [{transform_indices = @transform_0, window_bounds = array<i64: 1000, 128>}, {transform_indices = @transform_1, window_bounds = array<i64: 2, 1000, 128>}, {pipeline_mode = #tpu.pipeline_mode<synchronous>, transform_indices = @transform_2, window_bounds = array<i64: 128, 128>}, {pipeline_mode = #tpu.pipeline_mode<synchronous>, transform_indices = @transform_3, window_bounds = array<i64: 1, 128>}, {pipeline_mode = #tpu.pipeline_mode<synchronous>, transform_indices = @transform_4, window_bounds = array<i64: 128, 128>}, {pipeline_mode = #tpu.pipeline_mode<synchronous>, transform_indices = @transform_5, window_bounds = array<i64: 1, 128>}, {transform_indices = @transform_6, window_bounds = array<i64: 1000, 128>}]} {
    %get3A = arith.constant 0 : index
    %get3A_0 = arith.constant 0 : index
    %get3A_1 = vector.load %arg1[%get3A, %get3A_0] : memref<1000x128xf32, #tpu.memory_space<vmem>>, vector<1000x128xf32>
    %get3A_2 = arith.constant 0 : index
    %get3A_3 = arith.constant 0 : index
    %get3A_4 = arith.constant 0 : index
    %get3A_5 = vector.load %arg2[%get3A_2, %get3A_3, %get3A_4] : memref<2x1000x128xf32, #tpu.memory_space<vmem>>, vector<1x1000x128xf32>
    %get3A_6 = vector.shape_cast %get3A_5 : vector<1x1000x128xf32> to vector<1000x128xf32>
    %add3A = arith.addf %get3A_1, %get3A_6 : vector<1000x128xf32>
    %get3A_7 = arith.constant 1 : index
    %get3A_8 = arith.constant 0 : index
    %get3A_9 = arith.constant 0 : index
    %get3A_10 = vector.load %arg2[%get3A_7, %get3A_8, %get3A_9] : memref<2x1000x128xf32, #tpu.memory_space<vmem>>, vector<1x1000x128xf32>
    %get3A_11 = vector.shape_cast %get3A_10 : vector<1x1000x128xf32> to vector<1000x128xf32>
    %add3A_12 = arith.addf %add3A, %get3A_11 : vector<1000x128xf32>
    %get3A_13 = arith.constant 0 : index
    %get3A_14 = arith.constant 0 : index
    %get3A_15 = vector.load %arg3[%get3A_13, %get3A_14] : memref<128x128xf32, #tpu.memory_space<vmem>>, vector<128x128xf32>
    %dot_general3A = arith.constant dense<0.000000e+00> : vector<1000x128xf32>
    %dot_general3A_16 = tpu.matmul %add3A_12, %get3A_15, %dot_general3A {dimension_numbers = #tpu.dot_dimension_numbers<[1], [0], [0], [1], [0, 0, 1, 1], [], []>, transpose_lhs_hint = false} : vector<1000x128xf32>, vector<128x128xf32>, vector<1000x128xf32> -> vector<1000x128xf32>
    %get3A_17 = arith.constant 0 : index
    %get3A_18 = arith.constant 0 : index
    %get3A_19 = vector.load %arg4[%get3A_17, %get3A_18] : memref<1x128xf32, #tpu.memory_space<vmem>>, vector<1x128xf32>
    %add3A_20 = vector.broadcast %get3A_19 : vector<1x128xf32> to vector<1000x128xf32>
    %add3A_21 = arith.addf %dot_general3A_16, %add3A_20 : vector<1000x128xf32>
    %max3A = arith.constant 0.000000e+00 : f32
    %max3A_22 = vector.broadcast %max3A : f32 to vector<1000x128xf32>
    %max3A_23 = arith.maximumf %add3A_21, %max3A_22 : vector<1000x128xf32>
    %get3A_24 = arith.constant 0 : index
    %get3A_25 = arith.constant 0 : index
    %get3A_26 = vector.load %arg5[%get3A_24, %get3A_25] : memref<128x128xf32, #tpu.memory_space<vmem>>, vector<128x128xf32>
    %dot_general3A_27 = arith.constant dense<0.000000e+00> : vector<1000x128xf32>
    %dot_general3A_28 = tpu.matmul %max3A_23, %get3A_26, %dot_general3A_27 {dimension_numbers = #tpu.dot_dimension_numbers<[1], [0], [0], [1], [0, 0, 1, 1], [], []>, transpose_lhs_hint = false} : vector<1000x128xf32>, vector<128x128xf32>, vector<1000x128xf32> -> vector<1000x128xf32>
    %get3A_29 = arith.constant 0 : index
    %get3A_30 = arith.constant 0 : index
    %get3A_31 = vector.load %arg6[%get3A_29, %get3A_30] : memref<1x128xf32, #tpu.memory_space<vmem>>, vector<1x128xf32>
    %add3A_32 = vector.broadcast %get3A_31 : vector<1x128xf32> to vector<1000x128xf32>
    %add3A_33 = arith.addf %dot_general3A_28, %add3A_32 : vector<1000x128xf32>
    %max3A_34 = arith.constant 0.000000e+00 : f32
    %max3A_35 = vector.broadcast %max3A_34 : f32 to vector<1000x128xf32>
    %max3A_36 = arith.maximumf %add3A_33, %max3A_35 : vector<1000x128xf32>
    %swap3A = arith.constant 0 : index
    %swap3A_37 = arith.constant 0 : index
    %swap3A_38 = vector.load %arg7[%swap3A, %swap3A_37] : memref<1000x128xf32, #tpu.memory_space<vmem>>, vector<1000x128xf32>
    tpu.vector_store %arg7[%swap3A, %swap3A_37], %max3A_36 {strides = array<i32>} : memref<1000x128xf32, #tpu.memory_space<vmem>>, vector<1000x128xf32>,
    return
  }
  func.func @transform_0(%arg0: i32) -> (i32, i32) {
    %c0_i32 = arith.constant 0 : i32
    %c0_i32_0 = arith.constant 0 : i32
    return %arg0, %c0_i32 : i32, i32
  }
  func.func @transform_1(%arg0: i32) -> (i32, i32, i32) {
    %c0_i32 = arith.constant 0 : i32
    %c0_i32_0 = arith.constant 0 : i32
    %c0_i32_1 = arith.constant 0 : i32
    return %c0_i32, %arg0, %c0_i32_0 : i32, i32, i32
  }
  func.func @transform_2(%arg0: i32) -> (i32, i32) {
    %c0_i32 = arith.constant 0 : i32
    %c0_i32_0 = arith.constant 0 : i32
    %c0_i32_1 = arith.constant 0 : i32
    return %c0_i32, %c0_i32_0 : i32, i32
  }
  func.func @transform_3(%arg0: i32) -> (i32, i32) {
    %c0_i32 = arith.constant 0 : i32
    %c0_i32_0 = arith.constant 0 : i32
    %c0_i32_1 = arith.constant 0 : i32
    return %c0_i32, %c0_i32_0 : i32, i32
  }
  func.func @transform_4(%arg0: i32) -> (i32, i32) {
    %c0_i32 = arith.constant 0 : i32
    %c0_i32_0 = arith.constant 0 : i32
    %c0_i32_1 = arith.constant 0 : i32
    return %c0_i32, %c0_i32_0 : i32, i32
  }
  func.func @transform_5(%arg0: i32) -> (i32, i32) {
    %c0_i32 = arith.constant 0 : i32
    %c0_i32_0 = arith.constant 0 : i32
    %c0_i32_1 = arith.constant 0 : i32
    return %c0_i32, %c0_i32_0 : i32, i32
  }
  func.func @transform_6(%arg0: i32) -> (i32, i32) {
    %c0_i32 = arith.constant 0 : i32
    %c0_i32_0 = arith.constant 0 : i32
    return %arg0, %c0_i32 : i32, i32
  }
}

</mosaic_0001>

<sc_bundles>
// kernel: gather_offload_async_start.1
scs
__scs_entry_jumppad:
0x0: {  	(pc) =	sbr.rel $0x88, $3  }
0x1: {  	(tag) =	ssettag $0x0;
	lr =	simm.s32 $0x1  }
0x2: {  	[smem:$0x3F97] =	sst lr;
	_ =	strace $0xD0000000  }
0x3: {  	_ = 	snop  }
0x4: {  	_ = 	snop  }
0x5: {  	_ = 	snop  }
0x6: {  	_ = 	snop  }
0x7: {  	_ = 	snop  }
__scs_overlays_trampoline_lowered:
0x8: {  	[smem:$0x3FA6] =	sst s0  }
0x9: {  	[smem:$0x3FA7] =	sst s1  }
0xa: {  	[smem:$0x3FA8] =	sst s2  }
0xb: {  	[smem:$0x3FA9] =	sst s3  }
0xc: {  	[smem:$0x3FAA] =	sst s4  }
0xd: {  	[smem:$0x3FAB] =	sst s5  }
0xe: {  	[smem:$0x3FAC] =	sst s6  }
0xf: {  	[smem:$0x3FAD] =	sst s7  }
0x10: {  	[smem:$0x3FAE] =	sst s8  }
0x11: {  	[smem:$0x3FAF] =	sst s9;
	s0 =	simm.s32 @!p0 $0x0  }
0x12: {  	s1 =	sld [smem:$0x3F95];
	s0 =	simm.s32 @p0 $0x1  }
0x13: {  	[smem:$0x3FB0] =	sst s0;
	s0 =	simm.s32 @!p1 $0x0  }
0x14: {  	s2 =	sld [smem:$0x3F94];
	s0 =	simm.s32 @p1 $0x1  }
0x15: {  	[smem:$0x3FB1] =	sst s0;
	s0 =	simm.s32 @!p2 $0x0  }
0x16: {  	s3 =	sld [smem:$0x3FDB];
	s0 =	simm.s32 @p2 $0x1  }
0x17: {  	s4 =	simm.s32 $0x1BF5;
	[smem:$0x3FB3] =	sst s0  }
0x18: {  	s0 =	sld [smem:$0x3F96];
	_ =	swait.ge [sflag:s4], $0x0  }
0x19: {  	s7 =	sld [smem:$0x3F97]  }
0x1a: {  	s8 =	sadd.s32 $0xFFFFE003, lr  }
0x1b: {  	s9 =	sadd.s32 $0xFFFFFEF7, lr;
	s5 =	simm.s32 $0xFFFFFFFF;
	p2 =	slt.u32 s8, $0xFFFFF086  }
0x1c: {  	p1 =	slt.u32 s9, $0xF7A;
	s5 =	simm.s32 @!p2 $0x0  }
0x1d: {  	s5 =	simm.s32 @p1 $0x1;
	p0 =	seq.s32 s7, s2  }
0x1e: {  	s7 =	smul.u32 @!p0 $0xF7A, s2;
	p2 =	seq.s32 @!p0 s5, $0x0  }
0x1f: {  	s9 =	smul.u32 $0xF7A, s1;
	s8 =	simm.s32 @!p0 $0x1BF5;
	p2 =	por !p2, p0  }
0x20: {  	[sflag:s8] =	ssyncset.s32 @!p0 $0xFFFFF086;
	s6 =	sadd.s32 @!p0 s3, s7;
	s7 =	simm.s32 @!p0 $0x108  }
0x21: {  	s3 =	sadd.s32 s3, s9;
	s6 =	sadd.s32 @!p0 $0x88, s6;
	s7 =	simm.s32 @p2 $0x1082  }
0x22: {  	[simem:s7], [sflag:s8] =	dma.local @!p0 [hbm:s6], $0xF7A  }
0x23: {  	s9 =	sor.u32 $0xD0000000, s2;
	s6 =	simm.s32 $0x108;
	_ =	swait.ge @!p0 [sflag:s8], $0x0  }
0x24: {  	s3 =	sadd.s32 $0x88, s3;
	s6 =	simm.s32 @!p1 $0x1082;
	[sflag:s4] =	ssyncset.s32 $0xFFFFF086  }
0x25: {  	[simem:s6], [sflag:s4] =	dma.local [hbm:s3], $0xF7A  }
0x26: {  	[smem:$0x3F97] =	sst s1;
	(tag) =	ssettag s2;
	_ =	strace s9  }
0x27: {  	s1 =	sld [smem:$0x3FA7]  }
0x28: {  	s2 =	sld [smem:$0x3FA8]  }
0x29: {  	s4 =	sld [smem:$0x3FAA]  }
0x2a: {  	p0 =	seq.s32 s5, $0x0;
	s5 =	sld [smem:$0x3FAB]  }
0x2b: {  	s6 =	sld [smem:$0x3FAC]  }
0x2c: {  	s7 =	sld [smem:$0x3FAD]  }
0x2d: {  	s3 =	simm.s32 $0x108;
	s8 =	sld [smem:$0x3FAE]  }
0x2e: {  	s3 =	simm.s32 @!p0 $0x1082;
	s9 =	sld [smem:$0x3FAF]  }
0x2f: {  	lr =	sadd.s32 s0, s3;
	s0 =	sld [smem:$0x3FA6]  }
0x30: {  	s3 =	sld [smem:$0x3FA9]  }
0x31: {  	[smem:$0x3FB2] =	sst s10  }
0x32: {  	s10 =	sld [smem:$0x3FB0];
	_ =	sdelay $0x3  }
0x33: {  	p0 =	seq.s32 s10, $0x1;
	s10 =	sld [smem:$0x3FB2];
	_ =	sdelay $0x3  }
0x34: {  	[smem:$0x3FB2] =	sst s10  }
0x35: {  	s10 =	sld [smem:$0x3FB1];
	_ =	sdelay $0x3  }
0x36: {  	p1 =	seq.s32 s10, $0x1;
	s10 =	sld [smem:$0x3FB2];
	_ =	sdelay $0x3  }
0x37: {  	[smem:$0x3FB2] =	sst s10  }
0x38: {  	s10 =	sld [smem:$0x3FB3]  }
0x39: {  	_ = 	snop;
	(pc) =	sbr.ind lr, $3  }
0x3a: {  	_ = 	snop  }
0x3b: {  	_ = 	snop  }
0x3c: {  	p2 =	seq.s32 s10, $0x1;
	s10 =	sld [smem:$0x3FB2]  }
0x3d: {  	_ =	shalt  }
0x3e: {  	_ =	shalt  }
0x3f: {  	_ =	shalt  }
0x40: {  	_ =	shalt  }
0x41: {  	_ =	shalt  }
0x42: {  	_ =	shalt  }
0x43: {  	_ =	shalt  }
0x44: {  	_ =	shalt  }
0x45: {  	_ =	shalt  }
0x46: {  	_ =	shalt  }
0x47: {  	_ =	shalt  }
0x48: {  	_ =	shalt  }
0x49: {  	_ =	shalt  }
0x4a: {  	_ =	shalt  }
0x4b: {  	_ =	shalt  }
0x4c: {  	_ =	shalt  }
0x4d: {  	_ =	shalt  }
0x4e: {  	_ =	shalt  }
0x4f: {  	_ =	shalt  }
0x50: {  	_ =	shalt  }
0x51: {  	_ =	shalt  }
0x52: {  	_ =	shalt  }
0x53: {  	_ =	shalt  }
0x54: {  	_ =	shalt  }
0x55: {  	_ =	shalt  }
0x56: {  	_ =	shalt  }
0x57: {  	_ =	shalt  }
0x58: {  	_ =	shalt  }
0x59: {  	_ =	shalt  }
0x5a: {  	_ =	shalt  }
0x5b: {  	_ =	shalt  }
0x5c: {  	_ =	shalt  }
0x5d: {  	_ =	shalt  }
0x5e: {  	_ =	shalt  }
0x5f: {  	_ =	shalt  }
0x60: {  	_ =	shalt  }
0x61: {  	_ =	shalt  }
0x62: {  	_ =	shalt  }
0x63: {  	_ =	shalt  }
0x64: {  	_ =	shalt  }
0x65: {  	_ =	shalt  }
0x66: {  	_ =	shalt  }
0x67: {  	_ =	shalt  }
0x68: {  	_ =	shalt  }
0x69: {  	_ =	shalt  }
0x6a: {  	_ =	shalt  }
0x6b: {  	_ =	shalt  }
0x6c: {  	_ =	shalt  }
0x6d: {  	_ =	shalt  }
0x6e: {  	_ =	shalt  }
0x6f: {  	_ =	shalt  }
0x70: {  	_ =	shalt  }
0x71: {  	_ =	shalt  }
0x72: {  	_ =	shalt  }
0x73: {  	_ =	shalt  }
0x74: {  	_ =	shalt  }
0x75: {  	_ =	shalt  }
0x76: {  	_ =	shalt  }
0x77: {  	_ =	shalt  }
0x78: {  	_ =	shalt  }
0x79: {  	_ =	shalt  }
0x7a: {  	_ =	shalt  }
0x7b: {  	_ =	shalt  }
0x7c: {  	_ =	shalt  }
0x7d: {  	_ =	shalt  }
0x7e: {  	_ =	shalt  }
0x7f: {  	_ =	shalt  }
0x80: {  	_ =	shalt  }
0x81: {  	_ =	shalt  }
0x82: {  	_ =	shalt  }
0x83: {  	_ =	shalt  }
0x84: {  	_ =	shalt  }
0x85: {  	_ =	shalt  }
0x86: {  	_ =	shalt  }
0x87: {  	_ =	shalt  }
.Lfunc_end0:
.L_simem_size_0:
called_computation.1_lowered:
.L_overlay_start_0:
0x88: {  	s2 =	sld [smem:$0x3FD9]  }
0x89: {  	s3 =	sld [smem:$0x3FFE];
	_ =	sdelay $0x1  }
0x8a: {  	s1 =	srdreg.scid  }
0x8b: {  	s0 =	sand.u32 $0x1, s1  }
0x8c: {  	s16 =	sshll.u32 s0, $0xA;
	s2 =	sadd.s32 s3, s2  }
0x8d: {  	s2 =	sadd.s32 s2, s16  }
0x8e: {  	[smem:$0x3FBE] =	sst s2  }
0x8f: {  	_ = 	snop  }
0x90: {  	(tm) =	ssettm $0x1  }
0x91: {  	s17 =	sld [smem:$0x3FFB];
	_ =	sdelay $0x3  }
0x92: {  	_ =	strace s17  }
0x93: {  	s2 =	sld [smem:$0x3FFC];
	_ =	sdelay $0x3  }
0x94: {  	_ =	strace s2  }
0x95: {  	s2 =	sld [smem:$0x3FFD];
	_ =	sdelay $0x3  }
0x96: {  	_ =	strace s2  }
0x97: {  	_ =	strace $0x8FFFFFFF  }
0x98: {  	s18 =	sld [smem:$0x3FDB];
	_ =	sdelay $0x1  }
0x99: {  	s19 =	simm.s32 $_scs_section_size  }
0x9a: {  	s4 =	simm.s32 $_size__tile_overlayer_lowered;
	s5 =	simm.s32 $_tile_overlayer_lowered  }
0x9b: {  	s22 =	simm.s32 $0x1BFF;
	s21 =	sshll.u32 s5, $0x1;
	s2 =	sadd.s32 s19, s18  }
0x9c: {  	s6 =	simm.s32 $0x0;
	s20 =	sshll.u32 s4, $0x1;
	s4 =	sadd.s32 s21, s2  }
0x9d: {  	[timem:s6], [sflag:s22] =	dma.local [hbm:s4], s20  }
0x9e: {  	_ =	swait.ge [sflag:s22], s20  }
0x9f: {  	s3 =	ssub.s32 $0x0, s20;
	[sflag:s22] =	ssyncset.done $0x0  }
0xa0: {  	[sflag:s22] =	ssyncadd.s32 s3;
	_ =	sdelay $0x1  }
0xa1: {  	s23 =	simm.s32 $0x1B8B  }
0xa2: {  	_ =	swait.ge [sflag:s23], $0x1  }
0xa3: {  	[sflag:s23] =	ssyncset.done $0x0  }
0xa4: {  	s25 =	simm.s32 $0x1B8E;
	s24 =	sld [smem:$0x3FFE];
	[sflag:s23] =	ssyncadd.s32 $0xFFFFFFFF  }
0xa5: {  	s26 =	simm.s32 $execute0_lowered;
	[smem:$0x3FD2] =	sst s25  }
0xa6: {  	s4 =	sshll.u32 s26, $0x1;
	_ =	strace $0x80000046;
	[dreg:$0x1] =	wrdreg $0xFFFFFFFF  }
0xa7: {  	s28 =	simm.s32 $_size_execute0_lowered;
	s2 =	sadd.s32 s2, s4;
	[dreg:$0x0] =	wrdreg $0x0  }
0xa8: {  	s4 =	sshll.u32 s28, $0x1;
	[dreg:$0x2] =	wrdreg s2  }
0xa9: {  	[dreg:$0x3] =	wrdreg s4  }
0xaa: {  	[dreg:$0x4] =	wrdreg $0xC0  }
0xab: {  	_ =	task [dreg:s6], $0x5FFFF  }
0xac: {  	[dreg:$0x1] =	wrdreg $0xFFFFFFFF  }
0xad: {  	[dreg:$0x0] =	wrdreg $0x60  }
0xae: {  	[dreg:$0x2] =	wrdreg s24  }
0xaf: {  	[dreg:$0x3] =	wrdreg $0xA  }
0xb0: {  	_ =	task.clear_ibuf [dreg:s6], $0x4FFFF;
	_ =	strace $0x90000046  }
0xb1: {  	s29 =	simm.s32 $0xA;
	_ =	strace $0x80000048  }
0xb2: {  	_ =	swait.ge [sflag:s29], $0x1  }
0xb3: {  	[sflag:s29] =	ssyncadd.s32 $0xFFFFFFFF  }
0xb4: {  	_ =	strace $0x90000048  }
0xb5: {  	_ =	sfence  }
0xb6: {  	s30 =	sld [smem:$0x0];
	_ =	sdelay $0x2  }
0xb7: {  	s31 =	sshll.u32 s1, $0xD;
	s1 =	sshrl.u32 s1, $0x2  }
0xb8: {  	s3 =	sand.u32 $0x4000, s31;
	s1 =	sadd.s32 s1, s30  }
0xb9: {  	s0 =	sor.u32 s3, s0;
	s1 =	sshll.u32 s1, $0x11  }
0xba: {  	s0 =	sor.u32 s1, s0  }
0xbb: {  	s0 =	sadd.s32 $0x8F2B, s0  }
0xbc: {  	[sflag:s0] =	ssyncadd.remote.s32 $0x1  }
0xbd: {  	_ =	sfence.sel $0xFFFF  }
0xbe: {  	[dreg:$0x0] =	wrdreg $0xFFFFFFFF;
	(pc) =	sbr.abs _section_cstart, $3  }
0xbf: {  	[dreg:$0x1] =	wrdreg $0xFFFFFFFF  }
0xc0: {  	_ =	task.clear_ibuf [dreg:s6], $0x2FFFF;
	_ =	strace $0x9FFFFFFF  }
0xc1: {  	(tm) =	ssettm $0x7FFFFFFF  }
tec
execute0_lowered:
.L_overlay_start_1:
0x0: {  	(tag) =	ssettag $0x1  }
0x1: {  	s0 =	srdreg.scid;
	s5 =	rddreg [dreg:$0x0]  }
0x2: {  	s1 =	stileid.u32;
	s6 =	simm.s32 $0x1;
	s9 =	simm.s32 $0x1  }
0x3: {  	s10 =	simm.s32 $0x3;
	s13 =	simm.s32 $0x0;
	s2 =	sshll.u32 s0, $0xD  }
0x4: {  	s12 =	simm.s32 $0x0;
	s3 =	sshll.u32 s1, $0xE;
	s2 =	sand.u32 $0x2000, s2  }
0x5: {  	s0 =	rddreg [dreg:$0x1];
	_ =	strace $0x80000047;
	s2 =	sor.u32 s3, s2  }
0x6: {  	s4 =	sadd.s32 $0xBC00, s5;
	[sflag:s6] =	ssyncpa.u1 $0x0;
	s8 =	ssub.s32 $0x50000, s2  }
.Ltmp0:
0x7: {  	s3 =	sadd.s32 $0x1C00, s5;
	s7 =	sand.u32 $0x3E000, s8;
	(pc) =	sbr.rel .LBB2_1-.Ltmp0, $4  }
0x8: {  	s5 =	sadd.s32 $0x15C00, s5;
	s11 =	smov.u32 s2;
	p0 =	sne.s32 s7, $0x0  }
0x9: {  	s8 =	sshrl.u32 s8, $0x12;
	s7 =	simm.s32 $0x2;
	s9 =	simm.s32 @!p0 $0x0  }
0xa: {  	[sflag:s7] =	ssyncpa.u1 $0x0;
	p0 =	por $0x0, $0x0;
	s8 =	sadd.s32 s9, s8  }
0xb: {  	vm0 =	vmmov $0xffff;
	[sflag:s10] =	ssyncpa.u1 $0x0;
	s10 =	simm.s32 $0x0;
	s9 =	sadd.s32 $0x1, s8  }
.LBB2_4:
0xc: {  	v2 =	vnsel vm1, $0x0, v2  }
0xd: {  	vm1 =	vgt.s32 v0, $0x0;
	v2 =	vmin.u32 v2, $0x4FFFF  }
0xe: {  	v0 =	vnsel vm1, $0x0, v0  }
0xf: {  	v0 =	vmin.u32 v0, $0x4FFFF  }
0x10: {  	[tilespmem:s15], [sflag:$0x1] =	stream.indirect_vreg.gather [hbm4b:s3+s10], $0x1, v1, vm0, $0x4038;
	[tilespmem:$0x8000] =	vst v63  }
0x11: {  	(ifvalue) =	ssetifvalue $0x7FFFFFFF  }
0x12: {  	[tilespmem:s16], [sflag:$0x1] =	stream.indirect_vreg.gather [hbm4b:s3+s10], $0x1, v2, vm0, $0x4038;
	[tilespmem:$0x8000] =	vst v63  }
0x13: {  	s29 =	sadd.s32 $0x10, s16;
	(ifvalue) =	ssetifvalue $0x7FFFFFFF  }
0x14: {  	[tilespmem:s29], [sflag:$0x1] =	stream.indirect_vreg.gather [hbm4b:s3+s10], $0x1, v0, vm0, $0x4038;
	[tilespmem:$0x8000] =	vst v63  }
0x15: {  	_ =	swait.ge [sflag:s6], $0x2000  }
0x16: {  	s30 =	sshrl.u32 s13, $0x3;
	[sflag:s6] =	ssyncset.done $0x0  }
0x17: {  	s31 =	sand.u32 $0x7, s13;
	s15 =	sadd.s32 s5, s30;
	[sflag:s6] =	ssyncadd.s32 $0xFFFFE000  }
0x18: {  	[hbm4b:s15+s31] =	stream.linear.scatter [tilespmem:s14], [sflag:$0x3], $0x2000, $0x38;
	[tilespmem:$0x8000] =	vst v63  }
.LBB2_5:
0x19: {  	s15 =	sadd.s32 $0x40000, s11  }
0x1a: {  	p2 =	sgt.s32 s15, $0x4FFFF  }
0x1b: {  	s15 =	smov.u32 @p2 s2;
	p2 =	sne.s32 s12, s9  }
.Ltmp1:
0x1c: {  	p1 =	slt.u32 s12, $0x2;
	(pc) =	sbr.rel @!p2 .LBB2_6-.Ltmp1, $4  }
0x1d: {  	s14 =	simm.s32 @!p1 $0x3  }
0x1e: {  	s16 =	sadd.s32 $0x1, s12;
	_ =	swait.ge @!p1 [sflag:s14], $0x2000  }
0x1f: {  	s13 =	smov.u32 s11;
	p0 =	por !p0, !p0;
	[sflag:s14] =	ssyncset.done @!p1 $0x0  }
0x20: {  	s12 =	smov.u32 s16;
	s11 =	smov.u32 s15;
	[sflag:s14] =	ssyncadd.s32 @!p1 $0xFFFFE000  }
.LBB2_1:
0x21: {  	p1 =	sge.u32 s12, s8  }
0x22: {  	s14 =	sxor.u32 @!p1 $0xFFFFFFFF, s12  }
0x23: {  	s31 =	sadd.s32 $0xFFFFFFFF, s12;
	s15 =	sshrl.u32 @!p1 s11, $0x3;
	s14 =	sshll.u32 @!p1 s14, $0xD  }
0x24: {  	s16 =	sand.u32 @!p1 $0x7, s11;
	s15 =	sadd.s32 @!p1 s4, s15;
	s14 =	sand.u32 @!p1 $0x2000, s14  }
0x25: {  	[tilespmem:s14], [sflag:$0x2] =	stream.linear.gather @!p1 [hbm4b:s15+s16], $0x2000, $0x38;
	[tilespmem:$0x8000] =	vst v63  }
0x26: {  	p1 =	sge.u32 s31, s8  }
.Ltmp2:
0x27: {  	_ = 	snop;
	(pc) =	sbr.rel @p1 .LBB2_5-.Ltmp2, $1  }
0x28: {  	_ =	sdelay $0x3  }
0x29: {  	s14 =	simm.s32 $0x1  }
0x2a: {  	_ =	swait.ge [sflag:s7], $0x2000;
	s14 =	simm.s32 @!p0 $0x0  }
0x2b: {  	[sflag:s7] =	ssyncset.done $0x0;
	s14 =	sshll.u32 s14, $0xD  }
0x2c: {  	[sflag:s7] =	ssyncadd.s32 $0xFFFFE000;
	(ifvalue) =	ssetifvalue $0x7FFFFFFF;
	v0 =	vld.msk [tilespmem:s14+$0x0 ss:$0x1], $0xffff;
	_ =	sdelay $0x4  }
0x2d: {  	s15 =	sadd.s32 $0x10, s14;
	vm1 =	vgt.s32 v0, $0x0  }
0x2e: {  	v2 =	vld.msk [tilespmem:s15+$0x0 ss:$0x1], $0xffff;
	v1 =	vnsel vm1, $0x0, v0  }
0x2f: {  	v1 =	vmin.u32 v1, $0x4FFFF;
	_ =	sdelay $0x1  }
0x30: {  	s16 =	sshll.u32 s12, $0xD;
	s18 =	simm.s32 $0x20  }
0x31: {  	s16 =	sand.u32 $0x2000, s16;
	s17 =	sadd.s32 $0x10, s15;
	s15 =	sor.u32 $0x4000, s14  }
0x32: {  	s14 =	sor.u32 $0x4000, s16;
	s16 =	sadd.s32 $0x10, s15;
	v0 =	vld.msk [tilespmem:s17+$0x0 ss:$0x1], $0xffff;
	vm1 =	vgt.s32 v2, $0x0;
	(ifvalue) =	ssetifvalue $0x7FFFFFFF  }
.LBB2_3:
0x33: {  	[tilespmem:s15], [sflag:$0x1] =	stream.indirect_vreg.gather [hbm4b:s3+s10], $0x1, v1, vm0, $0x4038;
	[tilespmem:$0x8000] =	vst v63  }
0x34: {  	s18 =	sadd.s32 $0x10, s18  }
0x35: {  	v2 =	vnsel vm1, $0x0, v2;
	p1 =	slt.u32 s18, $0x1FF0  }
.Ltmp3:
0x36: {  	s15 =	smov.u32 s16;
	v1 =	vmin.u32 v2, $0x4FFFF;
	(pc) =	sbr.rel @p1 .LBB2_3-.Ltmp3, $3  }
0x37: {  	_ =	sdelay $0x1  }
0x38: {  	s17 =	sadd.s32 $0x10, s17  }
0x39: {  	vm1 =	vgt.s32 v0, $0x0;
	s16 =	sadd.s32 $0x10, s16;
	v2 =	vmov v0;
	(ifvalue) =	ssetifvalue $0x7FFFFFFF;
	v0 =	vld.msk [tilespmem:s17+$0x0 ss:$0x1], $0xffff  }
.Ltmp4:
0x3a: {  	_ = 	snop;
	(pc) =	sbr.rel .LBB2_4-.Ltmp4, $1  }
0x3b: {  	_ =	sdelay $0x3  }
.LBB2_6:
0x3c: {  	_ =	sfence.sel $0x180000  }
0x3d: {  	s2 =	simm.s32 $0x2;
	[bflag:$0x0] =	sbarrier.arrive $0xFFFF  }
0x3e: {  	s30 =	simm.s32 $0x3;
	[sflag:s2] =	ssyncpa.u1 $0x1  }
0x3f: {  	s31 =	simm.s32 $0x1;
	[sflag:s30] =	ssyncpa.u1 $0x1  }
0x40: {  	[sflag:s31] =	ssyncpa.u1 $0x1  }
0x41: {  	p0 =	sne.s32 s1, $0x0;
	_ =	strace $0x90000047  }
0x42: {  	s0 =	sadd.s32 @!p0 $0x100000, s0;
	[bflag:$0x2] =	sbarrier.arrive $0xFFFF  }
0x43: {  	[sflag:s0] =	ssyncadd.tile.s32 @!p0 $0x1;
	_ =	shalt  }
.Lfunc_end2:
_tile_overlayer_lowered:
.L_overlay_start_2:
0x44: {  	(tag) =	ssettag $0x2  }
0x45: {  	s0 =	rddreg [dreg:$0x0];
	s2 =	stileid.u32  }
0x46: {  	s1 =	rddreg [dreg:$0x1];
	p0 =	sne.s32 s2, $0x0  }
0x47: {  	s3 =	rddreg [dreg:$0x2];
	[bflag:$0x3] =	sbarrier.arrive $0xFFFF;
	s2 =	simm.s32 @!p0 $0x1C01  }
0x48: {  	[timem:s3], [sflag:s2] =	dma.local @!p0 [hbm:s0], s1  }
0x49: {  	s0 =	simm.s32 @!p0 $0x1  }
0x4a: {  	_ =	swait.ge @!p0 [sflag:s0], s1  }
0x4b: {  	s1 =	ssub.s32 @!p0 $0x0, s1;
	[sflag:s0] =	ssyncset.done @!p0 $0x0  }
0x4c: {  	[sflag:s0] =	ssyncadd.s32 @!p0 s1  }
0x4d: {  	[bflag:$0x3] =	sbarrier.arrive $0xFFFF  }
0x4e: {  	_ =	shalt  }

// kernel: gather_offload_async_start
scs
__scs_entry_jumppad:
0x0: {  	(pc) =	sbr.rel $0x88, $3  }
0x1: {  	(tag) =	ssettag $0x0;
	lr =	simm.s32 $0x1  }
0x2: {  	[smem:$0x3F97] =	sst lr;
	_ =	strace $0xD0000000  }
0x3: {  	_ = 	snop  }
0x4: {  	_ = 	snop  }
0x5: {  	_ = 	snop  }
0x6: {  	_ = 	snop  }
0x7: {  	_ = 	snop  }
__scs_overlays_trampoline_lowered:
0x8: {  	[smem:$0x3FA6] =	sst s0  }
0x9: {  	[smem:$0x3FA7] =	sst s1  }
0xa: {  	[smem:$0x3FA8] =	sst s2  }
0xb: {  	[smem:$0x3FA9] =	sst s3  }
0xc: {  	[smem:$0x3FAA] =	sst s4  }
0xd: {  	[smem:$0x3FAB] =	sst s5  }
0xe: {  	[smem:$0x3FAC] =	sst s6  }
0xf: {  	[smem:$0x3FAD] =	sst s7  }
0x10: {  	[smem:$0x3FAE] =	sst s8  }
0x11: {  	[smem:$0x3FAF] =	sst s9;
	s0 =	simm.s32 @!p0 $0x0  }
0x12: {  	s1 =	sld [smem:$0x3F95];
	s0 =	simm.s32 @p0 $0x1  }
0x13: {  	[smem:$0x3FB0] =	sst s0;
	s0 =	simm.s32 @!p1 $0x0  }
0x14: {  	s2 =	sld [smem:$0x3F94];
	s0 =	simm.s32 @p1 $0x1  }
0x15: {  	[smem:$0x3FB1] =	sst s0;
	s0 =	simm.s32 @!p2 $0x0  }
0x16: {  	s3 =	sld [smem:$0x3FDB];
	s0 =	simm.s32 @p2 $0x1  }
0x17: {  	s4 =	simm.s32 $0x1BF5;
	[smem:$0x3FB3] =	sst s0  }
0x18: {  	s0 =	sld [smem:$0x3F96];
	_ =	swait.ge [sflag:s4], $0x0  }
0x19: {  	s7 =	sld [smem:$0x3F97]  }
0x1a: {  	s8 =	sadd.s32 $0xFFFFE003, lr  }
0x1b: {  	s9 =	sadd.s32 $0xFFFFFEF7, lr;
	s5 =	simm.s32 $0xFFFFFFFF;
	p2 =	slt.u32 s8, $0xFFFFF086  }
0x1c: {  	p1 =	slt.u32 s9, $0xF7A;
	s5 =	simm.s32 @!p2 $0x0  }
0x1d: {  	s5 =	simm.s32 @p1 $0x1;
	p0 =	seq.s32 s7, s2  }
0x1e: {  	s7 =	smul.u32 @!p0 $0xF7A, s2;
	p2 =	seq.s32 @!p0 s5, $0x0  }
0x1f: {  	s9 =	smul.u32 $0xF7A, s1;
	s8 =	simm.s32 @!p0 $0x1BF5;
	p2 =	por !p2, p0  }
0x20: {  	[sflag:s8] =	ssyncset.s32 @!p0 $0xFFFFF086;
	s6 =	sadd.s32 @!p0 s3, s7;
	s7 =	simm.s32 @!p0 $0x108  }
0x21: {  	s3 =	sadd.s32 s3, s9;
	s6 =	sadd.s32 @!p0 $0x88, s6;
	s7 =	simm.s32 @p2 $0x1082  }
0x22: {  	[simem:s7], [sflag:s8] =	dma.local @!p0 [hbm:s6], $0xF7A  }
0x23: {  	s9 =	sor.u32 $0xD0000000, s2;
	s6 =	simm.s32 $0x108;
	_ =	swait.ge @!p0 [sflag:s8], $0x0  }
0x24: {  	s3 =	sadd.s32 $0x88, s3;
	s6 =	simm.s32 @!p1 $0x1082;
	[sflag:s4] =	ssyncset.s32 $0xFFFFF086  }
0x25: {  	[simem:s6], [sflag:s4] =	dma.local [hbm:s3], $0xF7A  }
0x26: {  	[smem:$0x3F97] =	sst s1;
	(tag) =	ssettag s2;
	_ =	strace s9  }
0x27: {  	s1 =	sld [smem:$0x3FA7]  }
0x28: {  	s2 =	sld [smem:$0x3FA8]  }
0x29: {  	s4 =	sld [smem:$0x3FAA]  }
0x2a: {  	p0 =	seq.s32 s5, $0x0;
	s5 =	sld [smem:$0x3FAB]  }
0x2b: {  	s6 =	sld [smem:$0x3FAC]  }
0x2c: {  	s7 =	sld [smem:$0x3FAD]  }
0x2d: {  	s3 =	simm.s32 $0x108;
	s8 =	sld [smem:$0x3FAE]  }
0x2e: {  	s3 =	simm.s32 @!p0 $0x1082;
	s9 =	sld [smem:$0x3FAF]  }
0x2f: {  	lr =	sadd.s32 s0, s3;
	s0 =	sld [smem:$0x3FA6]  }
0x30: {  	s3 =	sld [smem:$0x3FA9]  }
0x31: {  	[smem:$0x3FB2] =	sst s10  }
0x32: {  	s10 =	sld [smem:$0x3FB0];
	_ =	sdelay $0x3  }
0x33: {  	p0 =	seq.s32 s10, $0x1;
	s10 =	sld [smem:$0x3FB2];
	_ =	sdelay $0x3  }
0x34: {  	[smem:$0x3FB2] =	sst s10  }
0x35: {  	s10 =	sld [smem:$0x3FB1];
	_ =	sdelay $0x3  }
0x36: {  	p1 =	seq.s32 s10, $0x1;
	s10 =	sld [smem:$0x3FB2];
	_ =	sdelay $0x3  }
0x37: {  	[smem:$0x3FB2] =	sst s10  }
0x38: {  	s10 =	sld [smem:$0x3FB3]  }
0x39: {  	_ = 	snop;
	(pc) =	sbr.ind lr, $3  }
0x3a: {  	_ = 	snop  }
0x3b: {  	_ = 	snop  }
0x3c: {  	p2 =	seq.s32 s10, $0x1;
	s10 =	sld [smem:$0x3FB2]  }
0x3d: {  	_ =	shalt  }
0x3e: {  	_ =	shalt  }
0x3f: {  	_ =	shalt  }
0x40: {  	_ =	shalt  }
0x41: {  	_ =	shalt  }
0x42: {  	_ =	shalt  }
0x43: {  	_ =	shalt  }
0x44: {  	_ =	shalt  }
0x45: {  	_ =	shalt  }
0x46: {  	_ =	shalt  }
0x47: {  	_ =	shalt  }
0x48: {  	_ =	shalt  }
0x49: {  	_ =	shalt  }
0x4a: {  	_ =	shalt  }
0x4b: {  	_ =	shalt  }
0x4c: {  	_ =	shalt  }
0x4d: {  	_ =	shalt  }
0x4e: {  	_ =	shalt  }
0x4f: {  	_ =	shalt  }
0x50: {  	_ =	shalt  }
0x51: {  	_ =	shalt  }
0x52: {  	_ =	shalt  }
0x53: {  	_ =	shalt  }
0x54: {  	_ =	shalt  }
0x55: {  	_ =	shalt  }
0x56: {  	_ =	shalt  }
0x57: {  	_ =	shalt  }
0x58: {  	_ =	shalt  }
0x59: {  	_ =	shalt  }
0x5a: {  	_ =	shalt  }
0x5b: {  	_ =	shalt  }
0x5c: {  	_ =	shalt  }
0x5d: {  	_ =	shalt  }
0x5e: {  	_ =	shalt  }
0x5f: {  	_ =	shalt  }
0x60: {  	_ =	shalt  }
0x61: {  	_ =	shalt  }
0x62: {  	_ =	shalt  }
0x63: {  	_ =	shalt  }
0x64: {  	_ =	shalt  }
0x65: {  	_ =	shalt  }
0x66: {  	_ =	shalt  }
0x67: {  	_ =	shalt  }
0x68: {  	_ =	shalt  }
0x69: {  	_ =	shalt  }
0x6a: {  	_ =	shalt  }
0x6b: {  	_ =	shalt  }
0x6c: {  	_ =	shalt  }
0x6d: {  	_ =	shalt  }
0x6e: {  	_ =	shalt  }
0x6f: {  	_ =	shalt  }
0x70: {  	_ =	shalt  }
0x71: {  	_ =	shalt  }
0x72: {  	_ =	shalt  }
0x73: {  	_ =	shalt  }
0x74: {  	_ =	shalt  }
0x75: {  	_ =	shalt  }
0x76: {  	_ =	shalt  }
0x77: {  	_ =	shalt  }
0x78: {  	_ =	shalt  }
0x79: {  	_ =	shalt  }
0x7a: {  	_ =	shalt  }
0x7b: {  	_ =	shalt  }
0x7c: {  	_ =	shalt  }
0x7d: {  	_ =	shalt  }
0x7e: {  	_ =	shalt  }
0x7f: {  	_ =	shalt  }
0x80: {  	_ =	shalt  }
0x81: {  	_ =	shalt  }
0x82: {  	_ =	shalt  }
0x83: {  	_ =	shalt  }
0x84: {  	_ =	shalt  }
0x85: {  	_ =	shalt  }
0x86: {  	_ =	shalt  }
0x87: {  	_ =	shalt  }
.Lfunc_end0:
.L_simem_size_0:
called_computation_lowered:
.L_overlay_start_0:
0x88: {  	s2 =	sld [smem:$0x3FD9]  }
0x89: {  	s3 =	sld [smem:$0x3FFE];
	_ =	sdelay $0x1  }
0x8a: {  	s1 =	srdreg.scid  }
0x8b: {  	s0 =	sand.u32 $0x1, s1  }
0x8c: {  	s17 =	sshll.u32 s0, $0xA;
	s2 =	sadd.s32 s3, s2  }
0x8d: {  	s2 =	sadd.s32 s2, s17  }
0x8e: {  	[smem:$0x3FBE] =	sst s2  }
0x8f: {  	_ = 	snop  }
0x90: {  	s18 =	sld [smem:$0x3FD0];
	(tm) =	ssettm $0x1  }
0x91: {  	s19 =	sld [smem:$0x3FFB];
	_ =	sdelay $0x3  }
0x92: {  	_ =	strace s19  }
0x93: {  	s2 =	sld [smem:$0x3FFC];
	_ =	sdelay $0x3  }
0x94: {  	_ =	strace s2  }
0x95: {  	s2 =	sld [smem:$0x3FFD];
	_ =	sdelay $0x3  }
0x96: {  	_ =	strace s2  }
0x97: {  	_ =	strace $0x8FFFFFFF  }
0x98: {  	s20 =	sld [smem:$0x3FDB];
	_ =	sdelay $0x1  }
0x99: {  	s4 =	simm.s32 $_scs_section_size  }
0x9a: {  	s5 =	simm.s32 $_size__tile_overlayer_lowered;
	s6 =	simm.s32 $_tile_overlayer_lowered  }
0x9b: {  	s7 =	simm.s32 $0x1BFF;
	s21 =	sshll.u32 s6, $0x1;
	s4 =	sadd.s32 s4, s20  }
0x9c: {  	s22 =	simm.s32 $0x0;
	s5 =	sshll.u32 s5, $0x1;
	s6 =	sadd.s32 s21, s4  }
0x9d: {  	[timem:s22], [sflag:s7] =	dma.local [hbm:s6], s5  }
0x9e: {  	_ =	swait.ge [sflag:s7], s5  }
0x9f: {  	s5 =	ssub.s32 $0x0, s5;
	[sflag:s7] =	ssyncset.done $0x0  }
0xa0: {  	[sflag:s7] =	ssyncadd.s32 s5;
	_ =	sdelay $0x1  }
0xa1: {  	s23 =	simm.s32 $0x1B8B  }
0xa2: {  	_ =	swait.ge [sflag:s23], $0x1  }
0xa3: {  	[sflag:s23] =	ssyncset.done $0x0  }
0xa4: {  	[sflag:s23] =	ssyncadd.s32 $0xFFFFFFFF  }
0xa5: {  	s5 =	sld [smem:$0x0]  }
0xa6: {  	s6 =	sand.u32 $0xFFFFFFFE, s1  }
0xa7: {  	p0 =	sne.s32 s1, s6  }
0xa8: {  	s6 =	sshll.u32 @p0 s6, $0xE  }
0xa9: {  	s6 =	sadd.s32 @p0 $0x11B8D, s6;
	s7 =	sshll.u32 @p0 s5, $0x11  }
0xaa: {  	s6 =	sor.u32 @p0 s7, s6  }
0xab: {  	[sflag:s6] =	ssyncadd.remote.s32 @p0 $0x1;
	_ =	sdelay $0x1  }
0xac: {  	s6 =	simm.s32 @p0 $0x1B8D  }
0xad: {  	_ =	swait.eq @p0 [sflag:s6], $0x1  }
0xae: {  	[sflag:s6] =	ssyncadd.s32 @p0 $0xFFFFFFFF  }
0xaf: {  	s7 =	sshll.u32 @!p0 s1, $0xE  }
0xb0: {  	s7 =	sor.u32 @!p0 $0x4000, s7;
	s6 =	simm.s32 @!p0 $0x1B8D  }
0xb1: {  	s5 =	sshll.u32 @!p0 s5, $0x11;
	s7 =	sadd.s32 @!p0 $0x11B8D, s7;
	_ =	swait.eq @!p0 [sflag:s6], $0x1  }
0xb2: {  	s5 =	sor.u32 @!p0 s5, s7;
	[sflag:s6] =	ssyncadd.s32 @!p0 $0xFFFFFFFF  }
0xb3: {  	s25 =	simm.s32 $0x1B8E;
	s24 =	sld [smem:$0x3FFE];
	[sflag:s5] =	ssyncadd.remote.s32 @!p0 $0x1  }
0xb4: {  	s26 =	simm.s32 $execute0_lowered;
	[smem:$0x3FD2] =	sst s25  }
0xb5: {  	s6 =	sshll.u32 s26, $0x1;
	_ =	strace $0x80000049;
	[dreg:$0x1] =	wrdreg $0xFFFFFFFF  }
0xb6: {  	s28 =	simm.s32 $_size_execute0_lowered;
	s4 =	sadd.s32 s4, s6;
	[dreg:$0x0] =	wrdreg $0x0  }
0xb7: {  	s6 =	sshll.u32 s28, $0x1;
	[dreg:$0x2] =	wrdreg s4  }
0xb8: {  	[dreg:$0x3] =	wrdreg s6  }
0xb9: {  	[dreg:$0x4] =	wrdreg $0xC0  }
0xba: {  	_ =	task [dreg:s22], $0x5FFFF  }
0xbb: {  	[dreg:$0x1] =	wrdreg $0xFFFFFFFF  }
0xbc: {  	[dreg:$0x0] =	wrdreg $0x60  }
0xbd: {  	[dreg:$0x2] =	wrdreg s18  }
0xbe: {  	[dreg:$0x3] =	wrdreg s24  }
0xbf: {  	[dreg:$0x4] =	wrdreg $0x9  }
0xc0: {  	_ =	task.clear_ibuf [dreg:s22], $0x5FFFF;
	_ =	strace $0x90000049  }
0xc1: {  	s29 =	simm.s32 $0x9;
	_ =	strace $0x8000004B  }
0xc2: {  	_ =	swait.ge [sflag:s29], $0x1  }
0xc3: {  	[sflag:s29] =	ssyncadd.s32 $0xFFFFFFFF  }
0xc4: {  	_ =	strace $0x9000004B  }
0xc5: {  	_ =	sfence  }
0xc6: {  	s30 =	sld [smem:$0x0];
	_ =	sdelay $0x2  }
0xc7: {  	s31 =	sshll.u32 s1, $0xD;
	s1 =	sshrl.u32 s1, $0x2  }
0xc8: {  	s4 =	sand.u32 $0x4000, s31;
	s1 =	sadd.s32 s1, s30  }
0xc9: {  	s0 =	sor.u32 s4, s0;
	s1 =	sshll.u32 s1, $0x11  }
0xca: {  	s0 =	sor.u32 s1, s0  }
0xcb: {  	s0 =	sadd.s32 $0x8F2B, s0  }
0xcc: {  	[sflag:s0] =	ssyncadd.remote.s32 $0x1  }
0xcd: {  	_ =	sfence.sel $0xFFFF  }
0xce: {  	[dreg:$0x0] =	wrdreg $0xFFFFFFFF;
	(pc) =	sbr.abs _section_cstart, $3  }
0xcf: {  	[dreg:$0x1] =	wrdreg $0xFFFFFFFF  }
0xd0: {  	_ =	task.clear_ibuf [dreg:s22], $0x2FFFF;
	_ =	strace $0x9FFFFFFF  }
0xd1: {  	(tm) =	ssettm $0x7FFFFFFF  }
tec
execute0_lowered:
.L_overlay_start_1:
0x0: {  	(tag) =	ssettag $0x1  }
0x1: {  	s1 =	srdreg.scid;
	s2 =	rddreg [dreg:$0x0]  }
0x2: {  	s0 =	stileid.u32;
	s5 =	rddreg [dreg:$0x1];
	s6 =	simm.s32 $0x1  }
0x3: {  	s9 =	simm.s32 $0x1;
	s10 =	simm.s32 $0x3;
	s1 =	sshll.u32 s1, $0xD  }
0x4: {  	s13 =	simm.s32 $0x0;
	s3 =	sshll.u32 s0, $0xE;
	s4 =	sand.u32 $0x2000, s1  }
0x5: {  	s12 =	simm.s32 $0x0;
	s1 =	rddreg [dreg:$0x2];
	s3 =	sor.u32 s3, s4  }
0x6: {  	_ =	strace $0x8000004A;
	s4 =	sadd.s32 $0xBC00, s5;
	s8 =	ssub.s32 $0x50000, s3  }
.Ltmp0:
0x7: {  	s5 =	sadd.s32 $0x1FC00, s5;
	s7 =	sand.u32 $0x3E000, s8;
	(pc) =	sbr.rel .LBB2_1-.Ltmp0, $4  }
0x8: {  	[sflag:s6] =	ssyncpa.u1 $0x0;
	s11 =	smov.u32 s3;
	p0 =	sne.s32 s7, $0x0  }
0x9: {  	s8 =	sshrl.u32 s8, $0x12;
	s7 =	simm.s32 $0x2;
	s9 =	simm.s32 @!p0 $0x0  }
0xa: {  	[sflag:s7] =	ssyncpa.u1 $0x0;
	p0 =	por $0x0, $0x0;
	s8 =	sadd.s32 s9, s8  }
0xb: {  	vm0 =	vmmov $0xffff;
	[sflag:s10] =	ssyncpa.u1 $0x0;
	s10 =	simm.s32 $0x0;
	s9 =	sadd.s32 $0x1, s8  }
.LBB2_4:
0xc: {  	v2 =	vnsel vm1, $0x0, v2  }
0xd: {  	vm1 =	vgt.s32 v0, $0x0;
	v2 =	vmin.u32 v2, $0x4FFFF  }
0xe: {  	v0 =	vnsel vm1, $0x0, v0  }
0xf: {  	v0 =	vmin.u32 v0, $0x4FFFF  }
0x10: {  	[tilespmem:s15], [sflag:$0x1] =	stream.indirect_vreg.gather [hbm4b:s2+s10], $0x1, v1, vm0, $0x4038;
	[tilespmem:$0x8000] =	vst v63  }
0x11: {  	(ifvalue) =	ssetifvalue $0x7FFFFFFF  }
0x12: {  	[tilespmem:s16], [sflag:$0x1] =	stream.indirect_vreg.gather [hbm4b:s2+s10], $0x1, v2, vm0, $0x4038;
	[tilespmem:$0x8000] =	vst v63  }
0x13: {  	s29 =	sadd.s32 $0x10, s16;
	(ifvalue) =	ssetifvalue $0x7FFFFFFF  }
0x14: {  	[tilespmem:s29], [sflag:$0x1] =	stream.indirect_vreg.gather [hbm4b:s2+s10], $0x1, v0, vm0, $0x4038;
	[tilespmem:$0x8000] =	vst v63  }
0x15: {  	_ =	swait.ge [sflag:s6], $0x2000  }
0x16: {  	s30 =	sshrl.u32 s13, $0x3;
	[sflag:s6] =	ssyncset.done $0x0  }
0x17: {  	s31 =	sand.u32 $0x7, s13;
	s15 =	sadd.s32 s5, s30;
	[sflag:s6] =	ssyncadd.s32 $0xFFFFE000  }
0x18: {  	[hbm4b:s15+s31] =	stream.linear.scatter [tilespmem:s14], [sflag:$0x3], $0x2000, $0x38;
	[tilespmem:$0x8000] =	vst v63  }
.LBB2_5:
0x19: {  	s15 =	sadd.s32 $0x40000, s11  }
0x1a: {  	p2 =	sgt.s32 s15, $0x4FFFF  }
0x1b: {  	s15 =	smov.u32 @p2 s3;
	p2 =	sne.s32 s12, s9  }
.Ltmp1:
0x1c: {  	p1 =	slt.u32 s12, $0x2;
	(pc) =	sbr.rel @!p2 .LBB2_6-.Ltmp1, $4  }
0x1d: {  	s14 =	simm.s32 @!p1 $0x3  }
0x1e: {  	s16 =	sadd.s32 $0x1, s12;
	_ =	swait.ge @!p1 [sflag:s14], $0x2000  }
0x1f: {  	s13 =	smov.u32 s11;
	p0 =	por !p0, !p0;
	[sflag:s14] =	ssyncset.done @!p1 $0x0  }
0x20: {  	s12 =	smov.u32 s16;
	s11 =	smov.u32 s15;
	[sflag:s14] =	ssyncadd.s32 @!p1 $0xFFFFE000  }
.LBB2_1:
0x21: {  	p1 =	sge.u32 s12, s8  }
0x22: {  	s14 =	sxor.u32 @!p1 $0xFFFFFFFF, s12  }
0x23: {  	s31 =	sadd.s32 $0xFFFFFFFF, s12;
	s15 =	sshrl.u32 @!p1 s11, $0x3;
	s14 =	sshll.u32 @!p1 s14, $0xD  }
0x24: {  	s16 =	sand.u32 @!p1 $0x7, s11;
	s15 =	sadd.s32 @!p1 s4, s15;
	s14 =	sand.u32 @!p1 $0x2000, s14  }
0x25: {  	[tilespmem:s14], [sflag:$0x2] =	stream.linear.gather @!p1 [hbm4b:s15+s16], $0x2000, $0x38;
	[tilespmem:$0x8000] =	vst v63  }
0x26: {  	p1 =	sge.u32 s31, s8  }
.Ltmp2:
0x27: {  	_ = 	snop;
	(pc) =	sbr.rel @p1 .LBB2_5-.Ltmp2, $1  }
0x28: {  	_ =	sdelay $0x3  }
0x29: {  	s14 =	simm.s32 $0x1  }
0x2a: {  	_ =	swait.ge [sflag:s7], $0x2000;
	s14 =	simm.s32 @!p0 $0x0  }
0x2b: {  	[sflag:s7] =	ssyncset.done $0x0;
	s14 =	sshll.u32 s14, $0xD  }
0x2c: {  	[sflag:s7] =	ssyncadd.s32 $0xFFFFE000;
	(ifvalue) =	ssetifvalue $0x7FFFFFFF;
	v0 =	vld.msk [tilespmem:s14+$0x0 ss:$0x1], $0xffff;
	_ =	sdelay $0x4  }
0x2d: {  	s15 =	sadd.s32 $0x10, s14;
	vm1 =	vgt.s32 v0, $0x0  }
0x2e: {  	v2 =	vld.msk [tilespmem:s15+$0x0 ss:$0x1], $0xffff;
	v1 =	vnsel vm1, $0x0, v0  }
0x2f: {  	v1 =	vmin.u32 v1, $0x4FFFF;
	_ =	sdelay $0x1  }
0x30: {  	s16 =	sshll.u32 s12, $0xD;
	s18 =	simm.s32 $0x20  }
0x31: {  	s16 =	sand.u32 $0x2000, s16;
	s17 =	sadd.s32 $0x10, s15;
	s15 =	sor.u32 $0x4000, s14  }
0x32: {  	s14 =	sor.u32 $0x4000, s16;
	s16 =	sadd.s32 $0x10, s15;
	v0 =	vld.msk [tilespmem:s17+$0x0 ss:$0x1], $0xffff;
	vm1 =	vgt.s32 v2, $0x0;
	(ifvalue) =	ssetifvalue $0x7FFFFFFF  }
.LBB2_3:
0x33: {  	[tilespmem:s15], [sflag:$0x1] =	stream.indirect_vreg.gather [hbm4b:s2+s10], $0x1, v1, vm0, $0x4038;
	[tilespmem:$0x8000] =	vst v63  }
0x34: {  	s18 =	sadd.s32 $0x10, s18  }
0x35: {  	v2 =	vnsel vm1, $0x0, v2;
	p1 =	slt.u32 s18, $0x1FF0  }
.Ltmp3:
0x36: {  	s15 =	smov.u32 s16;
	v1 =	vmin.u32 v2, $0x4FFFF;
	(pc) =	sbr.rel @p1 .LBB2_3-.Ltmp3, $3  }
0x37: {  	_ =	sdelay $0x1  }
0x38: {  	s17 =	sadd.s32 $0x10, s17  }
0x39: {  	vm1 =	vgt.s32 v0, $0x0;
	s16 =	sadd.s32 $0x10, s16;
	v2 =	vmov v0;
	(ifvalue) =	ssetifvalue $0x7FFFFFFF;
	v0 =	vld.msk [tilespmem:s17+$0x0 ss:$0x1], $0xffff  }
.Ltmp4:
0x3a: {  	_ = 	snop;
	(pc) =	sbr.rel .LBB2_4-.Ltmp4, $1  }
0x3b: {  	_ =	sdelay $0x3  }
.LBB2_6:
0x3c: {  	_ =	sfence.sel $0x180000  }
0x3d: {  	s2 =	simm.s32 $0x2;
	[bflag:$0x0] =	sbarrier.arrive $0xFFFF  }
0x3e: {  	s30 =	simm.s32 $0x3;
	[sflag:s2] =	ssyncpa.u1 $0x1  }
0x3f: {  	s31 =	simm.s32 $0x1;
	[sflag:s30] =	ssyncpa.u1 $0x1  }
0x40: {  	[sflag:s31] =	ssyncpa.u1 $0x1  }
0x41: {  	p0 =	sne.s32 s0, $0x0;
	_ =	strace $0x9000004A  }
0x42: {  	s0 =	sadd.s32 @!p0 $0x100000, s1;
	[bflag:$0x2] =	sbarrier.arrive $0xFFFF  }
0x43: {  	[sflag:s0] =	ssyncadd.tile.s32 @!p0 $0x1;
	_ =	shalt  }
.Lfunc_end2:
_tile_overlayer_lowered:
.L_overlay_start_2:
0x44: {  	(tag) =	ssettag $0x2  }
0x45: {  	s0 =	rddreg [dreg:$0x0];
	s2 =	stileid.u32  }
0x46: {  	s1 =	rddreg [dreg:$0x1];
	p0 =	sne.s32 s2, $0x0  }
0x47: {  	s3 =	rddreg [dreg:$0x2];
	[bflag:$0x3] =	sbarrier.arrive $0xFFFF;
	s2 =	simm.s32 @!p0 $0x1C01  }
0x48: {  	[timem:s3], [sflag:s2] =	dma.local @!p0 [hbm:s0], s1  }
0x49: {  	s0 =	simm.s32 @!p0 $0x1  }
0x4a: {  	_ =	swait.ge @!p0 [sflag:s0], s1  }
0x4b: {  	s1 =	ssub.s32 @!p0 $0x0, s1;
	[sflag:s0] =	ssyncset.done @!p0 $0x0  }
0x4c: {  	[sflag:s0] =	ssyncadd.s32 @!p0 s1  }
0x4d: {  	[bflag:$0x3] =	sbarrier.arrive $0xFFFF  }
0x4e: {  	_ =	shalt  }

// kernel: kernel.6.cloned.1.call-start
scs
__scs_entry_jumppad:
0x0: {  	(pc) =	sbr.rel $0x88, $3  }
0x1: {  	(tag) =	ssettag $0x0;
	lr =	simm.s32 $0x1  }
0x2: {  	[smem:$0x3F97] =	sst lr;
	_ =	strace $0xD0000000  }
0x3: {  	_ = 	snop  }
0x4: {  	_ = 	snop  }
0x5: {  	_ = 	snop  }
0x6: {  	_ = 	snop  }
0x7: {  	_ = 	snop  }
__scs_overlays_trampoline_lowered:
0x8: {  	[smem:$0x3FA6] =	sst s0  }
0x9: {  	[smem:$0x3FA7] =	sst s1  }
0xa: {  	[smem:$0x3FA8] =	sst s2  }
0xb: {  	[smem:$0x3FA9] =	sst s3  }
0xc: {  	[smem:$0x3FAA] =	sst s4  }
0xd: {  	[smem:$0x3FAB] =	sst s5  }
0xe: {  	[smem:$0x3FAC] =	sst s6  }
0xf: {  	[smem:$0x3FAD] =	sst s7  }
0x10: {  	[smem:$0x3FAE] =	sst s8  }
0x11: {  	[smem:$0x3FAF] =	sst s9;
	s0 =	simm.s32 @!p0 $0x0  }
0x12: {  	s1 =	sld [smem:$0x3F95];
	s0 =	simm.s32 @p0 $0x1  }
0x13: {  	[smem:$0x3FB0] =	sst s0;
	s0 =	simm.s32 @!p1 $0x0  }
0x14: {  	s2 =	sld [smem:$0x3F94];
	s0 =	simm.s32 @p1 $0x1  }
0x15: {  	[smem:$0x3FB1] =	sst s0;
	s0 =	simm.s32 @!p2 $0x0  }
0x16: {  	s3 =	sld [smem:$0x3FDB];
	s0 =	simm.s32 @p2 $0x1  }
0x17: {  	s4 =	simm.s32 $0x1BF5;
	[smem:$0x3FB3] =	sst s0  }
0x18: {  	s0 =	sld [smem:$0x3F96];
	_ =	swait.ge [sflag:s4], $0x0  }
0x19: {  	s7 =	sld [smem:$0x3F97]  }
0x1a: {  	s8 =	sadd.s32 $0xFFFFE003, lr  }
0x1b: {  	s9 =	sadd.s32 $0xFFFFFEF7, lr;
	s5 =	simm.s32 $0xFFFFFFFF;
	p2 =	slt.u32 s8, $0xFFFFF086  }
0x1c: {  	p1 =	slt.u32 s9, $0xF7A;
	s5 =	simm.s32 @!p2 $0x0  }
0x1d: {  	s5 =	simm.s32 @p1 $0x1;
	p0 =	seq.s32 s7, s2  }
0x1e: {  	s7 =	smul.u32 @!p0 $0xF7A, s2;
	p2 =	seq.s32 @!p0 s5, $0x0  }
0x1f: {  	s9 =	smul.u32 $0xF7A, s1;
	s8 =	simm.s32 @!p0 $0x1BF5;
	p2 =	por !p2, p0  }
0x20: {  	[sflag:s8] =	ssyncset.s32 @!p0 $0xFFFFF086;
	s6 =	sadd.s32 @!p0 s3, s7;
	s7 =	simm.s32 @!p0 $0x108  }
0x21: {  	s3 =	sadd.s32 s3, s9;
	s6 =	sadd.s32 @!p0 $0x88, s6;
	s7 =	simm.s32 @p2 $0x1082  }
0x22: {  	[simem:s7], [sflag:s8] =	dma.local @!p0 [hbm:s6], $0xF7A  }
0x23: {  	s9 =	sor.u32 $0xD0000000, s2;
	s6 =	simm.s32 $0x108;
	_ =	swait.ge @!p0 [sflag:s8], $0x0  }
0x24: {  	s3 =	sadd.s32 $0x88, s3;
	s6 =	simm.s32 @!p1 $0x1082;
	[sflag:s4] =	ssyncset.s32 $0xFFFFF086  }
0x25: {  	[simem:s6], [sflag:s4] =	dma.local [hbm:s3], $0xF7A  }
0x26: {  	[smem:$0x3F97] =	sst s1;
	(tag) =	ssettag s2;
	_ =	strace s9  }
0x27: {  	s1 =	sld [smem:$0x3FA7]  }
0x28: {  	s2 =	sld [smem:$0x3FA8]  }
0x29: {  	s4 =	sld [smem:$0x3FAA]  }
0x2a: {  	p0 =	seq.s32 s5, $0x0;
	s5 =	sld [smem:$0x3FAB]  }
0x2b: {  	s6 =	sld [smem:$0x3FAC]  }
0x2c: {  	s7 =	sld [smem:$0x3FAD]  }
0x2d: {  	s3 =	simm.s32 $0x108;
	s8 =	sld [smem:$0x3FAE]  }
0x2e: {  	s3 =	simm.s32 @!p0 $0x1082;
	s9 =	sld [smem:$0x3FAF]  }
0x2f: {  	lr =	sadd.s32 s0, s3;
	s0 =	sld [smem:$0x3FA6]  }
0x30: {  	s3 =	sld [smem:$0x3FA9]  }
0x31: {  	[smem:$0x3FB2] =	sst s10  }
0x32: {  	s10 =	sld [smem:$0x3FB0];
	_ =	sdelay $0x3  }
0x33: {  	p0 =	seq.s32 s10, $0x1;
	s10 =	sld [smem:$0x3FB2];
	_ =	sdelay $0x3  }
0x34: {  	[smem:$0x3FB2] =	sst s10  }
0x35: {  	s10 =	sld [smem:$0x3FB1];
	_ =	sdelay $0x3  }
0x36: {  	p1 =	seq.s32 s10, $0x1;
	s10 =	sld [smem:$0x3FB2];
	_ =	sdelay $0x3  }
0x37: {  	[smem:$0x3FB2] =	sst s10  }
0x38: {  	s10 =	sld [smem:$0x3FB3]  }
0x39: {  	_ = 	snop;
	(pc) =	sbr.ind lr, $3  }
0x3a: {  	_ = 	snop  }
0x3b: {  	_ = 	snop  }
0x3c: {  	p2 =	seq.s32 s10, $0x1;
	s10 =	sld [smem:$0x3FB2]  }
0x3d: {  	_ =	shalt  }
0x3e: {  	_ =	shalt  }
0x3f: {  	_ =	shalt  }
0x40: {  	_ =	shalt  }
0x41: {  	_ =	shalt  }
0x42: {  	_ =	shalt  }
0x43: {  	_ =	shalt  }
0x44: {  	_ =	shalt  }
0x45: {  	_ =	shalt  }
0x46: {  	_ =	shalt  }
0x47: {  	_ =	shalt  }
0x48: {  	_ =	shalt  }
0x49: {  	_ =	shalt  }
0x4a: {  	_ =	shalt  }
0x4b: {  	_ =	shalt  }
0x4c: {  	_ =	shalt  }
0x4d: {  	_ =	shalt  }
0x4e: {  	_ =	shalt  }
0x4f: {  	_ =	shalt  }
0x50: {  	_ =	shalt  }
0x51: {  	_ =	shalt  }
0x52: {  	_ =	shalt  }
0x53: {  	_ =	shalt  }
0x54: {  	_ =	shalt  }
0x55: {  	_ =	shalt  }
0x56: {  	_ =	shalt  }
0x57: {  	_ =	shalt  }
0x58: {  	_ =	shalt  }
0x59: {  	_ =	shalt  }
0x5a: {  	_ =	shalt  }
0x5b: {  	_ =	shalt  }
0x5c: {  	_ =	shalt  }
0x5d: {  	_ =	shalt  }
0x5e: {  	_ =	shalt  }
0x5f: {  	_ =	shalt  }
0x60: {  	_ =	shalt  }
0x61: {  	_ =	shalt  }
0x62: {  	_ =	shalt  }
0x63: {  	_ =	shalt  }
0x64: {  	_ =	shalt  }
0x65: {  	_ =	shalt  }
0x66: {  	_ =	shalt  }
0x67: {  	_ =	shalt  }
0x68: {  	_ =	shalt  }
0x69: {  	_ =	shalt  }
0x6a: {  	_ =	shalt  }
0x6b: {  	_ =	shalt  }
0x6c: {  	_ =	shalt  }
0x6d: {  	_ =	shalt  }
0x6e: {  	_ =	shalt  }
0x6f: {  	_ =	shalt  }
0x70: {  	_ =	shalt  }
0x71: {  	_ =	shalt  }
0x72: {  	_ =	shalt  }
0x73: {  	_ =	shalt  }
0x74: {  	_ =	shalt  }
0x75: {  	_ =	shalt  }
0x76: {  	_ =	shalt  }
0x77: {  	_ =	shalt  }
0x78: {  	_ =	shalt  }
0x79: {  	_ =	shalt  }
0x7a: {  	_ =	shalt  }
0x7b: {  	_ =	shalt  }
0x7c: {  	_ =	shalt  }
0x7d: {  	_ =	shalt  }
0x7e: {  	_ =	shalt  }
0x7f: {  	_ =	shalt  }
0x80: {  	_ =	shalt  }
0x81: {  	_ =	shalt  }
0x82: {  	_ =	shalt  }
0x83: {  	_ =	shalt  }
0x84: {  	_ =	shalt  }
0x85: {  	_ =	shalt  }
0x86: {  	_ =	shalt  }
0x87: {  	_ =	shalt  }
.Lfunc_end0:
.L_simem_size_0:
called_computation.2_lowered:
.L_overlay_start_0:
0x88: {  	s2 =	sld [smem:$0x3FD9]  }
0x89: {  	s3 =	sld [smem:$0x3FFE];
	_ =	sdelay $0x1  }
0x8a: {  	s1 =	srdreg.scid  }
0x8b: {  	s0 =	sand.u32 $0x1, s1  }
0x8c: {  	s17 =	sshll.u32 s0, $0xA;
	s2 =	sadd.s32 s3, s2  }
0x8d: {  	s2 =	sadd.s32 s2, s17  }
0x8e: {  	[smem:$0x3FBE] =	sst s2  }
0x8f: {  	_ = 	snop  }
0x90: {  	s2 =	sld [smem:$0x3FC9];
	(tm) =	ssettm $0x1  }
0x91: {  	s18 =	sld [smem:$0x3FFB];
	_ =	sdelay $0x3  }
0x92: {  	_ =	strace s18  }
0x93: {  	s3 =	sld [smem:$0x3FFC];
	_ =	sdelay $0x3  }
0x94: {  	_ =	strace s3  }
0x95: {  	s3 =	sld [smem:$0x3FFD];
	_ =	sdelay $0x3  }
0x96: {  	_ =	strace s3  }
0x97: {  	_ =	strace $0x8FFFFFFF  }
0x98: {  	s19 =	sld [smem:$0x3FDB];
	_ =	sdelay $0x1  }
0x99: {  	s4 =	simm.s32 $_scs_section_size  }
0x9a: {  	s5 =	simm.s32 $_size__tile_overlayer_lowered;
	s6 =	simm.s32 $_tile_overlayer_lowered  }
0x9b: {  	s22 =	simm.s32 $0x1BFF;
	s21 =	sshll.u32 s6, $0x1;
	s3 =	sadd.s32 s4, s19  }
0x9c: {  	s7 =	simm.s32 $0x0;
	s20 =	sshll.u32 s5, $0x1;
	s5 =	sadd.s32 s21, s3  }
0x9d: {  	[timem:s7], [sflag:s22] =	dma.local [hbm:s5], s20  }
0x9e: {  	_ =	swait.ge [sflag:s22], s20  }
0x9f: {  	s4 =	ssub.s32 $0x0, s20;
	[sflag:s22] =	ssyncset.done $0x0  }
0xa0: {  	[sflag:s22] =	ssyncadd.s32 s4;
	_ =	sdelay $0x1  }
0xa1: {  	s23 =	simm.s32 $0x1B8B  }
0xa2: {  	_ =	swait.ge [sflag:s23], $0x1  }
0xa3: {  	[sflag:s23] =	ssyncset.done $0x0  }
0xa4: {  	s25 =	simm.s32 $0x1B8E;
	s24 =	sld [smem:$0x3FFE];
	[sflag:s23] =	ssyncadd.s32 $0xFFFFFFFF  }
0xa5: {  	s26 =	simm.s32 $execute0_lowered;
	[smem:$0x3FD2] =	sst s25  }
0xa6: {  	s5 =	sshll.u32 s26, $0x1;
	_ =	strace $0x8000004C;
	[dreg:$0x1] =	wrdreg $0xFFFFFFFF  }
0xa7: {  	s28 =	simm.s32 $_size_execute0_lowered;
	s3 =	sadd.s32 s3, s5;
	[dreg:$0x0] =	wrdreg $0x0  }
0xa8: {  	s5 =	sshll.u32 s28, $0x1;
	[dreg:$0x2] =	wrdreg s3  }
0xa9: {  	[dreg:$0x3] =	wrdreg s5  }
0xaa: {  	[dreg:$0x4] =	wrdreg $0xC0  }
0xab: {  	_ =	task [dreg:s7], $0x5FFFF  }
0xac: {  	[dreg:$0x1] =	wrdreg $0xFFFFFFFF  }
0xad: {  	[dreg:$0x0] =	wrdreg $0x60  }
0xae: {  	[dreg:$0x2] =	wrdreg s2  }
0xaf: {  	[dreg:$0x3] =	wrdreg s24  }
0xb0: {  	[dreg:$0x4] =	wrdreg $0x90000  }
0xb1: {  	[dreg:$0x5] =	wrdreg $0x9  }
0xb2: {  	_ =	task.clear_ibuf [dreg:s7], $0x6FFFF;
	_ =	strace $0x9000004C  }
0xb3: {  	s29 =	simm.s32 $0x9;
	_ =	strace $0x8000004E  }
0xb4: {  	_ =	swait.ge [sflag:s29], $0x1  }
0xb5: {  	[sflag:s29] =	ssyncadd.s32 $0xFFFFFFFF  }
0xb6: {  	_ =	strace $0x9000004E  }
0xb7: {  	_ =	sfence  }
0xb8: {  	s30 =	sld [smem:$0x0];
	_ =	sdelay $0x2  }
0xb9: {  	s31 =	sshll.u32 s1, $0xD;
	s1 =	sshrl.u32 s1, $0x2  }
0xba: {  	s3 =	sand.u32 $0x4000, s31;
	s1 =	sadd.s32 s1, s30  }
0xbb: {  	s0 =	sor.u32 s3, s0;
	s1 =	sshll.u32 s1, $0x11  }
0xbc: {  	s0 =	sor.u32 s1, s0  }
0xbd: {  	s0 =	sadd.s32 $0x8F2B, s0  }
0xbe: {  	[sflag:s0] =	ssyncadd.remote.s32 $0x1  }
0xbf: {  	_ =	sfence.sel $0xFFFF  }
0xc0: {  	[dreg:$0x0] =	wrdreg $0xFFFFFFFF;
	(pc) =	sbr.abs _section_cstart, $3  }
0xc1: {  	[dreg:$0x1] =	wrdreg $0xFFFFFFFF  }
0xc2: {  	_ =	task.clear_ibuf [dreg:s7], $0x2FFFF;
	_ =	strace $0x9FFFFFFF  }
0xc3: {  	(tm) =	ssettm $0x7FFFFFFF  }
tec
execute0_lowered:
.L_overlay_start_1:
0x0: {  	(tag) =	ssettag $0x1  }
0x1: {  	s1 =	rddreg [dreg:$0x0]  }
0x2: {  	s0 =	rddreg [dreg:$0x1]  }
0x3: {  	s3 =	rddreg [dreg:$0x2];
	s4 =	simm.s32 $0x0;
	s2 =	srdreg.scid  }
0x4: {  	s11 =	stileid.u32;
	s28 =	simm.s32 $0x1;
	s29 =	simm.s32 $0x5000  }
0x5: {  	s30 =	simm.s32 $0x2;
	s31 =	simm.s32 $0x0;
	[smem:$0x7FF] =	sst s4  }
0x6: {  	s2 =	sand.u32 $0x1, s2;
	s5 =	sshll.u32 s11, $0x1;
	s10 =	smul.u32 $0x50000, s11  }
0x7: {  	s6 =	sadd.s32 $0x1FC00, s0;
	s7 =	sadd.s32 $0x15C00, s0;
	s16 =	smul.u32 $0x14000, s11  }
0x8: {  	s9 =	sadd.s32 $0x1C00, s0;
	s0 =	sadd.s32 $0x29C00, s0;
	s17 =	smul.u32 $0x5000, s11  }
0x9: {  	_ =	strace $0x8000004D;
	s5 =	sor.u32 s2, s5;
	s15 =	smul.u32 $0x140000, s2  }
0xa: {  	s8 =	ssub.s32 $0x2, s2;
	[dreg:$0x6] =	wrdreg s9;
	s2 =	smul.u32 $0x2800, s2  }
0xb: {  	s5 =	smul.u32 $0x2800, s5;
	s20 =	sshrl.u32 s8, $0x1;
	s21 =	sshrl.u32 s10, $0x2  }
0xc: {  	s19 =	sadd.s32 $0x4000, s16;
	s9 =	ssub.s32 s8, s20;
	s8 =	sadd.s32 s21, s3  }
0xd: {  	s25 =	sadd.s32 s15, s16;
	s10 =	sadd.s32 s15, s19;
	s20 =	sadd.s32 $0x8000, s16  }
0xe: {  	s21 =	sadd.s32 $0xC000, s16;
	s2 =	sadd.s32 s2, s17;
	s19 =	sadd.s32 s19, s3  }
0xf: {  	s5 =	sshrl.u32 s5, $0x3;
	s23 =	smax.u32 s9, $0x1;
	s24 =	sadd.s32 $0x4000, s8  }
0x10: {  	s26 =	sadd.s32 $0x8000, s8;
	s12 =	sadd.s32 $0xC000, s8;
	[dreg:$0x9] =	wrdreg s23  }
0x11: {  	s11 =	sadd.s32 s15, s20;
	s18 =	sadd.s32 s15, s21;
	[dreg:$0xa] =	wrdreg s24  }
0x12: {  	s20 =	sadd.s32 s20, s3;
	s22 =	sadd.s32 s6, s5;
	[dreg:$0xb] =	wrdreg s26  }
0x13: {  	s21 =	sadd.s32 s21, s3;
	s5 =	sadd.s32 s7, s5;
	[dreg:$0x7] =	wrdreg s22  }
0x14: {  	s24 =	sshrl.u32 s18, $0x3;
	[dreg:$0x8] =	wrdreg s5;
	s5 =	sshrl.u32 s25, $0x3  }
0x15: {  	s22 =	sadd.s32 $0x10000, s16;
	s16 =	sadd.s32 s0, s24;
	s25 =	sor.u32 $0x400, s2  }
0x16: {  	s13 =	sadd.s32 s0, s5;
	s5 =	sshrl.u32 s10, $0x3;
	s23 =	sadd.s32 s15, s22  }
0x17: {  	s14 =	sadd.s32 s0, s5;
	s5 =	sshrl.u32 s11, $0x3;
	s17 =	sshrl.u32 s23, $0x3  }
0x18: {  	s15 =	sadd.s32 s0, s5;
	s17 =	sadd.s32 s0, s17;
	s0 =	sshrl.u32 s25, $0x3  }
0x19: {  	s18 =	sadd.s32 $0x10000, s8;
	s22 =	sadd.s32 s22, s3;
	s26 =	sadd.s32 s0, s7  }
0x1a: {  	s23 =	simm.s32 $0x4;
	s0 =	sadd.s32 s0, s6;
	[dreg:$0x5] =	wrdreg s26  }
0x1b: {  	s25 =	simm.s32 $0x1000;
	[dreg:$0x4] =	wrdreg s0;
	s26 =	simm.s32 $0x80  }
.LBB2_1:
0x1c: {  	s0 =	rddreg [dreg:$0x7]  }
0x1d: {  	[tilespmem:s4], [sflag:$0x4] =	stream.linear.gather [hbm4b:s0+s4], $0x400, $0x38;
	[tilespmem:$0x1D000] =	vst v63  }
0x1e: {  	_ =	swait.ge [sflag:s23], $0x400  }
0x1f: {  	[sflag:s23] =	ssyncset.done $0x0  }
0x20: {  	s2 =	simm.s32 $0x800;
	s6 =	rddreg [dreg:$0x8];
	[sflag:s23] =	ssyncadd.s32 $0xFFFFFC00  }
0x21: {  	[tilespmem:s2], [sflag:$0x4] =	stream.linear.gather [hbm4b:s6+s4], $0x400, $0x38;
	[tilespmem:$0x1D000] =	vst v63  }
0x22: {  	_ =	swait.ge [sflag:s23], $0x400  }
0x23: {  	[sflag:s23] =	ssyncset.done $0x0  }
0x24: {  	s7 =	rddreg [dreg:$0x6];
	[sflag:s23] =	ssyncadd.s32 $0xFFFFFC00  }
0x25: {  	[tilespmem:s25], [sflag:$0x4] =	stream.linear.gather [hbm4b:s7+s4], $0x4000, $0x38;
	[tilespmem:$0x1D000] =	vst v63  }
0x26: {  	_ =	swait.ge [sflag:s23], $0x4000  }
0x27: {  	[sflag:s23] =	ssyncset.done $0x0  }
0x28: {  	[sflag:s23] =	ssyncadd.s32 $0xFFFFC000  }
0x29: {  	[spmem:s8] =	stream.linear.scatter [tilespmem:s25], [sflag:$0x4], $0x4000, $0x38;
	[tilespmem:$0x1D000] =	vst v63  }
0x2a: {  	_ =	swait.ge [sflag:s23], $0x4000  }
0x2b: {  	[sflag:s23] =	ssyncset.done $0x0  }
0x2c: {  	s9 =	rddreg [dreg:$0xa];
	[sflag:s23] =	ssyncadd.s32 $0xFFFFC000  }
0x2d: {  	[spmem:s9] =	stream.linear.scatter [tilespmem:s25], [sflag:$0x4], $0x4000, $0x38;
	[tilespmem:$0x1D000] =	vst v63  }
0x2e: {  	_ =	swait.ge [sflag:s23], $0x4000  }
0x2f: {  	[sflag:s23] =	ssyncset.done $0x0  }
0x30: {  	s10 =	rddreg [dreg:$0xb];
	[sflag:s23] =	ssyncadd.s32 $0xFFFFC000  }
0x31: {  	[spmem:s10] =	stream.linear.scatter [tilespmem:s25], [sflag:$0x4], $0x4000, $0x38;
	[tilespmem:$0x1D000] =	vst v63  }
0x32: {  	_ =	swait.ge [sflag:s23], $0x4000  }
0x33: {  	[sflag:s23] =	ssyncset.done $0x0  }
0x34: {  	[sflag:s23] =	ssyncadd.s32 $0xFFFFC000  }
0x35: {  	[spmem:s12] =	stream.linear.scatter [tilespmem:s25], [sflag:$0x4], $0x4000, $0x38;
	[tilespmem:$0x1D000] =	vst v63  }
0x36: {  	_ =	swait.ge [sflag:s23], $0x4000  }
0x37: {  	[sflag:s23] =	ssyncset.done $0x0  }
0x38: {  	[sflag:s23] =	ssyncadd.s32 $0xFFFFC000  }
0x39: {  	[spmem:s18] =	stream.linear.scatter [tilespmem:s25], [sflag:$0x4], $0x4000, $0x38;
	[tilespmem:$0x1D000] =	vst v63  }
0x3a: {  	_ =	swait.ge [sflag:s23], $0x4000  }
0x3b: {  	[sflag:s23] =	ssyncset.done $0x0  }
0x3c: {  	[sflag:s23] =	ssyncadd.s32 $0xFFFFC000  }
0x3d: {  	[tilespmem:s25], [sflag:$0x1] =	stream.indirect.gather [hbm4b:s1+s26], $0x80, s4, s26, $0xb8;
	[tilespmem:$0x1D000] =	vst v63  }
0x3e: {  	p0 =	por $0x0, $0x0;
	s0 =	sand.u32 $0x1, s28;
	[bflag:$0x0] =	sbarrier.arrive $0xFFFF  }
0x3f: {  	s0 =	sshll.u32 @!p0 s0, $0xA;
	s2 =	rddreg [dreg:$0x4]  }
0x40: {  	s6 =	simm.s32 @!p0 $0x0;
	s5 =	rddreg [dreg:$0x5];
	s2 =	sadd.s32 @!p0 $0x0, s2  }
0x41: {  	[tilespmem:s0], [sflag:$0x3] =	stream.linear.gather @!p0 [hbm4b:s2+s6], $0x400, $0x38;
	[tilespmem:$0x1D000] =	vst v63  }
0x42: {  	s5 =	sadd.s32 @!p0 $0x0, s5;
	s2 =	sor.u32 @!p0 $0x800, s0  }
0x43: {  	[tilespmem:s2], [sflag:$0x3] =	stream.linear.gather @!p0 [hbm4b:s5+s6], $0x400, $0x38;
	[tilespmem:$0x1D000] =	vst v63  }
0x44: {  	_ =	swait.ge [sflag:s28], $0x4000  }
0x45: {  	s2 =	sand.u32 $0x400, s4;
	[sflag:s28] =	ssyncset.done $0x0  }
0x46: {  	s11 =	sor.u32 $0x80, s2;
	[sflag:s28] =	ssyncadd.s32 $0xFFFFC000  }
0x47: {  	[tilespmem:s29], [sflag:$0x2] =	stream.indirect.gather [hbm4b:s1+s26], $0x80, s11, s26, $0xb8;
	[tilespmem:$0x1D000] =	vst v63  }
0x48: {  	s24 =	sor.u32 $0x800, s2  }
0x49: {  	[spmem:s3] =	stream.indirect.scatter.add.f32 [tilespmem:s25], [sflag:$0x4], $0x80, s24, s26, $0xb8;
	[tilespmem:$0x1D000] =	vst v63  }
0x4a: {  	_ =	swait.ge [sflag:s23], $0x4000  }
0x4b: {  	[sflag:s23] =	ssyncset.done $0x0  }
0x4c: {  	[sflag:s23] =	ssyncadd.s32 $0xFFFFC000  }
0x4d: {  	_ =	swait.ge [sflag:s30], $0x4000  }
0x4e: {  	[sflag:s30] =	ssyncset.done $0x0  }
0x4f: {  	s6 =	sor.u32 $0x100, s2;
	[sflag:s30] =	ssyncadd.s32 $0xFFFFC000  }
0x50: {  	[tilespmem:s25], [sflag:$0x1] =	stream.indirect.gather [hbm4b:s1+s26], $0x80, s6, s26, $0xb8;
	[tilespmem:$0x1D000] =	vst v63  }
0x51: {  	s7 =	sor.u32 $0x880, s2  }
0x52: {  	[spmem:s3] =	stream.indirect.scatter.add.f32 [tilespmem:s29], [sflag:$0x4], $0x80, s7, s26, $0xb8;
	[tilespmem:$0x1D000] =	vst v63  }
0x53: {  	_ =	swait.ge [sflag:s23], $0x4000  }
0x54: {  	[sflag:s23] =	ssyncset.done $0x0  }
0x55: {  	[sflag:s23] =	ssyncadd.s32 $0xFFFFC000  }
0x56: {  	_ =	swait.ge [sflag:s28], $0x4000  }
0x57: {  	[sflag:s28] =	ssyncset.done $0x0  }
0x58: {  	s9 =	sor.u32 $0x180, s2;
	[sflag:s28] =	ssyncadd.s32 $0xFFFFC000  }
0x59: {  	[tilespmem:s29], [sflag:$0x2] =	stream.indirect.gather [hbm4b:s1+s26], $0x80, s9, s26, $0xb8;
	[tilespmem:$0x1D000] =	vst v63  }
0x5a: {  	s10 =	sor.u32 $0x900, s2  }
0x5b: {  	[spmem:s3] =	stream.indirect.scatter.add.f32 [tilespmem:s25], [sflag:$0x4], $0x80, s10, s26, $0xb8;
	[tilespmem:$0x1D000] =	vst v63  }
0x5c: {  	_ =	swait.ge [sflag:s23], $0x4000  }
0x5d: {  	[sflag:s23] =	ssyncset.done $0x0  }
0x5e: {  	[sflag:s23] =	ssyncadd.s32 $0xFFFFC000  }
0x5f: {  	_ =	swait.ge [sflag:s30], $0x4000  }
0x60: {  	[sflag:s30] =	ssyncset.done $0x0  }
0x61: {  	s11 =	sor.u32 $0x200, s2;
	[sflag:s30] =	ssyncadd.s32 $0xFFFFC000  }
0x62: {  	[tilespmem:s25], [sflag:$0x1] =	stream.indirect.gather [hbm4b:s1+s26], $0x80, s11, s26, $0xb8;
	[tilespmem:$0x1D000] =	vst v63  }
0x63: {  	s24 =	sor.u32 $0x980, s2  }
0x64: {  	[spmem:s3] =	stream.indirect.scatter.add.f32 [tilespmem:s29], [sflag:$0x4], $0x80, s24, s26, $0xb8;
	[tilespmem:$0x1D000] =	vst v63  }
0x65: {  	_ =	swait.ge [sflag:s23], $0x4000  }
0x66: {  	[sflag:s23] =	ssyncset.done $0x0  }
0x67: {  	[sflag:s23] =	ssyncadd.s32 $0xFFFFC000  }
0x68: {  	_ =	swait.ge [sflag:s28], $0x4000  }
0x69: {  	[sflag:s28] =	ssyncset.done $0x0  }
0x6a: {  	s6 =	sor.u32 $0x280, s2;
	[sflag:s28] =	ssyncadd.s32 $0xFFFFC000  }
0x6b: {  	[tilespmem:s29], [sflag:$0x2] =	stream.indirect.gather [hbm4b:s1+s26], $0x80, s6, s26, $0xb8;
	[tilespmem:$0x1D000] =	vst v63  }
0x6c: {  	s7 =	sor.u32 $0xA00, s2  }
0x6d: {  	[spmem:s3] =	stream.indirect.scatter.add.f32 [tilespmem:s25], [sflag:$0x4], $0x80, s7, s26, $0xb8;
	[tilespmem:$0x1D000] =	vst v63  }
0x6e: {  	_ =	swait.ge [sflag:s23], $0x4000  }
0x6f: {  	[sflag:s23] =	ssyncset.done $0x0  }
0x70: {  	[sflag:s23] =	ssyncadd.s32 $0xFFFFC000  }
0x71: {  	_ =	swait.ge [sflag:s30], $0x4000  }
0x72: {  	[sflag:s30] =	ssyncset.done $0x0  }
0x73: {  	s9 =	sor.u32 $0x300, s2;
	[sflag:s30] =	ssyncadd.s32 $0xFFFFC000  }
0x74: {  	[tilespmem:s25], [sflag:$0x1] =	stream.indirect.gather [hbm4b:s1+s26], $0x80, s9, s26, $0xb8;
	[tilespmem:$0x1D000] =	vst v63  }
0x75: {  	s10 =	sor.u32 $0xA80, s2  }
0x76: {  	[spmem:s3] =	stream.indirect.scatter.add.f32 [tilespmem:s29], [sflag:$0x4], $0x80, s10, s26, $0xb8;
	[tilespmem:$0x1D000] =	vst v63  }
0x77: {  	_ =	swait.ge [sflag:s23], $0x4000  }
0x78: {  	[sflag:s23] =	ssyncset.done $0x0  }
0x79: {  	[sflag:s23] =	ssyncadd.s32 $0xFFFFC000  }
0x7a: {  	_ =	swait.ge [sflag:s28], $0x4000  }
0x7b: {  	[sflag:s28] =	ssyncset.done $0x0  }
0x7c: {  	s11 =	sor.u32 $0x380, s2;
	[sflag:s28] =	ssyncadd.s32 $0xFFFFC000  }
0x7d: {  	[tilespmem:s29], [sflag:$0x2] =	stream.indirect.gather [hbm4b:s1+s26], $0x80, s11, s26, $0xb8;
	[tilespmem:$0x1D000] =	vst v63  }
0x7e: {  	s2 =	sor.u32 $0xB00, s2  }
0x7f: {  	[spmem:s3] =	stream.indirect.scatter.add.f32 [tilespmem:s25], [sflag:$0x4], $0x80, s2, s26, $0xb8;
	[tilespmem:$0x1D000] =	vst v63  }
0x80: {  	_ =	swait.ge [sflag:s23], $0x4000  }
0x81: {  	[sflag:s23] =	ssyncset.done $0x0  }
0x82: {  	[sflag:s23] =	ssyncadd.s32 $0xFFFFC000  }
0x83: {  	_ =	swait.ge [sflag:s30], $0x4000  }
0x84: {  	[sflag:s30] =	ssyncset.done $0x0  }
0x85: {  	s2 =	simm.s32 @!p0 $0x3;
	[sflag:s30] =	ssyncadd.s32 $0xFFFFC000  }
0x86: {  	_ =	swait.ge @!p0 [sflag:s2], $0x400  }
0x87: {  	[sflag:s2] =	ssyncset.done @!p0 $0x0  }
0x88: {  	[sflag:s2] =	ssyncadd.s32 @!p0 $0xFFFFFC00  }
0x89: {  	_ =	swait.ge @!p0 [sflag:s2], $0x400  }
0x8a: {  	[sflag:s2] =	ssyncset.done @!p0 $0x0  }
0x8b: {  	s6 =	simm.s32 @!p0 $0x1000;
	[sflag:s2] =	ssyncadd.s32 @!p0 $0xFFFFFC00;
	s2 =	simm.s32 @!p0 $0x80  }
0x8c: {  	[tilespmem:s6], [sflag:$0x1] =	stream.indirect.gather @!p0 [hbm4b:s1+s2], $0x80, s0, s2, $0xb8;
	[tilespmem:$0x1D000] =	vst v63  }
0x8d: {  	s24 =	sor.u32 $0x800, s11  }
0x8e: {  	[spmem:s3] =	stream.indirect.scatter.add.f32 [tilespmem:s29], [sflag:$0x4], $0x80, s24, s26, $0xb8;
	[tilespmem:$0x1D000] =	vst v63  }
0x8f: {  	s5 =	simm.s32 $0x2;
	s2 =	simm.s32 $0x80;
	_ =	swait.ge [sflag:s23], $0x4000  }
0x90: {  	s0 =	simm.s32 $0x400;
	s24 =	simm.s32 $0x100;
	[sflag:s23] =	ssyncset.done $0x0  }
.LBB2_2:
0x91: {  	s7 =	rddreg [dreg:$0x4];
	[sflag:s23] =	ssyncadd.s32 $0xFFFFC000  }
0x92: {  	s6 =	sand.u32 $0x1, s5;
	p1 =	seq.s32 s2, $0x480;
	s10 =	rddreg [dreg:$0x5]  }
0x93: {  	s6 =	sshll.u32 @!p1 s6, $0xA;
	s7 =	sadd.s32 @!p1 s2, s7;
	s11 =	simm.s32 @!p1 $0x0  }
0x94: {  	[tilespmem:s6], [sflag:$0x3] =	stream.linear.gather @!p1 [hbm4b:s7+s11], $0x400, $0x38;
	[tilespmem:$0x1D000] =	vst v63  }
0x95: {  	s10 =	sadd.s32 @!p1 s2, s10;
	s7 =	sor.u32 @!p1 $0x800, s6  }
0x96: {  	[tilespmem:s7], [sflag:$0x3] =	stream.linear.gather @!p1 [hbm4b:s10+s11], $0x400, $0x38;
	[tilespmem:$0x1D000] =	vst v63  }
0x97: {  	_ =	swait.ge [sflag:s28], $0x4000  }
0x98: {  	s7 =	sand.u32 $0x400, s0;
	[sflag:s28] =	ssyncset.done $0x0  }
0x99: {  	s11 =	sor.u32 $0x80, s7;
	[sflag:s28] =	ssyncadd.s32 $0xFFFFC000  }
0x9a: {  	[tilespmem:s29], [sflag:$0x2] =	stream.indirect.gather [hbm4b:s1+s26], $0x80, s11, s26, $0xb8;
	[tilespmem:$0x1D000] =	vst v63  }
0x9b: {  	s10 =	sor.u32 $0x800, s7  }
0x9c: {  	[spmem:s3] =	stream.indirect.scatter.add.f32 [tilespmem:s25], [sflag:$0x4], $0x80, s10, s26, $0xb8;
	[tilespmem:$0x1D000] =	vst v63  }
0x9d: {  	_ =	swait.ge [sflag:s23], $0x4000  }
0x9e: {  	[sflag:s23] =	ssyncset.done $0x0  }
0x9f: {  	[sflag:s23] =	ssyncadd.s32 $0xFFFFC000  }
0xa0: {  	_ =	swait.ge [sflag:s30], $0x4000  }
0xa1: {  	[sflag:s30] =	ssyncset.done $0x0  }
0xa2: {  	s11 =	sor.u32 $0x100, s7;
	[sflag:s30] =	ssyncadd.s32 $0xFFFFC000  }
0xa3: {  	[tilespmem:s25], [sflag:$0x1] =	stream.indirect.gather [hbm4b:s1+s26], $0x80, s11, s26, $0xb8;
	[tilespmem:$0x1D000] =	vst v63  }
0xa4: {  	s10 =	sor.u32 $0x880, s7  }
0xa5: {  	[spmem:s3] =	stream.indirect.scatter.add.f32 [tilespmem:s29], [sflag:$0x4], $0x80, s10, s26, $0xb8;
	[tilespmem:$0x1D000] =	vst v63  }
0xa6: {  	_ =	swait.ge [sflag:s23], $0x4000  }
0xa7: {  	[sflag:s23] =	ssyncset.done $0x0  }
0xa8: {  	[sflag:s23] =	ssyncadd.s32 $0xFFFFC000  }
0xa9: {  	_ =	swait.ge [sflag:s28], $0x4000  }
0xaa: {  	[sflag:s28] =	ssyncset.done $0x0  }
0xab: {  	s11 =	sor.u32 $0x180, s7;
	[sflag:s28] =	ssyncadd.s32 $0xFFFFC000  }
0xac: {  	[tilespmem:s29], [sflag:$0x2] =	stream.indirect.gather [hbm4b:s1+s26], $0x80, s11, s26, $0xb8;
	[tilespmem:$0x1D000] =	vst v63  }
0xad: {  	s10 =	sor.u32 $0x900, s7  }
0xae: {  	[spmem:s3] =	stream.indirect.scatter.add.f32 [tilespmem:s25], [sflag:$0x4], $0x80, s10, s26, $0xb8;
	[tilespmem:$0x1D000] =	vst v63  }
0xaf: {  	_ =	swait.ge [sflag:s23], $0x4000  }
0xb0: {  	[sflag:s23] =	ssyncset.done $0x0  }
0xb1: {  	[sflag:s23] =	ssyncadd.s32 $0xFFFFC000  }
0xb2: {  	_ =	swait.ge [sflag:s30], $0x4000  }
0xb3: {  	[sflag:s30] =	ssyncset.done $0x0  }
0xb4: {  	s11 =	sor.u32 $0x200, s7;
	[sflag:s30] =	ssyncadd.s32 $0xFFFFC000  }
0xb5: {  	[tilespmem:s25], [sflag:$0x1] =	stream.indirect.gather [hbm4b:s1+s26], $0x80, s11, s26, $0xb8;
	[tilespmem:$0x1D000] =	vst v63  }
0xb6: {  	s10 =	sor.u32 $0x980, s7  }
0xb7: {  	[spmem:s3] =	stream.indirect.scatter.add.f32 [tilespmem:s29], [sflag:$0x4], $0x80, s10, s26, $0xb8;
	[tilespmem:$0x1D000] =	vst v63  }
0xb8: {  	_ =	swait.ge [sflag:s23], $0x4000  }
0xb9: {  	[sflag:s23] =	ssyncset.done $0x0  }
0xba: {  	[sflag:s23] =	ssyncadd.s32 $0xFFFFC000  }
0xbb: {  	_ =	swait.ge [sflag:s28], $0x4000  }
0xbc: {  	[sflag:s28] =	ssyncset.done $0x0  }
0xbd: {  	s11 =	sor.u32 $0x280, s7;
	[sflag:s28] =	ssyncadd.s32 $0xFFFFC000  }
0xbe: {  	[tilespmem:s29], [sflag:$0x2] =	stream.indirect.gather [hbm4b:s1+s26], $0x80, s11, s26, $0xb8;
	[tilespmem:$0x1D000] =	vst v63  }
0xbf: {  	s10 =	sor.u32 $0xA00, s7  }
0xc0: {  	[spmem:s3] =	stream.indirect.scatter.add.f32 [tilespmem:s25], [sflag:$0x4], $0x80, s10, s26, $0xb8;
	[tilespmem:$0x1D000] =	vst v63  }
0xc1: {  	_ =	swait.ge [sflag:s23], $0x4000  }
0xc2: {  	[sflag:s23] =	ssyncset.done $0x0  }
0xc3: {  	[sflag:s23] =	ssyncadd.s32 $0xFFFFC000  }
0xc4: {  	_ =	swait.ge [sflag:s30], $0x4000  }
0xc5: {  	[sflag:s30] =	ssyncset.done $0x0  }
0xc6: {  	s11 =	sor.u32 $0x300, s7;
	[sflag:s30] =	ssyncadd.s32 $0xFFFFC000  }
0xc7: {  	[tilespmem:s25], [sflag:$0x1] =	stream.indirect.gather [hbm4b:s1+s26], $0x80, s11, s26, $0xb8;
	[tilespmem:$0x1D000] =	vst v63  }
0xc8: {  	s10 =	sor.u32 $0xA80, s7  }
0xc9: {  	[spmem:s3] =	stream.indirect.scatter.add.f32 [tilespmem:s29], [sflag:$0x4], $0x80, s10, s26, $0xb8;
	[tilespmem:$0x1D000] =	vst v63  }
0xca: {  	_ =	swait.ge [sflag:s23], $0x4000  }
0xcb: {  	[sflag:s23] =	ssyncset.done $0x0  }
0xcc: {  	[sflag:s23] =	ssyncadd.s32 $0xFFFFC000  }
0xcd: {  	_ =	swait.ge [sflag:s28], $0x4000  }
0xce: {  	[sflag:s28] =	ssyncset.done $0x0  }
0xcf: {  	s11 =	sor.u32 $0x380, s7;
	[sflag:s28] =	ssyncadd.s32 $0xFFFFC000  }
0xd0: {  	[tilespmem:s29], [sflag:$0x2] =	stream.indirect.gather [hbm4b:s1+s26], $0x80, s11, s26, $0xb8;
	[tilespmem:$0x1D000] =	vst v63  }
0xd1: {  	s7 =	sor.u32 $0xB00, s7  }
0xd2: {  	[spmem:s3] =	stream.indirect.scatter.add.f32 [tilespmem:s25], [sflag:$0x4], $0x80, s7, s26, $0xb8;
	[tilespmem:$0x1D000] =	vst v63  }
0xd3: {  	_ =	swait.ge [sflag:s23], $0x4000  }
0xd4: {  	[sflag:s23] =	ssyncset.done $0x0  }
0xd5: {  	[sflag:s23] =	ssyncadd.s32 $0xFFFFC000  }
0xd6: {  	_ =	swait.ge [sflag:s30], $0x4000  }
0xd7: {  	[sflag:s30] =	ssyncset.done $0x0  }
0xd8: {  	s7 =	simm.s32 @!p1 $0x3;
	[sflag:s30] =	ssyncadd.s32 $0xFFFFC000  }
0xd9: {  	_ =	swait.ge @!p1 [sflag:s7], $0x400  }
0xda: {  	[sflag:s7] =	ssyncset.done @!p1 $0x0  }
0xdb: {  	[sflag:s7] =	ssyncadd.s32 @!p1 $0xFFFFFC00  }
0xdc: {  	s9 =	smov.u32 s24;
	s24 =	sadd.s32 $0x80, s24;
	_ =	swait.ge @!p1 [sflag:s7], $0x400  }
0xdd: {  	p0 =	sne.s32 s24, $0x500;
	[sflag:s7] =	ssyncset.done @!p1 $0x0  }
0xde: {  	s10 =	simm.s32 @!p1 $0x1000;
	[sflag:s7] =	ssyncadd.s32 @!p1 $0xFFFFFC00;
	s7 =	simm.s32 @!p1 $0x80  }
0xdf: {  	[tilespmem:s10], [sflag:$0x1] =	stream.indirect.gather @!p1 [hbm4b:s1+s7], $0x80, s6, s7, $0xb8;
	[tilespmem:$0x1D000] =	vst v63  }
.Ltmp0:
0xe0: {  	_ = 	snop;
	(pc) =	sbr.rel @p0 .LBB2_2-.Ltmp0, $4  }
0xe1: {  	s11 =	sor.u32 $0x800, s11  }
0xe2: {  	[spmem:s3] =	stream.indirect.scatter.add.f32 [tilespmem:s29], [sflag:$0x4], $0x80, s11, s26, $0xb8;
	[tilespmem:$0x1D000] =	vst v63  }
0xe3: {  	s5 =	sadd.s32 $0x1, s5;
	_ =	swait.ge [sflag:s23], $0x4000  }
0xe4: {  	s2 =	smov.u32 s9;
	s0 =	sadd.s32 $0x400, s0;
	[sflag:s23] =	ssyncset.done $0x0  }
0xe5: {  	s6 =	rddreg [dreg:$0x4];
	[sflag:s23] =	ssyncadd.s32 $0xFFFFC000  }
0xe6: {  	s5 =	sand.u32 $0x1, s5;
	p0 =	seq.s32 s2, $0x480;
	s7 =	rddreg [dreg:$0x5]  }
0xe7: {  	s5 =	sshll.u32 @!p0 s5, $0xA;
	s6 =	sadd.s32 @!p0 s2, s6;
	s9 =	simm.s32 @!p0 $0x0  }
0xe8: {  	[tilespmem:s5], [sflag:$0x3] =	stream.linear.gather @!p0 [hbm4b:s6+s9], $0x400, $0x38;
	[tilespmem:$0x1D000] =	vst v63  }
0xe9: {  	s2 =	sadd.s32 @!p0 s2, s7;
	s6 =	sor.u32 @!p0 $0x800, s5  }
0xea: {  	[tilespmem:s6], [sflag:$0x3] =	stream.linear.gather @!p0 [hbm4b:s2+s9], $0x400, $0x38;
	[tilespmem:$0x1D000] =	vst v63  }
0xeb: {  	_ =	swait.ge [sflag:s28], $0x4000  }
0xec: {  	s0 =	sand.u32 $0x400, s0;
	[sflag:s28] =	ssyncset.done $0x0  }
0xed: {  	s10 =	sor.u32 $0x80, s0;
	[sflag:s28] =	ssyncadd.s32 $0xFFFFC000  }
0xee: {  	[tilespmem:s29], [sflag:$0x2] =	stream.indirect.gather [hbm4b:s1+s26], $0x80, s10, s26, $0xb8;
	[tilespmem:$0x1D000] =	vst v63  }
0xef: {  	s11 =	sor.u32 $0x800, s0  }
0xf0: {  	[spmem:s3] =	stream.indirect.scatter.add.f32 [tilespmem:s25], [sflag:$0x4], $0x80, s11, s26, $0xb8;
	[tilespmem:$0x1D000] =	vst v63  }
0xf1: {  	_ =	swait.ge [sflag:s23], $0x4000  }
0xf2: {  	[sflag:s23] =	ssyncset.done $0x0  }
0xf3: {  	[sflag:s23] =	ssyncadd.s32 $0xFFFFC000  }
0xf4: {  	_ =	swait.ge [sflag:s30], $0x4000  }
0xf5: {  	[sflag:s30] =	ssyncset.done $0x0  }
0xf6: {  	s24 =	sor.u32 $0x100, s0;
	[sflag:s30] =	ssyncadd.s32 $0xFFFFC000  }
0xf7: {  	[tilespmem:s25], [sflag:$0x1] =	stream.indirect.gather [hbm4b:s1+s26], $0x80, s24, s26, $0xb8;
	[tilespmem:$0x1D000] =	vst v63  }
0xf8: {  	s6 =	sor.u32 $0x880, s0  }
0xf9: {  	[spmem:s3] =	stream.indirect.scatter.add.f32 [tilespmem:s29], [sflag:$0x4], $0x80, s6, s26, $0xb8;
	[tilespmem:$0x1D000] =	vst v63  }
0xfa: {  	_ =	swait.ge [sflag:s23], $0x4000  }
0xfb: {  	[sflag:s23] =	ssyncset.done $0x0  }
0xfc: {  	[sflag:s23] =	ssyncadd.s32 $0xFFFFC000  }
0xfd: {  	_ =	swait.ge [sflag:s28], $0x4000  }
0xfe: {  	[sflag:s28] =	ssyncset.done $0x0  }
0xff: {  	s7 =	sor.u32 $0x180, s0;
	[sflag:s28] =	ssyncadd.s32 $0xFFFFC000  }
0x100: {  	[tilespmem:s29], [sflag:$0x2] =	stream.indirect.gather [hbm4b:s1+s26], $0x80, s7, s26, $0xb8;
	[tilespmem:$0x1D000] =	vst v63  }
0x101: {  	s9 =	sor.u32 $0x900, s0  }
0x102: {  	[spmem:s3] =	stream.indirect.scatter.add.f32 [tilespmem:s25], [sflag:$0x4], $0x80, s9, s26, $0xb8;
	[tilespmem:$0x1D000] =	vst v63  }
0x103: {  	_ =	swait.ge [sflag:s23], $0x4000  }
0x104: {  	[sflag:s23] =	ssyncset.done $0x0  }
0x105: {  	[sflag:s23] =	ssyncadd.s32 $0xFFFFC000  }
0x106: {  	_ =	swait.ge [sflag:s30], $0x4000  }
0x107: {  	[sflag:s30] =	ssyncset.done $0x0  }
0x108: {  	s10 =	sor.u32 $0x200, s0;
	[sflag:s30] =	ssyncadd.s32 $0xFFFFC000  }
0x109: {  	[tilespmem:s25], [sflag:$0x1] =	stream.indirect.gather [hbm4b:s1+s26], $0x80, s10, s26, $0xb8;
	[tilespmem:$0x1D000] =	vst v63  }
0x10a: {  	s11 =	sor.u32 $0x980, s0  }
0x10b: {  	[spmem:s3] =	stream.indirect.scatter.add.f32 [tilespmem:s29], [sflag:$0x4], $0x80, s11, s26, $0xb8;
	[tilespmem:$0x1D000] =	vst v63  }
0x10c: {  	_ =	swait.ge [sflag:s23], $0x4000  }
0x10d: {  	[sflag:s23] =	ssyncset.done $0x0  }
0x10e: {  	[sflag:s23] =	ssyncadd.s32 $0xFFFFC000  }
0x10f: {  	_ =	swait.ge [sflag:s28], $0x4000  }
0x110: {  	[sflag:s28] =	ssyncset.done $0x0  }
0x111: {  	s24 =	sor.u32 $0x280, s0;
	[sflag:s28] =	ssyncadd.s32 $0xFFFFC000  }
0x112: {  	[tilespmem:s29], [sflag:$0x2] =	stream.indirect.gather [hbm4b:s1+s26], $0x80, s24, s26, $0xb8;
	[tilespmem:$0x1D000] =	vst v63  }
0x113: {  	s6 =	sor.u32 $0xA00, s0  }
0x114: {  	[spmem:s3] =	stream.indirect.scatter.add.f32 [tilespmem:s25], [sflag:$0x4], $0x80, s6, s26, $0xb8;
	[tilespmem:$0x1D000] =	vst v63  }
0x115: {  	_ =	swait.ge [sflag:s23], $0x4000  }
0x116: {  	[sflag:s23] =	ssyncset.done $0x0  }
0x117: {  	[sflag:s23] =	ssyncadd.s32 $0xFFFFC000  }
0x118: {  	_ =	swait.ge [sflag:s30], $0x4000  }
0x119: {  	[sflag:s30] =	ssyncset.done $0x0  }
0x11a: {  	s7 =	sor.u32 $0x300, s0;
	[sflag:s30] =	ssyncadd.s32 $0xFFFFC000  }
0x11b: {  	[tilespmem:s25], [sflag:$0x1] =	stream.indirect.gather [hbm4b:s1+s26], $0x80, s7, s26, $0xb8;
	[tilespmem:$0x1D000] =	vst v63  }
0x11c: {  	s9 =	sor.u32 $0xA80, s0  }
0x11d: {  	[spmem:s3] =	stream.indirect.scatter.add.f32 [tilespmem:s29], [sflag:$0x4], $0x80, s9, s26, $0xb8;
	[tilespmem:$0x1D000] =	vst v63  }
0x11e: {  	_ =	swait.ge [sflag:s23], $0x4000  }
0x11f: {  	[sflag:s23] =	ssyncset.done $0x0  }
0x120: {  	[sflag:s23] =	ssyncadd.s32 $0xFFFFC000  }
0x121: {  	_ =	swait.ge [sflag:s28], $0x4000  }
0x122: {  	[sflag:s28] =	ssyncset.done $0x0  }
0x123: {  	s10 =	sor.u32 $0x380, s0;
	[sflag:s28] =	ssyncadd.s32 $0xFFFFC000  }
0x124: {  	[tilespmem:s29], [sflag:$0x2] =	stream.indirect.gather [hbm4b:s1+s26], $0x80, s10, s26, $0xb8;
	[tilespmem:$0x1D000] =	vst v63  }
0x125: {  	s0 =	sor.u32 $0xB00, s0  }
0x126: {  	[spmem:s3] =	stream.indirect.scatter.add.f32 [tilespmem:s25], [sflag:$0x4], $0x80, s0, s26, $0xb8;
	[tilespmem:$0x1D000] =	vst v63  }
0x127: {  	_ =	swait.ge [sflag:s23], $0x4000  }
0x128: {  	[sflag:s23] =	ssyncset.done $0x0  }
0x129: {  	[sflag:s23] =	ssyncadd.s32 $0xFFFFC000  }
0x12a: {  	_ =	swait.ge [sflag:s30], $0x4000  }
0x12b: {  	[sflag:s30] =	ssyncset.done $0x0  }
0x12c: {  	s0 =	simm.s32 @!p0 $0x3;
	[sflag:s30] =	ssyncadd.s32 $0xFFFFC000  }
0x12d: {  	_ =	swait.ge @!p0 [sflag:s0], $0x400  }
0x12e: {  	[sflag:s0] =	ssyncset.done @!p0 $0x0  }
0x12f: {  	[sflag:s0] =	ssyncadd.s32 @!p0 $0xFFFFFC00  }
0x130: {  	_ =	swait.ge @!p0 [sflag:s0], $0x400  }
0x131: {  	[sflag:s0] =	ssyncset.done @!p0 $0x0  }
0x132: {  	s6 =	simm.s32 @!p0 $0x1000;
	[sflag:s0] =	ssyncadd.s32 @!p0 $0xFFFFFC00;
	s0 =	simm.s32 @!p0 $0x80  }
0x133: {  	[tilespmem:s6], [sflag:$0x1] =	stream.indirect.gather @!p0 [hbm4b:s1+s0], $0x80, s5, s0, $0xb8;
	[tilespmem:$0x1D000] =	vst v63  }
0x134: {  	s11 =	sor.u32 $0x800, s10  }
0x135: {  	[spmem:s3] =	stream.indirect.scatter.add.f32 [tilespmem:s29], [sflag:$0x4], $0x80, s11, s26, $0xb8;
	[tilespmem:$0x1D000] =	vst v63  }
0x136: {  	_ =	swait.ge [sflag:s23], $0x4000  }
0x137: {  	[sflag:s23] =	ssyncset.done $0x0  }
0x138: {  	[sflag:s23] =	ssyncadd.s32 $0xFFFFC000  }
0x139: {  	[bflag:$0x0] =	sbarrier.arrive $0xFFFF  }
0x13a: {  	[tilespmem:s25], [sflag:$0x4] =	stream.linear.gather [spmem:s8], $0x4000, $0x38;
	[tilespmem:$0x1D000] =	vst v63  }
0x13b: {  	_ =	swait.ge [sflag:s23], $0x4000  }
0x13c: {  	[sflag:s23] =	ssyncset.done $0x0  }
0x13d: {  	[sflag:s23] =	ssyncadd.s32 $0xFFFFC000  }
0x13e: {  	[hbm4b:s13+s4] =	stream.linear.scatter [tilespmem:s25], [sflag:$0x4], $0x4000, $0x38;
	[tilespmem:$0x1D000] =	vst v63  }
0x13f: {  	_ =	swait.ge [sflag:s23], $0x4000  }
0x140: {  	[sflag:s23] =	ssyncset.done $0x0  }
0x141: {  	[sflag:s23] =	ssyncadd.s32 $0xFFFFC000  }
0x142: {  	[tilespmem:s25], [sflag:$0x4] =	stream.linear.gather [spmem:s19], $0x4000, $0x38;
	[tilespmem:$0x1D000] =	vst v63  }
0x143: {  	_ =	swait.ge [sflag:s23], $0x4000  }
0x144: {  	[sflag:s23] =	ssyncset.done $0x0  }
0x145: {  	[sflag:s23] =	ssyncadd.s32 $0xFFFFC000  }
0x146: {  	[hbm4b:s14+s4] =	stream.linear.scatter [tilespmem:s25], [sflag:$0x4], $0x4000, $0x38;
	[tilespmem:$0x1D000] =	vst v63  }
0x147: {  	_ =	swait.ge [sflag:s23], $0x4000  }
0x148: {  	[sflag:s23] =	ssyncset.done $0x0  }
0x149: {  	[sflag:s23] =	ssyncadd.s32 $0xFFFFC000  }
0x14a: {  	[tilespmem:s25], [sflag:$0x4] =	stream.linear.gather [spmem:s20], $0x4000, $0x38;
	[tilespmem:$0x1D000] =	vst v63  }
0x14b: {  	_ =	swait.ge [sflag:s23], $0x4000  }
0x14c: {  	[sflag:s23] =	ssyncset.done $0x0  }
0x14d: {  	[sflag:s23] =	ssyncadd.s32 $0xFFFFC000  }
0x14e: {  	[hbm4b:s15+s4] =	stream.linear.scatter [tilespmem:s25], [sflag:$0x4], $0x4000, $0x38;
	[tilespmem:$0x1D000] =	vst v63  }
0x14f: {  	_ =	swait.ge [sflag:s23], $0x4000  }
0x150: {  	[sflag:s23] =	ssyncset.done $0x0  }
0x151: {  	[sflag:s23] =	ssyncadd.s32 $0xFFFFC000  }
0x152: {  	[tilespmem:s25], [sflag:$0x4] =	stream.linear.gather [spmem:s21], $0x4000, $0x38;
	[tilespmem:$0x1D000] =	vst v63  }
0x153: {  	_ =	swait.ge [sflag:s23], $0x4000  }
0x154: {  	[sflag:s23] =	ssyncset.done $0x0  }
0x155: {  	[sflag:s23] =	ssyncadd.s32 $0xFFFFC000  }
0x156: {  	[hbm4b:s16+s4] =	stream.linear.scatter [tilespmem:s25], [sflag:$0x4], $0x4000, $0x38;
	[tilespmem:$0x1D000] =	vst v63  }
0x157: {  	_ =	swait.ge [sflag:s23], $0x4000  }
0x158: {  	[sflag:s23] =	ssyncset.done $0x0  }
0x159: {  	[sflag:s23] =	ssyncadd.s32 $0xFFFFC000  }
0x15a: {  	[tilespmem:s25], [sflag:$0x4] =	stream.linear.gather [spmem:s22], $0x4000, $0x38;
	[tilespmem:$0x1D000] =	vst v63  }
0x15b: {  	_ =	swait.ge [sflag:s23], $0x4000  }
0x15c: {  	[sflag:s23] =	ssyncset.done $0x0  }
0x15d: {  	[sflag:s23] =	ssyncadd.s32 $0xFFFFC000  }
0x15e: {  	[hbm4b:s17+s4] =	stream.linear.scatter [tilespmem:s25], [sflag:$0x4], $0x4000, $0x38;
	[tilespmem:$0x1D000] =	vst v63  }
0x15f: {  	_ =	swait.ge [sflag:s23], $0x4000  }
0x160: {  	s31 =	sadd.s32 $0x1, s31;
	s24 =	rddreg [dreg:$0x9]  }
0x161: {  	p0 =	sne.s32 s31, s24  }
.Ltmp1:
0x162: {  	_ = 	snop;
	(pc) =	sbr.rel @p0 .LBB2_1-.Ltmp1, $3  }
0x163: {  	_ =	sdelay $0x1  }
0x164: {  	[sflag:s23] =	ssyncset.done $0x0  }
0x165: {  	[sflag:s23] =	ssyncadd.s32 $0xFFFFC000  }
0x166: {  	_ =	sfence.sel $0x180000  }
0x167: {  	[bflag:$0x0] =	sbarrier.arrive $0xFFFF  }
0x168: {  	_ =	strace $0x9000004D  }
0x169: {  	s0 =	stileid.u32;
	[bflag:$0x2] =	sbarrier.arrive $0xFFFF  }
0x16a: {  	p0 =	sne.s32 s0, $0x0;
	s0 =	rddreg [dreg:$0x3]  }
0x16b: {  	s0 =	sadd.s32 @!p0 $0x100000, s0  }
0x16c: {  	[sflag:s0] =	ssyncadd.tile.s32 @!p0 $0x1;
	_ =	shalt  }
.Lfunc_end2:
_tile_overlayer_lowered:
.L_overlay_start_2:
0x16d: {  	(tag) =	ssettag $0x2  }
0x16e: {  	s0 =	rddreg [dreg:$0x0];
	s2 =	stileid.u32  }
0x16f: {  	s1 =	rddreg [dreg:$0x1];
	p0 =	sne.s32 s2, $0x0  }
0x170: {  	s3 =	rddreg [dreg:$0x2];
	[bflag:$0x3] =	sbarrier.arrive $0xFFFF;
	s2 =	simm.s32 @!p0 $0x1C04  }
0x171: {  	[timem:s3], [sflag:s2] =	dma.local @!p0 [hbm:s0], s1  }
0x172: {  	s0 =	simm.s32 @!p0 $0x4  }
0x173: {  	_ =	swait.ge @!p0 [sflag:s0], s1  }
0x174: {  	s1 =	ssub.s32 @!p0 $0x0, s1;
	[sflag:s0] =	ssyncset.done @!p0 $0x0  }
0x175: {  	[sflag:s0] =	ssyncadd.s32 @!p0 s1  }
0x176: {  	[bflag:$0x3] =	sbarrier.arrive $0xFFFF  }
0x177: {  	_ =	shalt  }

// kernel: kernel.9.cloned.1.call-start
scs
__scs_entry_jumppad:
0x0: {  	(pc) =	sbr.rel $0x88, $3  }
0x1: {  	(tag) =	ssettag $0x0;
	lr =	simm.s32 $0x1  }
0x2: {  	[smem:$0x3F97] =	sst lr;
	_ =	strace $0xD0000000  }
0x3: {  	_ = 	snop  }
0x4: {  	_ = 	snop  }
0x5: {  	_ = 	snop  }
0x6: {  	_ = 	snop  }
0x7: {  	_ = 	snop  }
__scs_overlays_trampoline_lowered:
0x8: {  	[smem:$0x3FA6] =	sst s0  }
0x9: {  	[smem:$0x3FA7] =	sst s1  }
0xa: {  	[smem:$0x3FA8] =	sst s2  }
0xb: {  	[smem:$0x3FA9] =	sst s3  }
0xc: {  	[smem:$0x3FAA] =	sst s4  }
0xd: {  	[smem:$0x3FAB] =	sst s5  }
0xe: {  	[smem:$0x3FAC] =	sst s6  }
0xf: {  	[smem:$0x3FAD] =	sst s7  }
0x10: {  	[smem:$0x3FAE] =	sst s8  }
0x11: {  	[smem:$0x3FAF] =	sst s9;
	s0 =	simm.s32 @!p0 $0x0  }
0x12: {  	s1 =	sld [smem:$0x3F95];
	s0 =	simm.s32 @p0 $0x1  }
0x13: {  	[smem:$0x3FB0] =	sst s0;
	s0 =	simm.s32 @!p1 $0x0  }
0x14: {  	s2 =	sld [smem:$0x3F94];
	s0 =	simm.s32 @p1 $0x1  }
0x15: {  	[smem:$0x3FB1] =	sst s0;
	s0 =	simm.s32 @!p2 $0x0  }
0x16: {  	s3 =	sld [smem:$0x3FDB];
	s0 =	simm.s32 @p2 $0x1  }
0x17: {  	s4 =	simm.s32 $0x1BF5;
	[smem:$0x3FB3] =	sst s0  }
0x18: {  	s0 =	sld [smem:$0x3F96];
	_ =	swait.ge [sflag:s4], $0x0  }
0x19: {  	s7 =	sld [smem:$0x3F97]  }
0x1a: {  	s8 =	sadd.s32 $0xFFFFE003, lr  }
0x1b: {  	s9 =	sadd.s32 $0xFFFFFEF7, lr;
	s5 =	simm.s32 $0xFFFFFFFF;
	p2 =	slt.u32 s8, $0xFFFFF086  }
0x1c: {  	p1 =	slt.u32 s9, $0xF7A;
	s5 =	simm.s32 @!p2 $0x0  }
0x1d: {  	s5 =	simm.s32 @p1 $0x1;
	p0 =	seq.s32 s7, s2  }
0x1e: {  	s7 =	smul.u32 @!p0 $0xF7A, s2;
	p2 =	seq.s32 @!p0 s5, $0x0  }
0x1f: {  	s9 =	smul.u32 $0xF7A, s1;
	s8 =	simm.s32 @!p0 $0x1BF5;
	p2 =	por !p2, p0  }
0x20: {  	[sflag:s8] =	ssyncset.s32 @!p0 $0xFFFFF086;
	s6 =	sadd.s32 @!p0 s3, s7;
	s7 =	simm.s32 @!p0 $0x108  }
0x21: {  	s3 =	sadd.s32 s3, s9;
	s6 =	sadd.s32 @!p0 $0x88, s6;
	s7 =	simm.s32 @p2 $0x1082  }
0x22: {  	[simem:s7], [sflag:s8] =	dma.local @!p0 [hbm:s6], $0xF7A  }
0x23: {  	s9 =	sor.u32 $0xD0000000, s2;
	s6 =	simm.s32 $0x108;
	_ =	swait.ge @!p0 [sflag:s8], $0x0  }
0x24: {  	s3 =	sadd.s32 $0x88, s3;
	s6 =	simm.s32 @!p1 $0x1082;
	[sflag:s4] =	ssyncset.s32 $0xFFFFF086  }
0x25: {  	[simem:s6], [sflag:s4] =	dma.local [hbm:s3], $0xF7A  }
0x26: {  	[smem:$0x3F97] =	sst s1;
	(tag) =	ssettag s2;
	_ =	strace s9  }
0x27: {  	s1 =	sld [smem:$0x3FA7]  }
0x28: {  	s2 =	sld [smem:$0x3FA8]  }
0x29: {  	s4 =	sld [smem:$0x3FAA]  }
0x2a: {  	p0 =	seq.s32 s5, $0x0;
	s5 =	sld [smem:$0x3FAB]  }
0x2b: {  	s6 =	sld [smem:$0x3FAC]  }
0x2c: {  	s7 =	sld [smem:$0x3FAD]  }
0x2d: {  	s3 =	simm.s32 $0x108;
	s8 =	sld [smem:$0x3FAE]  }
0x2e: {  	s3 =	simm.s32 @!p0 $0x1082;
	s9 =	sld [smem:$0x3FAF]  }
0x2f: {  	lr =	sadd.s32 s0, s3;
	s0 =	sld [smem:$0x3FA6]  }
0x30: {  	s3 =	sld [smem:$0x3FA9]  }
0x31: {  	[smem:$0x3FB2] =	sst s10  }
0x32: {  	s10 =	sld [smem:$0x3FB0];
	_ =	sdelay $0x3  }
0x33: {  	p0 =	seq.s32 s10, $0x1;
	s10 =	sld [smem:$0x3FB2];
	_ =	sdelay $0x3  }
0x34: {  	[smem:$0x3FB2] =	sst s10  }
0x35: {  	s10 =	sld [smem:$0x3FB1];
	_ =	sdelay $0x3  }
0x36: {  	p1 =	seq.s32 s10, $0x1;
	s10 =	sld [smem:$0x3FB2];
	_ =	sdelay $0x3  }
0x37: {  	[smem:$0x3FB2] =	sst s10  }
0x38: {  	s10 =	sld [smem:$0x3FB3]  }
0x39: {  	_ = 	snop;
	(pc) =	sbr.ind lr, $3  }
0x3a: {  	_ = 	snop  }
0x3b: {  	_ = 	snop  }
0x3c: {  	p2 =	seq.s32 s10, $0x1;
	s10 =	sld [smem:$0x3FB2]  }
0x3d: {  	_ =	shalt  }
0x3e: {  	_ =	shalt  }
0x3f: {  	_ =	shalt  }
0x40: {  	_ =	shalt  }
0x41: {  	_ =	shalt  }
0x42: {  	_ =	shalt  }
0x43: {  	_ =	shalt  }
0x44: {  	_ =	shalt  }
0x45: {  	_ =	shalt  }
0x46: {  	_ =	shalt  }
0x47: {  	_ =	shalt  }
0x48: {  	_ =	shalt  }
0x49: {  	_ =	shalt  }
0x4a: {  	_ =	shalt  }
0x4b: {  	_ =	shalt  }
0x4c: {  	_ =	shalt  }
0x4d: {  	_ =	shalt  }
0x4e: {  	_ =	shalt  }
0x4f: {  	_ =	shalt  }
0x50: {  	_ =	shalt  }
0x51: {  	_ =	shalt  }
0x52: {  	_ =	shalt  }
0x53: {  	_ =	shalt  }
0x54: {  	_ =	shalt  }
0x55: {  	_ =	shalt  }
0x56: {  	_ =	shalt  }
0x57: {  	_ =	shalt  }
0x58: {  	_ =	shalt  }
0x59: {  	_ =	shalt  }
0x5a: {  	_ =	shalt  }
0x5b: {  	_ =	shalt  }
0x5c: {  	_ =	shalt  }
0x5d: {  	_ =	shalt  }
0x5e: {  	_ =	shalt  }
0x5f: {  	_ =	shalt  }
0x60: {  	_ =	shalt  }
0x61: {  	_ =	shalt  }
0x62: {  	_ =	shalt  }
0x63: {  	_ =	shalt  }
0x64: {  	_ =	shalt  }
0x65: {  	_ =	shalt  }
0x66: {  	_ =	shalt  }
0x67: {  	_ =	shalt  }
0x68: {  	_ =	shalt  }
0x69: {  	_ =	shalt  }
0x6a: {  	_ =	shalt  }
0x6b: {  	_ =	shalt  }
0x6c: {  	_ =	shalt  }
0x6d: {  	_ =	shalt  }
0x6e: {  	_ =	shalt  }
0x6f: {  	_ =	shalt  }
0x70: {  	_ =	shalt  }
0x71: {  	_ =	shalt  }
0x72: {  	_ =	shalt  }
0x73: {  	_ =	shalt  }
0x74: {  	_ =	shalt  }
0x75: {  	_ =	shalt  }
0x76: {  	_ =	shalt  }
0x77: {  	_ =	shalt  }
0x78: {  	_ =	shalt  }
0x79: {  	_ =	shalt  }
0x7a: {  	_ =	shalt  }
0x7b: {  	_ =	shalt  }
0x7c: {  	_ =	shalt  }
0x7d: {  	_ =	shalt  }
0x7e: {  	_ =	shalt  }
0x7f: {  	_ =	shalt  }
0x80: {  	_ =	shalt  }
0x81: {  	_ =	shalt  }
0x82: {  	_ =	shalt  }
0x83: {  	_ =	shalt  }
0x84: {  	_ =	shalt  }
0x85: {  	_ =	shalt  }
0x86: {  	_ =	shalt  }
0x87: {  	_ =	shalt  }
.Lfunc_end0:
.L_simem_size_0:
called_computation.3_lowered:
.L_overlay_start_0:
0x88: {  	s2 =	sld [smem:$0x3FD9]  }
0x89: {  	s3 =	sld [smem:$0x3FFE];
	_ =	sdelay $0x1  }
0x8a: {  	s1 =	srdreg.scid  }
0x8b: {  	s0 =	sand.u32 $0x1, s1  }
0x8c: {  	s17 =	sshll.u32 s0, $0xA;
	s2 =	sadd.s32 s3, s2  }
0x8d: {  	s2 =	sadd.s32 s2, s17  }
0x8e: {  	[smem:$0x3FBE] =	sst s2  }
0x8f: {  	_ = 	snop  }
0x90: {  	s2 =	sld [smem:$0x3FD0];
	(tm) =	ssettm $0x1  }
0x91: {  	s18 =	sld [smem:$0x3FFB];
	_ =	sdelay $0x3  }
0x92: {  	_ =	strace s18  }
0x93: {  	s3 =	sld [smem:$0x3FFC];
	_ =	sdelay $0x3  }
0x94: {  	_ =	strace s3  }
0x95: {  	s3 =	sld [smem:$0x3FFD];
	_ =	sdelay $0x3  }
0x96: {  	_ =	strace s3  }
0x97: {  	_ =	strace $0x8FFFFFFF  }
0x98: {  	s19 =	sld [smem:$0x3FDB];
	_ =	sdelay $0x1  }
0x99: {  	s4 =	simm.s32 $_scs_section_size  }
0x9a: {  	s5 =	simm.s32 $_size__tile_overlayer_lowered;
	s6 =	simm.s32 $_tile_overlayer_lowered  }
0x9b: {  	s22 =	simm.s32 $0x1BFF;
	s21 =	sshll.u32 s6, $0x1;
	s3 =	sadd.s32 s4, s19  }
0x9c: {  	s7 =	simm.s32 $0x0;
	s20 =	sshll.u32 s5, $0x1;
	s5 =	sadd.s32 s21, s3  }
0x9d: {  	[timem:s7], [sflag:s22] =	dma.local [hbm:s5], s20  }
0x9e: {  	_ =	swait.ge [sflag:s22], s20  }
0x9f: {  	s4 =	ssub.s32 $0x0, s20;
	[sflag:s22] =	ssyncset.done $0x0  }
0xa0: {  	[sflag:s22] =	ssyncadd.s32 s4;
	_ =	sdelay $0x1  }
0xa1: {  	s23 =	simm.s32 $0x1B8B  }
0xa2: {  	_ =	swait.ge [sflag:s23], $0x1  }
0xa3: {  	[sflag:s23] =	ssyncset.done $0x0  }
0xa4: {  	s25 =	simm.s32 $0x1B8E;
	s24 =	sld [smem:$0x3FFE];
	[sflag:s23] =	ssyncadd.s32 $0xFFFFFFFF  }
0xa5: {  	s26 =	simm.s32 $execute0_lowered;
	[smem:$0x3FD2] =	sst s25  }
0xa6: {  	s5 =	sshll.u32 s26, $0x1;
	_ =	strace $0x8000004F;
	[dreg:$0x1] =	wrdreg $0xFFFFFFFF  }
0xa7: {  	s28 =	simm.s32 $_size_execute0_lowered;
	s3 =	sadd.s32 s3, s5;
	[dreg:$0x0] =	wrdreg $0x0  }
0xa8: {  	s5 =	sshll.u32 s28, $0x1;
	[dreg:$0x2] =	wrdreg s3  }
0xa9: {  	[dreg:$0x3] =	wrdreg s5  }
0xaa: {  	[dreg:$0x4] =	wrdreg $0xC0  }
0xab: {  	_ =	task [dreg:s7], $0x5FFFF  }
0xac: {  	[dreg:$0x1] =	wrdreg $0xFFFFFFFF  }
0xad: {  	[dreg:$0x0] =	wrdreg $0x60  }
0xae: {  	[dreg:$0x2] =	wrdreg s2  }
0xaf: {  	[dreg:$0x3] =	wrdreg s24  }
0xb0: {  	[dreg:$0x4] =	wrdreg $0x90000  }
0xb1: {  	[dreg:$0x5] =	wrdreg $0x9  }
0xb2: {  	_ =	task.clear_ibuf [dreg:s7], $0x6FFFF;
	_ =	strace $0x9000004F  }
0xb3: {  	s29 =	simm.s32 $0x9;
	_ =	strace $0x80000051  }
0xb4: {  	_ =	swait.ge [sflag:s29], $0x1  }
0xb5: {  	[sflag:s29] =	ssyncadd.s32 $0xFFFFFFFF  }
0xb6: {  	_ =	strace $0x90000051  }
0xb7: {  	_ =	sfence  }
0xb8: {  	s30 =	sld [smem:$0x0];
	_ =	sdelay $0x2  }
0xb9: {  	s31 =	sshll.u32 s1, $0xD;
	s1 =	sshrl.u32 s1, $0x2  }
0xba: {  	s3 =	sand.u32 $0x4000, s31;
	s1 =	sadd.s32 s1, s30  }
0xbb: {  	s0 =	sor.u32 s3, s0;
	s1 =	sshll.u32 s1, $0x11  }
0xbc: {  	s0 =	sor.u32 s1, s0  }
0xbd: {  	s0 =	sadd.s32 $0x8F2B, s0  }
0xbe: {  	[sflag:s0] =	ssyncadd.remote.s32 $0x1  }
0xbf: {  	_ =	sfence.sel $0xFFFF  }
0xc0: {  	[dreg:$0x0] =	wrdreg $0xFFFFFFFF;
	(pc) =	sbr.abs _section_cstart, $3  }
0xc1: {  	[dreg:$0x1] =	wrdreg $0xFFFFFFFF  }
0xc2: {  	_ =	task.clear_ibuf [dreg:s7], $0x2FFFF;
	_ =	strace $0x9FFFFFFF  }
0xc3: {  	(tm) =	ssettm $0x7FFFFFFF  }
tec
execute0_lowered:
.L_overlay_start_1:
0x0: {  	(tag) =	ssettag $0x1  }
0x1: {  	s1 =	rddreg [dreg:$0x0]  }
0x2: {  	s0 =	rddreg [dreg:$0x1]  }
0x3: {  	s3 =	rddreg [dreg:$0x2];
	s4 =	simm.s32 $0x0;
	s2 =	srdreg.scid  }
0x4: {  	s11 =	stileid.u32;
	s28 =	simm.s32 $0x1;
	s29 =	simm.s32 $0x5000  }
0x5: {  	s30 =	simm.s32 $0x2;
	s31 =	simm.s32 $0x0;
	[smem:$0x7FF] =	sst s4  }
0x6: {  	s2 =	sand.u32 $0x1, s2;
	s5 =	sshll.u32 s11, $0x1;
	s10 =	smul.u32 $0x50000, s11  }
0x7: {  	s6 =	sadd.s32 $0x1FC00, s0;
	s7 =	sadd.s32 $0x15C00, s0;
	s16 =	smul.u32 $0x14000, s11  }
0x8: {  	s9 =	sadd.s32 $0x1C00, s0;
	s0 =	sadd.s32 $0x29C00, s0;
	s17 =	smul.u32 $0x5000, s11  }
0x9: {  	_ =	strace $0x80000050;
	s5 =	sor.u32 s2, s5;
	s15 =	smul.u32 $0x140000, s2  }
0xa: {  	s8 =	ssub.s32 $0x2, s2;
	[dreg:$0x6] =	wrdreg s9;
	s2 =	smul.u32 $0x2800, s2  }
0xb: {  	s5 =	smul.u32 $0x2800, s5;
	s20 =	sshrl.u32 s8, $0x1;
	s21 =	sshrl.u32 s10, $0x2  }
0xc: {  	s19 =	sadd.s32 $0x4000, s16;
	s9 =	ssub.s32 s8, s20;
	s8 =	sadd.s32 s21, s3  }
0xd: {  	s25 =	sadd.s32 s15, s16;
	s10 =	sadd.s32 s15, s19;
	s20 =	sadd.s32 $0x8000, s16  }
0xe: {  	s21 =	sadd.s32 $0xC000, s16;
	s2 =	sadd.s32 s2, s17;
	s19 =	sadd.s32 s19, s3  }
0xf: {  	s5 =	sshrl.u32 s5, $0x3;
	s23 =	smax.u32 s9, $0x1;
	s24 =	sadd.s32 $0x4000, s8  }
0x10: {  	s26 =	sadd.s32 $0x8000, s8;
	s12 =	sadd.s32 $0xC000, s8;
	[dreg:$0x9] =	wrdreg s23  }
0x11: {  	s11 =	sadd.s32 s15, s20;
	s18 =	sadd.s32 s15, s21;
	[dreg:$0xa] =	wrdreg s24  }
0x12: {  	s20 =	sadd.s32 s20, s3;
	s22 =	sadd.s32 s6, s5;
	[dreg:$0xb] =	wrdreg s26  }
0x13: {  	s21 =	sadd.s32 s21, s3;
	s5 =	sadd.s32 s7, s5;
	[dreg:$0x7] =	wrdreg s22  }
0x14: {  	s24 =	sshrl.u32 s18, $0x3;
	[dreg:$0x8] =	wrdreg s5;
	s5 =	sshrl.u32 s25, $0x3  }
0x15: {  	s22 =	sadd.s32 $0x10000, s16;
	s16 =	sadd.s32 s0, s24;
	s25 =	sor.u32 $0x400, s2  }
0x16: {  	s13 =	sadd.s32 s0, s5;
	s5 =	sshrl.u32 s10, $0x3;
	s23 =	sadd.s32 s15, s22  }
0x17: {  	s14 =	sadd.s32 s0, s5;
	s5 =	sshrl.u32 s11, $0x3;
	s17 =	sshrl.u32 s23, $0x3  }
0x18: {  	s15 =	sadd.s32 s0, s5;
	s17 =	sadd.s32 s0, s17;
	s0 =	sshrl.u32 s25, $0x3  }
0x19: {  	s18 =	sadd.s32 $0x10000, s8;
	s22 =	sadd.s32 s22, s3;
	s26 =	sadd.s32 s0, s7  }
0x1a: {  	s23 =	simm.s32 $0x4;
	s0 =	sadd.s32 s0, s6;
	[dreg:$0x5] =	wrdreg s26  }
0x1b: {  	s25 =	simm.s32 $0x1000;
	[dreg:$0x4] =	wrdreg s0;
	s26 =	simm.s32 $0x80  }
.LBB2_1:
0x1c: {  	s0 =	rddreg [dreg:$0x7]  }
0x1d: {  	[tilespmem:s4], [sflag:$0x4] =	stream.linear.gather [hbm4b:s0+s4], $0x400, $0x38;
	[tilespmem:$0x1D000] =	vst v63  }
0x1e: {  	_ =	swait.ge [sflag:s23], $0x400  }
0x1f: {  	[sflag:s23] =	ssyncset.done $0x0  }
0x20: {  	s2 =	simm.s32 $0x800;
	s6 =	rddreg [dreg:$0x8];
	[sflag:s23] =	ssyncadd.s32 $0xFFFFFC00  }
0x21: {  	[tilespmem:s2], [sflag:$0x4] =	stream.linear.gather [hbm4b:s6+s4], $0x400, $0x38;
	[tilespmem:$0x1D000] =	vst v63  }
0x22: {  	_ =	swait.ge [sflag:s23], $0x400  }
0x23: {  	[sflag:s23] =	ssyncset.done $0x0  }
0x24: {  	s7 =	rddreg [dreg:$0x6];
	[sflag:s23] =	ssyncadd.s32 $0xFFFFFC00  }
0x25: {  	[tilespmem:s25], [sflag:$0x4] =	stream.linear.gather [hbm4b:s7+s4], $0x4000, $0x38;
	[tilespmem:$0x1D000] =	vst v63  }
0x26: {  	_ =	swait.ge [sflag:s23], $0x4000  }
0x27: {  	[sflag:s23] =	ssyncset.done $0x0  }
0x28: {  	[sflag:s23] =	ssyncadd.s32 $0xFFFFC000  }
0x29: {  	[spmem:s8] =	stream.linear.scatter [tilespmem:s25], [sflag:$0x4], $0x4000, $0x38;
	[tilespmem:$0x1D000] =	vst v63  }
0x2a: {  	_ =	swait.ge [sflag:s23], $0x4000  }
0x2b: {  	[sflag:s23] =	ssyncset.done $0x0  }
0x2c: {  	s9 =	rddreg [dreg:$0xa];
	[sflag:s23] =	ssyncadd.s32 $0xFFFFC000  }
0x2d: {  	[spmem:s9] =	stream.linear.scatter [tilespmem:s25], [sflag:$0x4], $0x4000, $0x38;
	[tilespmem:$0x1D000] =	vst v63  }
0x2e: {  	_ =	swait.ge [sflag:s23], $0x4000  }
0x2f: {  	[sflag:s23] =	ssyncset.done $0x0  }
0x30: {  	s10 =	rddreg [dreg:$0xb];
	[sflag:s23] =	ssyncadd.s32 $0xFFFFC000  }
0x31: {  	[spmem:s10] =	stream.linear.scatter [tilespmem:s25], [sflag:$0x4], $0x4000, $0x38;
	[tilespmem:$0x1D000] =	vst v63  }
0x32: {  	_ =	swait.ge [sflag:s23], $0x4000  }
0x33: {  	[sflag:s23] =	ssyncset.done $0x0  }
0x34: {  	[sflag:s23] =	ssyncadd.s32 $0xFFFFC000  }
0x35: {  	[spmem:s12] =	stream.linear.scatter [tilespmem:s25], [sflag:$0x4], $0x4000, $0x38;
	[tilespmem:$0x1D000] =	vst v63  }
0x36: {  	_ =	swait.ge [sflag:s23], $0x4000  }
0x37: {  	[sflag:s23] =	ssyncset.done $0x0  }
0x38: {  	[sflag:s23] =	ssyncadd.s32 $0xFFFFC000  }
0x39: {  	[spmem:s18] =	stream.linear.scatter [tilespmem:s25], [sflag:$0x4], $0x4000, $0x38;
	[tilespmem:$0x1D000] =	vst v63  }
0x3a: {  	_ =	swait.ge [sflag:s23], $0x4000  }
0x3b: {  	[sflag:s23] =	ssyncset.done $0x0  }
0x3c: {  	[sflag:s23] =	ssyncadd.s32 $0xFFFFC000  }
0x3d: {  	[tilespmem:s25], [sflag:$0x1] =	stream.indirect.gather [hbm4b:s1+s26], $0x80, s4, s26, $0xb8;
	[tilespmem:$0x1D000] =	vst v63  }
0x3e: {  	p0 =	por $0x0, $0x0;
	s0 =	sand.u32 $0x1, s28;
	[bflag:$0x0] =	sbarrier.arrive $0xFFFF  }
0x3f: {  	s0 =	sshll.u32 @!p0 s0, $0xA;
	s2 =	rddreg [dreg:$0x4]  }
0x40: {  	s6 =	simm.s32 @!p0 $0x0;
	s5 =	rddreg [dreg:$0x5];
	s2 =	sadd.s32 @!p0 $0x0, s2  }
0x41: {  	[tilespmem:s0], [sflag:$0x3] =	stream.linear.gather @!p0 [hbm4b:s2+s6], $0x400, $0x38;
	[tilespmem:$0x1D000] =	vst v63  }
0x42: {  	s5 =	sadd.s32 @!p0 $0x0, s5;
	s2 =	sor.u32 @!p0 $0x800, s0  }
0x43: {  	[tilespmem:s2], [sflag:$0x3] =	stream.linear.gather @!p0 [hbm4b:s5+s6], $0x400, $0x38;
	[tilespmem:$0x1D000] =	vst v63  }
0x44: {  	_ =	swait.ge [sflag:s28], $0x4000  }
0x45: {  	s2 =	sand.u32 $0x400, s4;
	[sflag:s28] =	ssyncset.done $0x0  }
0x46: {  	s11 =	sor.u32 $0x80, s2;
	[sflag:s28] =	ssyncadd.s32 $0xFFFFC000  }
0x47: {  	[tilespmem:s29], [sflag:$0x2] =	stream.indirect.gather [hbm4b:s1+s26], $0x80, s11, s26, $0xb8;
	[tilespmem:$0x1D000] =	vst v63  }
0x48: {  	s24 =	sor.u32 $0x800, s2  }
0x49: {  	[spmem:s3] =	stream.indirect.scatter.add.f32 [tilespmem:s25], [sflag:$0x4], $0x80, s24, s26, $0xb8;
	[tilespmem:$0x1D000] =	vst v63  }
0x4a: {  	_ =	swait.ge [sflag:s23], $0x4000  }
0x4b: {  	[sflag:s23] =	ssyncset.done $0x0  }
0x4c: {  	[sflag:s23] =	ssyncadd.s32 $0xFFFFC000  }
0x4d: {  	_ =	swait.ge [sflag:s30], $0x4000  }
0x4e: {  	[sflag:s30] =	ssyncset.done $0x0  }
0x4f: {  	s6 =	sor.u32 $0x100, s2;
	[sflag:s30] =	ssyncadd.s32 $0xFFFFC000  }
0x50: {  	[tilespmem:s25], [sflag:$0x1] =	stream.indirect.gather [hbm4b:s1+s26], $0x80, s6, s26, $0xb8;
	[tilespmem:$0x1D000] =	vst v63  }
0x51: {  	s7 =	sor.u32 $0x880, s2  }
0x52: {  	[spmem:s3] =	stream.indirect.scatter.add.f32 [tilespmem:s29], [sflag:$0x4], $0x80, s7, s26, $0xb8;
	[tilespmem:$0x1D000] =	vst v63  }
0x53: {  	_ =	swait.ge [sflag:s23], $0x4000  }
0x54: {  	[sflag:s23] =	ssyncset.done $0x0  }
0x55: {  	[sflag:s23] =	ssyncadd.s32 $0xFFFFC000  }
0x56: {  	_ =	swait.ge [sflag:s28], $0x4000  }
0x57: {  	[sflag:s28] =	ssyncset.done $0x0  }
0x58: {  	s9 =	sor.u32 $0x180, s2;
	[sflag:s28] =	ssyncadd.s32 $0xFFFFC000  }
0x59: {  	[tilespmem:s29], [sflag:$0x2] =	stream.indirect.gather [hbm4b:s1+s26], $0x80, s9, s26, $0xb8;
	[tilespmem:$0x1D000] =	vst v63  }
0x5a: {  	s10 =	sor.u32 $0x900, s2  }
0x5b: {  	[spmem:s3] =	stream.indirect.scatter.add.f32 [tilespmem:s25], [sflag:$0x4], $0x80, s10, s26, $0xb8;
	[tilespmem:$0x1D000] =	vst v63  }
0x5c: {  	_ =	swait.ge [sflag:s23], $0x4000  }
0x5d: {  	[sflag:s23] =	ssyncset.done $0x0  }
0x5e: {  	[sflag:s23] =	ssyncadd.s32 $0xFFFFC000  }
0x5f: {  	_ =	swait.ge [sflag:s30], $0x4000  }
0x60: {  	[sflag:s30] =	ssyncset.done $0x0  }
0x61: {  	s11 =	sor.u32 $0x200, s2;
	[sflag:s30] =	ssyncadd.s32 $0xFFFFC000  }
0x62: {  	[tilespmem:s25], [sflag:$0x1] =	stream.indirect.gather [hbm4b:s1+s26], $0x80, s11, s26, $0xb8;
	[tilespmem:$0x1D000] =	vst v63  }
0x63: {  	s24 =	sor.u32 $0x980, s2  }
0x64: {  	[spmem:s3] =	stream.indirect.scatter.add.f32 [tilespmem:s29], [sflag:$0x4], $0x80, s24, s26, $0xb8;
	[tilespmem:$0x1D000] =	vst v63  }
0x65: {  	_ =	swait.ge [sflag:s23], $0x4000  }
0x66: {  	[sflag:s23] =	ssyncset.done $0x0  }
0x67: {  	[sflag:s23] =	ssyncadd.s32 $0xFFFFC000  }
0x68: {  	_ =	swait.ge [sflag:s28], $0x4000  }
0x69: {  	[sflag:s28] =	ssyncset.done $0x0  }
0x6a: {  	s6 =	sor.u32 $0x280, s2;
	[sflag:s28] =	ssyncadd.s32 $0xFFFFC000  }
0x6b: {  	[tilespmem:s29], [sflag:$0x2] =	stream.indirect.gather [hbm4b:s1+s26], $0x80, s6, s26, $0xb8;
	[tilespmem:$0x1D000] =	vst v63  }
0x6c: {  	s7 =	sor.u32 $0xA00, s2  }
0x6d: {  	[spmem:s3] =	stream.indirect.scatter.add.f32 [tilespmem:s25], [sflag:$0x4], $0x80, s7, s26, $0xb8;
	[tilespmem:$0x1D000] =	vst v63  }
0x6e: {  	_ =	swait.ge [sflag:s23], $0x4000  }
0x6f: {  	[sflag:s23] =	ssyncset.done $0x0  }
0x70: {  	[sflag:s23] =	ssyncadd.s32 $0xFFFFC000  }
0x71: {  	_ =	swait.ge [sflag:s30], $0x4000  }
0x72: {  	[sflag:s30] =	ssyncset.done $0x0  }
0x73: {  	s9 =	sor.u32 $0x300, s2;
	[sflag:s30] =	ssyncadd.s32 $0xFFFFC000  }
0x74: {  	[tilespmem:s25], [sflag:$0x1] =	stream.indirect.gather [hbm4b:s1+s26], $0x80, s9, s26, $0xb8;
	[tilespmem:$0x1D000] =	vst v63  }
0x75: {  	s10 =	sor.u32 $0xA80, s2  }
0x76: {  	[spmem:s3] =	stream.indirect.scatter.add.f32 [tilespmem:s29], [sflag:$0x4], $0x80, s10, s26, $0xb8;
	[tilespmem:$0x1D000] =	vst v63  }
0x77: {  	_ =	swait.ge [sflag:s23], $0x4000  }
0x78: {  	[sflag:s23] =	ssyncset.done $0x0  }
0x79: {  	[sflag:s23] =	ssyncadd.s32 $0xFFFFC000  }
0x7a: {  	_ =	swait.ge [sflag:s28], $0x4000  }
0x7b: {  	[sflag:s28] =	ssyncset.done $0x0  }
0x7c: {  	s11 =	sor.u32 $0x380, s2;
	[sflag:s28] =	ssyncadd.s32 $0xFFFFC000  }
0x7d: {  	[tilespmem:s29], [sflag:$0x2] =	stream.indirect.gather [hbm4b:s1+s26], $0x80, s11, s26, $0xb8;
	[tilespmem:$0x1D000] =	vst v63  }
0x7e: {  	s2 =	sor.u32 $0xB00, s2  }
0x7f: {  	[spmem:s3] =	stream.indirect.scatter.add.f32 [tilespmem:s25], [sflag:$0x4], $0x80, s2, s26, $0xb8;
	[tilespmem:$0x1D000] =	vst v63  }
0x80: {  	_ =	swait.ge [sflag:s23], $0x4000  }
0x81: {  	[sflag:s23] =	ssyncset.done $0x0  }
0x82: {  	[sflag:s23] =	ssyncadd.s32 $0xFFFFC000  }
0x83: {  	_ =	swait.ge [sflag:s30], $0x4000  }
0x84: {  	[sflag:s30] =	ssyncset.done $0x0  }
0x85: {  	s2 =	simm.s32 @!p0 $0x3;
	[sflag:s30] =	ssyncadd.s32 $0xFFFFC000  }
0x86: {  	_ =	swait.ge @!p0 [sflag:s2], $0x400  }
0x87: {  	[sflag:s2] =	ssyncset.done @!p0 $0x0  }
0x88: {  	[sflag:s2] =	ssyncadd.s32 @!p0 $0xFFFFFC00  }
0x89: {  	_ =	swait.ge @!p0 [sflag:s2], $0x400  }
0x8a: {  	[sflag:s2] =	ssyncset.done @!p0 $0x0  }
0x8b: {  	s6 =	simm.s32 @!p0 $0x1000;
	[sflag:s2] =	ssyncadd.s32 @!p0 $0xFFFFFC00;
	s2 =	simm.s32 @!p0 $0x80  }
0x8c: {  	[tilespmem:s6], [sflag:$0x1] =	stream.indirect.gather @!p0 [hbm4b:s1+s2], $0x80, s0, s2, $0xb8;
	[tilespmem:$0x1D000] =	vst v63  }
0x8d: {  	s24 =	sor.u32 $0x800, s11  }
0x8e: {  	[spmem:s3] =	stream.indirect.scatter.add.f32 [tilespmem:s29], [sflag:$0x4], $0x80, s24, s26, $0xb8;
	[tilespmem:$0x1D000] =	vst v63  }
0x8f: {  	s5 =	simm.s32 $0x2;
	s2 =	simm.s32 $0x80;
	_ =	swait.ge [sflag:s23], $0x4000  }
0x90: {  	s0 =	simm.s32 $0x400;
	s24 =	simm.s32 $0x100;
	[sflag:s23] =	ssyncset.done $0x0  }
.LBB2_2:
0x91: {  	s7 =	rddreg [dreg:$0x4];
	[sflag:s23] =	ssyncadd.s32 $0xFFFFC000  }
0x92: {  	s6 =	sand.u32 $0x1, s5;
	p1 =	seq.s32 s2, $0x480;
	s10 =	rddreg [dreg:$0x5]  }
0x93: {  	s6 =	sshll.u32 @!p1 s6, $0xA;
	s7 =	sadd.s32 @!p1 s2, s7;
	s11 =	simm.s32 @!p1 $0x0  }
0x94: {  	[tilespmem:s6], [sflag:$0x3] =	stream.linear.gather @!p1 [hbm4b:s7+s11], $0x400, $0x38;
	[tilespmem:$0x1D000] =	vst v63  }
0x95: {  	s10 =	sadd.s32 @!p1 s2, s10;
	s7 =	sor.u32 @!p1 $0x800, s6  }
0x96: {  	[tilespmem:s7], [sflag:$0x3] =	stream.linear.gather @!p1 [hbm4b:s10+s11], $0x400, $0x38;
	[tilespmem:$0x1D000] =	vst v63  }
0x97: {  	_ =	swait.ge [sflag:s28], $0x4000  }
0x98: {  	s7 =	sand.u32 $0x400, s0;
	[sflag:s28] =	ssyncset.done $0x0  }
0x99: {  	s11 =	sor.u32 $0x80, s7;
	[sflag:s28] =	ssyncadd.s32 $0xFFFFC000  }
0x9a: {  	[tilespmem:s29], [sflag:$0x2] =	stream.indirect.gather [hbm4b:s1+s26], $0x80, s11, s26, $0xb8;
	[tilespmem:$0x1D000] =	vst v63  }
0x9b: {  	s10 =	sor.u32 $0x800, s7  }
0x9c: {  	[spmem:s3] =	stream.indirect.scatter.add.f32 [tilespmem:s25], [sflag:$0x4], $0x80, s10, s26, $0xb8;
	[tilespmem:$0x1D000] =	vst v63  }
0x9d: {  	_ =	swait.ge [sflag:s23], $0x4000  }
0x9e: {  	[sflag:s23] =	ssyncset.done $0x0  }
0x9f: {  	[sflag:s23] =	ssyncadd.s32 $0xFFFFC000  }
0xa0: {  	_ =	swait.ge [sflag:s30], $0x4000  }
0xa1: {  	[sflag:s30] =	ssyncset.done $0x0  }
0xa2: {  	s11 =	sor.u32 $0x100, s7;
	[sflag:s30] =	ssyncadd.s32 $0xFFFFC000  }
0xa3: {  	[tilespmem:s25], [sflag:$0x1] =	stream.indirect.gather [hbm4b:s1+s26], $0x80, s11, s26, $0xb8;
	[tilespmem:$0x1D000] =	vst v63  }
0xa4: {  	s10 =	sor.u32 $0x880, s7  }
0xa5: {  	[spmem:s3] =	stream.indirect.scatter.add.f32 [tilespmem:s29], [sflag:$0x4], $0x80, s10, s26, $0xb8;
	[tilespmem:$0x1D000] =	vst v63  }
0xa6: {  	_ =	swait.ge [sflag:s23], $0x4000  }
0xa7: {  	[sflag:s23] =	ssyncset.done $0x0  }
0xa8: {  	[sflag:s23] =	ssyncadd.s32 $0xFFFFC000  }
0xa9: {  	_ =	swait.ge [sflag:s28], $0x4000  }
0xaa: {  	[sflag:s28] =	ssyncset.done $0x0  }
0xab: {  	s11 =	sor.u32 $0x180, s7;
	[sflag:s28] =	ssyncadd.s32 $0xFFFFC000  }
0xac: {  	[tilespmem:s29], [sflag:$0x2] =	stream.indirect.gather [hbm4b:s1+s26], $0x80, s11, s26, $0xb8;
	[tilespmem:$0x1D000] =	vst v63  }
0xad: {  	s10 =	sor.u32 $0x900, s7  }
0xae: {  	[spmem:s3] =	stream.indirect.scatter.add.f32 [tilespmem:s25], [sflag:$0x4], $0x80, s10, s26, $0xb8;
	[tilespmem:$0x1D000] =	vst v63  }
0xaf: {  	_ =	swait.ge [sflag:s23], $0x4000  }
0xb0: {  	[sflag:s23] =	ssyncset.done $0x0  }
0xb1: {  	[sflag:s23] =	ssyncadd.s32 $0xFFFFC000  }
0xb2: {  	_ =	swait.ge [sflag:s30], $0x4000  }
0xb3: {  	[sflag:s30] =	ssyncset.done $0x0  }
0xb4: {  	s11 =	sor.u32 $0x200, s7;
	[sflag:s30] =	ssyncadd.s32 $0xFFFFC000  }
0xb5: {  	[tilespmem:s25], [sflag:$0x1] =	stream.indirect.gather [hbm4b:s1+s26], $0x80, s11, s26, $0xb8;
	[tilespmem:$0x1D000] =	vst v63  }
0xb6: {  	s10 =	sor.u32 $0x980, s7  }
0xb7: {  	[spmem:s3] =	stream.indirect.scatter.add.f32 [tilespmem:s29], [sflag:$0x4], $0x80, s10, s26, $0xb8;
	[tilespmem:$0x1D000] =	vst v63  }
0xb8: {  	_ =	swait.ge [sflag:s23], $0x4000  }
0xb9: {  	[sflag:s23] =	ssyncset.done $0x0  }
0xba: {  	[sflag:s23] =	ssyncadd.s32 $0xFFFFC000  }
0xbb: {  	_ =	swait.ge [sflag:s28], $0x4000  }
0xbc: {  	[sflag:s28] =	ssyncset.done $0x0  }
0xbd: {  	s11 =	sor.u32 $0x280, s7;
	[sflag:s28] =	ssyncadd.s32 $0xFFFFC000  }
0xbe: {  	[tilespmem:s29], [sflag:$0x2] =	stream.indirect.gather [hbm4b:s1+s26], $0x80, s11, s26, $0xb8;
	[tilespmem:$0x1D000] =	vst v63  }
0xbf: {  	s10 =	sor.u32 $0xA00, s7  }
0xc0: {  	[spmem:s3] =	stream.indirect.scatter.add.f32 [tilespmem:s25], [sflag:$0x4], $0x80, s10, s26, $0xb8;
	[tilespmem:$0x1D000] =	vst v63  }
0xc1: {  	_ =	swait.ge [sflag:s23], $0x4000  }
0xc2: {  	[sflag:s23] =	ssyncset.done $0x0  }
0xc3: {  	[sflag:s23] =	ssyncadd.s32 $0xFFFFC000  }
0xc4: {  	_ =	swait.ge [sflag:s30], $0x4000  }
0xc5: {  	[sflag:s30] =	ssyncset.done $0x0  }
0xc6: {  	s11 =	sor.u32 $0x300, s7;
	[sflag:s30] =	ssyncadd.s32 $0xFFFFC000  }
0xc7: {  	[tilespmem:s25], [sflag:$0x1] =	stream.indirect.gather [hbm4b:s1+s26], $0x80, s11, s26, $0xb8;
	[tilespmem:$0x1D000] =	vst v63  }
0xc8: {  	s10 =	sor.u32 $0xA80, s7  }
0xc9: {  	[spmem:s3] =	stream.indirect.scatter.add.f32 [tilespmem:s29], [sflag:$0x4], $0x80, s10, s26, $0xb8;
	[tilespmem:$0x1D000] =	vst v63  }
0xca: {  	_ =	swait.ge [sflag:s23], $0x4000  }
0xcb: {  	[sflag:s23] =	ssyncset.done $0x0  }
0xcc: {  	[sflag:s23] =	ssyncadd.s32 $0xFFFFC000  }
0xcd: {  	_ =	swait.ge [sflag:s28], $0x4000  }
0xce: {  	[sflag:s28] =	ssyncset.done $0x0  }
0xcf: {  	s11 =	sor.u32 $0x380, s7;
	[sflag:s28] =	ssyncadd.s32 $0xFFFFC000  }
0xd0: {  	[tilespmem:s29], [sflag:$0x2] =	stream.indirect.gather [hbm4b:s1+s26], $0x80, s11, s26, $0xb8;
	[tilespmem:$0x1D000] =	vst v63  }
0xd1: {  	s7 =	sor.u32 $0xB00, s7  }
0xd2: {  	[spmem:s3] =	stream.indirect.scatter.add.f32 [tilespmem:s25], [sflag:$0x4], $0x80, s7, s26, $0xb8;
	[tilespmem:$0x1D000] =	vst v63  }
0xd3: {  	_ =	swait.ge [sflag:s23], $0x4000  }
0xd4: {  	[sflag:s23] =	ssyncset.done $0x0  }
0xd5: {  	[sflag:s23] =	ssyncadd.s32 $0xFFFFC000  }
0xd6: {  	_ =	swait.ge [sflag:s30], $0x4000  }
0xd7: {  	[sflag:s30] =	ssyncset.done $0x0  }
0xd8: {  	s7 =	simm.s32 @!p1 $0x3;
	[sflag:s30] =	ssyncadd.s32 $0xFFFFC000  }
0xd9: {  	_ =	swait.ge @!p1 [sflag:s7], $0x400  }
0xda: {  	[sflag:s7] =	ssyncset.done @!p1 $0x0  }
0xdb: {  	[sflag:s7] =	ssyncadd.s32 @!p1 $0xFFFFFC00  }
0xdc: {  	s9 =	smov.u32 s24;
	s24 =	sadd.s32 $0x80, s24;
	_ =	swait.ge @!p1 [sflag:s7], $0x400  }
0xdd: {  	p0 =	sne.s32 s24, $0x500;
	[sflag:s7] =	ssyncset.done @!p1 $0x0  }
0xde: {  	s10 =	simm.s32 @!p1 $0x1000;
	[sflag:s7] =	ssyncadd.s32 @!p1 $0xFFFFFC00;
	s7 =	simm.s32 @!p1 $0x80  }
0xdf: {  	[tilespmem:s10], [sflag:$0x1] =	stream.indirect.gather @!p1 [hbm4b:s1+s7], $0x80, s6, s7, $0xb8;
	[tilespmem:$0x1D000] =	vst v63  }
.Ltmp0:
0xe0: {  	_ = 	snop;
	(pc) =	sbr.rel @p0 .LBB2_2-.Ltmp0, $4  }
0xe1: {  	s11 =	sor.u32 $0x800, s11  }
0xe2: {  	[spmem:s3] =	stream.indirect.scatter.add.f32 [tilespmem:s29], [sflag:$0x4], $0x80, s11, s26, $0xb8;
	[tilespmem:$0x1D000] =	vst v63  }
0xe3: {  	s5 =	sadd.s32 $0x1, s5;
	_ =	swait.ge [sflag:s23], $0x4000  }
0xe4: {  	s2 =	smov.u32 s9;
	s0 =	sadd.s32 $0x400, s0;
	[sflag:s23] =	ssyncset.done $0x0  }
0xe5: {  	s6 =	rddreg [dreg:$0x4];
	[sflag:s23] =	ssyncadd.s32 $0xFFFFC000  }
0xe6: {  	s5 =	sand.u32 $0x1, s5;
	p0 =	seq.s32 s2, $0x480;
	s7 =	rddreg [dreg:$0x5]  }
0xe7: {  	s5 =	sshll.u32 @!p0 s5, $0xA;
	s6 =	sadd.s32 @!p0 s2, s6;
	s9 =	simm.s32 @!p0 $0x0  }
0xe8: {  	[tilespmem:s5], [sflag:$0x3] =	stream.linear.gather @!p0 [hbm4b:s6+s9], $0x400, $0x38;
	[tilespmem:$0x1D000] =	vst v63  }
0xe9: {  	s2 =	sadd.s32 @!p0 s2, s7;
	s6 =	sor.u32 @!p0 $0x800, s5  }
0xea: {  	[tilespmem:s6], [sflag:$0x3] =	stream.linear.gather @!p0 [hbm4b:s2+s9], $0x400, $0x38;
	[tilespmem:$0x1D000] =	vst v63  }
0xeb: {  	_ =	swait.ge [sflag:s28], $0x4000  }
0xec: {  	s0 =	sand.u32 $0x400, s0;
	[sflag:s28] =	ssyncset.done $0x0  }
0xed: {  	s10 =	sor.u32 $0x80, s0;
	[sflag:s28] =	ssyncadd.s32 $0xFFFFC000  }
0xee: {  	[tilespmem:s29], [sflag:$0x2] =	stream.indirect.gather [hbm4b:s1+s26], $0x80, s10, s26, $0xb8;
	[tilespmem:$0x1D000] =	vst v63  }
0xef: {  	s11 =	sor.u32 $0x800, s0  }
0xf0: {  	[spmem:s3] =	stream.indirect.scatter.add.f32 [tilespmem:s25], [sflag:$0x4], $0x80, s11, s26, $0xb8;
	[tilespmem:$0x1D000] =	vst v63  }
0xf1: {  	_ =	swait.ge [sflag:s23], $0x4000  }
0xf2: {  	[sflag:s23] =	ssyncset.done $0x0  }
0xf3: {  	[sflag:s23] =	ssyncadd.s32 $0xFFFFC000  }
0xf4: {  	_ =	swait.ge [sflag:s30], $0x4000  }
0xf5: {  	[sflag:s30] =	ssyncset.done $0x0  }
0xf6: {  	s24 =	sor.u32 $0x100, s0;
	[sflag:s30] =	ssyncadd.s32 $0xFFFFC000  }
0xf7: {  	[tilespmem:s25], [sflag:$0x1] =	stream.indirect.gather [hbm4b:s1+s26], $0x80, s24, s26, $0xb8;
	[tilespmem:$0x1D000] =	vst v63  }
0xf8: {  	s6 =	sor.u32 $0x880, s0  }
0xf9: {  	[spmem:s3] =	stream.indirect.scatter.add.f32 [tilespmem:s29], [sflag:$0x4], $0x80, s6, s26, $0xb8;
	[tilespmem:$0x1D000] =	vst v63  }
0xfa: {  	_ =	swait.ge [sflag:s23], $0x4000  }
0xfb: {  	[sflag:s23] =	ssyncset.done $0x0  }
0xfc: {  	[sflag:s23] =	ssyncadd.s32 $0xFFFFC000  }
0xfd: {  	_ =	swait.ge [sflag:s28], $0x4000  }
0xfe: {  	[sflag:s28] =	ssyncset.done $0x0  }
0xff: {  	s7 =	sor.u32 $0x180, s0;
	[sflag:s28] =	ssyncadd.s32 $0xFFFFC000  }
0x100: {  	[tilespmem:s29], [sflag:$0x2] =	stream.indirect.gather [hbm4b:s1+s26], $0x80, s7, s26, $0xb8;
	[tilespmem:$0x1D000] =	vst v63  }
0x101: {  	s9 =	sor.u32 $0x900, s0  }
0x102: {  	[spmem:s3] =	stream.indirect.scatter.add.f32 [tilespmem:s25], [sflag:$0x4], $0x80, s9, s26, $0xb8;
	[tilespmem:$0x1D000] =	vst v63  }
0x103: {  	_ =	swait.ge [sflag:s23], $0x4000  }
0x104: {  	[sflag:s23] =	ssyncset.done $0x0  }
0x105: {  	[sflag:s23] =	ssyncadd.s32 $0xFFFFC000  }
0x106: {  	_ =	swait.ge [sflag:s30], $0x4000  }
0x107: {  	[sflag:s30] =	ssyncset.done $0x0  }
0x108: {  	s10 =	sor.u32 $0x200, s0;
	[sflag:s30] =	ssyncadd.s32 $0xFFFFC000  }
0x109: {  	[tilespmem:s25], [sflag:$0x1] =	stream.indirect.gather [hbm4b:s1+s26], $0x80, s10, s26, $0xb8;
	[tilespmem:$0x1D000] =	vst v63  }
0x10a: {  	s11 =	sor.u32 $0x980, s0  }
0x10b: {  	[spmem:s3] =	stream.indirect.scatter.add.f32 [tilespmem:s29], [sflag:$0x4], $0x80, s11, s26, $0xb8;
	[tilespmem:$0x1D000] =	vst v63  }
0x10c: {  	_ =	swait.ge [sflag:s23], $0x4000  }
0x10d: {  	[sflag:s23] =	ssyncset.done $0x0  }
0x10e: {  	[sflag:s23] =	ssyncadd.s32 $0xFFFFC000  }
0x10f: {  	_ =	swait.ge [sflag:s28], $0x4000  }
0x110: {  	[sflag:s28] =	ssyncset.done $0x0  }
0x111: {  	s24 =	sor.u32 $0x280, s0;
	[sflag:s28] =	ssyncadd.s32 $0xFFFFC000  }
0x112: {  	[tilespmem:s29], [sflag:$0x2] =	stream.indirect.gather [hbm4b:s1+s26], $0x80, s24, s26, $0xb8;
	[tilespmem:$0x1D000] =	vst v63  }
0x113: {  	s6 =	sor.u32 $0xA00, s0  }
0x114: {  	[spmem:s3] =	stream.indirect.scatter.add.f32 [tilespmem:s25], [sflag:$0x4], $0x80, s6, s26, $0xb8;
	[tilespmem:$0x1D000] =	vst v63  }
0x115: {  	_ =	swait.ge [sflag:s23], $0x4000  }
0x116: {  	[sflag:s23] =	ssyncset.done $0x0  }
0x117: {  	[sflag:s23] =	ssyncadd.s32 $0xFFFFC000  }
0x118: {  	_ =	swait.ge [sflag:s30], $0x4000  }
0x119: {  	[sflag:s30] =	ssyncset.done $0x0  }
0x11a: {  	s7 =	sor.u32 $0x300, s0;
	[sflag:s30] =	ssyncadd.s32 $0xFFFFC000  }
0x11b: {  	[tilespmem:s25], [sflag:$0x1] =	stream.indirect.gather [hbm4b:s1+s26], $0x80, s7, s26, $0xb8;
	[tilespmem:$0x1D000] =	vst v63  }
0x11c: {  	s9 =	sor.u32 $0xA80, s0  }
0x11d: {  	[spmem:s3] =	stream.indirect.scatter.add.f32 [tilespmem:s29], [sflag:$0x4], $0x80, s9, s26, $0xb8;
	[tilespmem:$0x1D000] =	vst v63  }
0x11e: {  	_ =	swait.ge [sflag:s23], $0x4000  }
0x11f: {  	[sflag:s23] =	ssyncset.done $0x0  }
0x120: {  	[sflag:s23] =	ssyncadd.s32 $0xFFFFC000  }
0x121: {  	_ =	swait.ge [sflag:s28], $0x4000  }
0x122: {  	[sflag:s28] =	ssyncset.done $0x0  }
0x123: {  	s10 =	sor.u32 $0x380, s0;
	[sflag:s28] =	ssyncadd.s32 $0xFFFFC000  }
0x124: {  	[tilespmem:s29], [sflag:$0x2] =	stream.indirect.gather [hbm4b:s1+s26], $0x80, s10, s26, $0xb8;
	[tilespmem:$0x1D000] =	vst v63  }
0x125: {  	s0 =	sor.u32 $0xB00, s0  }
0x126: {  	[spmem:s3] =	stream.indirect.scatter.add.f32 [tilespmem:s25], [sflag:$0x4], $0x80, s0, s26, $0xb8;
	[tilespmem:$0x1D000] =	vst v63  }
0x127: {  	_ =	swait.ge [sflag:s23], $0x4000  }
0x128: {  	[sflag:s23] =	ssyncset.done $0x0  }
0x129: {  	[sflag:s23] =	ssyncadd.s32 $0xFFFFC000  }
0x12a: {  	_ =	swait.ge [sflag:s30], $0x4000  }
0x12b: {  	[sflag:s30] =	ssyncset.done $0x0  }
0x12c: {  	s0 =	simm.s32 @!p0 $0x3;
	[sflag:s30] =	ssyncadd.s32 $0xFFFFC000  }
0x12d: {  	_ =	swait.ge @!p0 [sflag:s0], $0x400  }
0x12e: {  	[sflag:s0] =	ssyncset.done @!p0 $0x0  }
0x12f: {  	[sflag:s0] =	ssyncadd.s32 @!p0 $0xFFFFFC00  }
0x130: {  	_ =	swait.ge @!p0 [sflag:s0], $0x400  }
0x131: {  	[sflag:s0] =	ssyncset.done @!p0 $0x0  }
0x132: {  	s6 =	simm.s32 @!p0 $0x1000;
	[sflag:s0] =	ssyncadd.s32 @!p0 $0xFFFFFC00;
	s0 =	simm.s32 @!p0 $0x80  }
0x133: {  	[tilespmem:s6], [sflag:$0x1] =	stream.indirect.gather @!p0 [hbm4b:s1+s0], $0x80, s5, s0, $0xb8;
	[tilespmem:$0x1D000] =	vst v63  }
0x134: {  	s11 =	sor.u32 $0x800, s10  }
0x135: {  	[spmem:s3] =	stream.indirect.scatter.add.f32 [tilespmem:s29], [sflag:$0x4], $0x80, s11, s26, $0xb8;
	[tilespmem:$0x1D000] =	vst v63  }
0x136: {  	_ =	swait.ge [sflag:s23], $0x4000  }
0x137: {  	[sflag:s23] =	ssyncset.done $0x0  }
0x138: {  	[sflag:s23] =	ssyncadd.s32 $0xFFFFC000  }
0x139: {  	[bflag:$0x0] =	sbarrier.arrive $0xFFFF  }
0x13a: {  	[tilespmem:s25], [sflag:$0x4] =	stream.linear.gather [spmem:s8], $0x4000, $0x38;
	[tilespmem:$0x1D000] =	vst v63  }
0x13b: {  	_ =	swait.ge [sflag:s23], $0x4000  }
0x13c: {  	[sflag:s23] =	ssyncset.done $0x0  }
0x13d: {  	[sflag:s23] =	ssyncadd.s32 $0xFFFFC000  }
0x13e: {  	[hbm4b:s13+s4] =	stream.linear.scatter [tilespmem:s25], [sflag:$0x4], $0x4000, $0x38;
	[tilespmem:$0x1D000] =	vst v63  }
0x13f: {  	_ =	swait.ge [sflag:s23], $0x4000  }
0x140: {  	[sflag:s23] =	ssyncset.done $0x0  }
0x141: {  	[sflag:s23] =	ssyncadd.s32 $0xFFFFC000  }
0x142: {  	[tilespmem:s25], [sflag:$0x4] =	stream.linear.gather [spmem:s19], $0x4000, $0x38;
	[tilespmem:$0x1D000] =	vst v63  }
0x143: {  	_ =	swait.ge [sflag:s23], $0x4000  }
0x144: {  	[sflag:s23] =	ssyncset.done $0x0  }
0x145: {  	[sflag:s23] =	ssyncadd.s32 $0xFFFFC000  }
0x146: {  	[hbm4b:s14+s4] =	stream.linear.scatter [tilespmem:s25], [sflag:$0x4], $0x4000, $0x38;
	[tilespmem:$0x1D000] =	vst v63  }
0x147: {  	_ =	swait.ge [sflag:s23], $0x4000  }
0x148: {  	[sflag:s23] =	ssyncset.done $0x0  }
0x149: {  	[sflag:s23] =	ssyncadd.s32 $0xFFFFC000  }
0x14a: {  	[tilespmem:s25], [sflag:$0x4] =	stream.linear.gather [spmem:s20], $0x4000, $0x38;
	[tilespmem:$0x1D000] =	vst v63  }
0x14b: {  	_ =	swait.ge [sflag:s23], $0x4000  }
0x14c: {  	[sflag:s23] =	ssyncset.done $0x0  }
0x14d: {  	[sflag:s23] =	ssyncadd.s32 $0xFFFFC000  }
0x14e: {  	[hbm4b:s15+s4] =	stream.linear.scatter [tilespmem:s25], [sflag:$0x4], $0x4000, $0x38;
	[tilespmem:$0x1D000] =	vst v63  }
0x14f: {  	_ =	swait.ge [sflag:s23], $0x4000  }
0x150: {  	[sflag:s23] =	ssyncset.done $0x0  }
0x151: {  	[sflag:s23] =	ssyncadd.s32 $0xFFFFC000  }
0x152: {  	[tilespmem:s25], [sflag:$0x4] =	stream.linear.gather [spmem:s21], $0x4000, $0x38;
	[tilespmem:$0x1D000] =	vst v63  }
0x153: {  	_ =	swait.ge [sflag:s23], $0x4000  }
0x154: {  	[sflag:s23] =	ssyncset.done $0x0  }
0x155: {  	[sflag:s23] =	ssyncadd.s32 $0xFFFFC000  }
0x156: {  	[hbm4b:s16+s4] =	stream.linear.scatter [tilespmem:s25], [sflag:$0x4], $0x4000, $0x38;
	[tilespmem:$0x1D000] =	vst v63  }
0x157: {  	_ =	swait.ge [sflag:s23], $0x4000  }
0x158: {  	[sflag:s23] =	ssyncset.done $0x0  }
0x159: {  	[sflag:s23] =	ssyncadd.s32 $0xFFFFC000  }
0x15a: {  	[tilespmem:s25], [sflag:$0x4] =	stream.linear.gather [spmem:s22], $0x4000, $0x38;
	[tilespmem:$0x1D000] =	vst v63  }
0x15b: {  	_ =	swait.ge [sflag:s23], $0x4000  }
0x15c: {  	[sflag:s23] =	ssyncset.done $0x0  }
0x15d: {  	[sflag:s23] =	ssyncadd.s32 $0xFFFFC000  }
0x15e: {  	[hbm4b:s17+s4] =	stream.linear.scatter [tilespmem:s25], [sflag:$0x4], $0x4000, $0x38;
	[tilespmem:$0x1D000] =	vst v63  }
0x15f: {  	_ =	swait.ge [sflag:s23], $0x4000  }
0x160: {  	s31 =	sadd.s32 $0x1, s31;
	s24 =	rddreg [dreg:$0x9]  }
0x161: {  	p0 =	sne.s32 s31, s24  }
.Ltmp1:
0x162: {  	_ = 	snop;
	(pc) =	sbr.rel @p0 .LBB2_1-.Ltmp1, $3  }
0x163: {  	_ =	sdelay $0x1  }
0x164: {  	[sflag:s23] =	ssyncset.done $0x0  }
0x165: {  	[sflag:s23] =	ssyncadd.s32 $0xFFFFC000  }
0x166: {  	_ =	sfence.sel $0x180000  }
0x167: {  	[bflag:$0x0] =	sbarrier.arrive $0xFFFF  }
0x168: {  	_ =	strace $0x90000050  }
0x169: {  	s0 =	stileid.u32;
	[bflag:$0x2] =	sbarrier.arrive $0xFFFF  }
0x16a: {  	p0 =	sne.s32 s0, $0x0;
	s0 =	rddreg [dreg:$0x3]  }
0x16b: {  	s0 =	sadd.s32 @!p0 $0x100000, s0  }
0x16c: {  	[sflag:s0] =	ssyncadd.tile.s32 @!p0 $0x1;
	_ =	shalt  }
.Lfunc_end2:
_tile_overlayer_lowered:
.L_overlay_start_2:
0x16d: {  	(tag) =	ssettag $0x2  }
0x16e: {  	s0 =	rddreg [dreg:$0x0];
	s2 =	stileid.u32  }
0x16f: {  	s1 =	rddreg [dreg:$0x1];
	p0 =	sne.s32 s2, $0x0  }
0x170: {  	s3 =	rddreg [dreg:$0x2];
	[bflag:$0x3] =	sbarrier.arrive $0xFFFF;
	s2 =	simm.s32 @!p0 $0x1C04  }
0x171: {  	[timem:s3], [sflag:s2] =	dma.local @!p0 [hbm:s0], s1  }
0x172: {  	s0 =	simm.s32 @!p0 $0x4  }
0x173: {  	_ =	swait.ge @!p0 [sflag:s0], s1  }
0x174: {  	s1 =	ssub.s32 @!p0 $0x0, s1;
	[sflag:s0] =	ssyncset.done @!p0 $0x0  }
0x175: {  	[sflag:s0] =	ssyncadd.s32 @!p0 s1  }
0x176: {  	[bflag:$0x3] =	sbarrier.arrive $0xFFFF  }
0x177: {  	_ =	shalt  }

</sc_bundles>
